<compile_context>
chip_gen: v7x
topology: tpu7x:2x2x1
jax: 0.10.2.dev20260603
libtpu: 0.0.44.dev20260713+nightly
codegen_flags: <defaults>
</compile_context>

<pallas_src>
import functools

import jax
import jax.numpy as jnp
from jax import lax
from jax.experimental import pallas as pl
from jax.experimental.pallas import tpu as pltpu
from jax.experimental.pallas import tpu_sc as plsc

_N = 10000
_M = 5000
_E = 320000
_HID = 128
_NP = 10112
_RPT = _NP // 16
_CH = 128
_EPAD = 327680
_EPW = _EPAD // 32
_NCHUNK = _EPW // _CH
_MPAD = 5120
_NBLK = _NP // 128
_MBLK = _MPAD // 128

_f32 = jnp.float32



_sc_mesh = plsc.VectorSubcoreMesh(core_axis_name="c", subcore_axis_name="s")


def _edge_body(src_hbm, dst_hbm, p_hbm, q_hbm, z_hbm,
               acc_out,
               idx_sA, idx_dA, idx_sB, idx_dB, pbuf, qbuf,
               semg, sems, acc_sh):
    cid = lax.axis_index("c")
    sid = lax.axis_index("s")
    wid = cid * 16 + sid
    r0 = sid * _RPT
    pltpu.sync_copy(z_hbm.at[pl.ds(r0, _RPT)], acc_sh.at[pl.ds(r0, _RPT)])
    plsc.subcore_barrier()
    e0 = wid * _EPW

    idxA = (idx_sA, idx_dA)
    idxB = (idx_sB, idx_dB)

    def load_idx(t, pair):
        base = e0 + t * _CH
        pltpu.sync_copy(src_hbm.at[pl.ds(base, _CH)], pair[0])
        pltpu.sync_copy(dst_hbm.at[pl.ds(base, _CH)], pair[1])

    def phase(t, first, cur, nxt):
        ib, db = cur
        pltpu.async_copy(q_hbm.at[ib], qbuf, semg)

        @pl.when(jnp.logical_not(first))
        def _():
            pltpu.make_async_copy(pbuf, acc_sh.at[nxt[1]], sems).wait()

        pltpu.async_copy(p_hbm.at[db], pbuf, semg)

        @pl.when(t + 1 < _NCHUNK)
        def _():
            load_idx(t + 1, nxt)

        pltpu.make_async_copy(q_hbm.at[ib], qbuf, semg).wait()
        pltpu.make_async_copy(p_hbm.at[db], pbuf, semg).wait()

        def row_body(i, c2):
            for j in range(8):
                sl = pl.ds(j * 16, 16)
                pbuf[i, sl] = jnp.maximum(pbuf[i, sl] + qbuf[i, sl], 0.0)
            return c2

        lax.fori_loop(0, _CH, row_body, 0)
        pltpu.async_copy(pbuf, acc_sh.at[db], sems, add=True)

    load_idx(0, idxA)

    def pair_body(u, carry):
        phase(2 * u, u == 0, idxA, idxB)
        phase(2 * u + 1, jnp.asarray(False), idxB, idxA)
        return carry

    lax.fori_loop(0, _NCHUNK // 2, pair_body, 0)
    pltpu.make_async_copy(pbuf, acc_sh.at[idx_dB], sems).wait()
    plsc.subcore_barrier()
    pltpu.sync_copy(acc_sh.at[pl.ds(r0, _RPT)], acc_out.at[cid, pl.ds(r0, _RPT)])


_edge_sc = functools.partial(
    pl.kernel,
    out_type=[jax.ShapeDtypeStruct((2, _NP, _HID), _f32)],
    mesh=_sc_mesh,
    scratch_types=[
        pltpu.VMEM((_CH,), jnp.int32),
        pltpu.VMEM((_CH,), jnp.int32),
        pltpu.VMEM((_CH,), jnp.int32),
        pltpu.VMEM((_CH,), jnp.int32),
        pltpu.VMEM((_CH, _HID), _f32),
        pltpu.VMEM((_CH, _HID), _f32),
        pltpu.SemaphoreType.DMA,
        pltpu.SemaphoreType.DMA,
        pltpu.VMEM_SHARED((_NP, _HID), _f32),
    ],
)(_edge_body)


def _count_body(dst_hbm, z_hbm, ones_hbm,
                cnt_out,
                idx_dA, idx_dB, ones_v, sems, cnt_sh):
    cid = lax.axis_index("c")
    sid = lax.axis_index("s")
    wid = cid * 16 + sid
    r0 = sid * _RPT
    pltpu.sync_copy(z_hbm.at[pl.ds(r0, _RPT)], cnt_sh.at[pl.ds(r0, _RPT)])
    pltpu.sync_copy(ones_hbm, ones_v)
    plsc.subcore_barrier()
    e0 = wid * _EPW

    def load_idx(t, ib):
        pltpu.sync_copy(dst_hbm.at[pl.ds(e0 + t * _CH, _CH)], ib)

    def phase(t, first, ib, nb):
        @pl.when(jnp.logical_not(first))
        def _():
            pltpu.make_async_copy(ones_v, cnt_sh.at[nb], sems).wait()

        @pl.when(t + 1 < _NCHUNK)
        def _():
            load_idx(t + 1, nb)

        pltpu.async_copy(ones_v, cnt_sh.at[ib], sems, add=True)

    load_idx(0, idx_dA)

    def pair_body(u, carry):
        phase(2 * u, u == 0, idx_dA, idx_dB)
        phase(2 * u + 1, jnp.asarray(False), idx_dB, idx_dA)
        return carry

    lax.fori_loop(0, _NCHUNK // 2, pair_body, 0)
    pltpu.make_async_copy(ones_v, cnt_sh.at[idx_dB], sems).wait()
    plsc.subcore_barrier()
    pltpu.sync_copy(cnt_sh.at[pl.ds(r0, _RPT)], cnt_out.at[cid, pl.ds(r0, _RPT)])


_count_sc = functools.partial(
    pl.kernel,
    out_type=[jax.ShapeDtypeStruct((2, _NP, _HID), _f32)],
    mesh=_sc_mesh,
    scratch_types=[
        pltpu.VMEM((_CH,), jnp.int32),
        pltpu.VMEM((_CH,), jnp.int32),
        pltpu.VMEM((_CH, _HID), _f32),
        pltpu.SemaphoreType.DMA,
        pltpu.VMEM_SHARED((_NP, _HID), _f32),
    ],
)(_count_body)



def _pre_body(x_ref, wa_ref, ba_ref, p_ref, q_ref):
    wtop = wa_ref[0:_HID, :]
    wbot = wa_ref[_HID:2 * _HID, :]
    xb = x_ref[...]
    q_ref[...] = jnp.dot(xb, wbot, preferred_element_type=_f32)
    p_ref[...] = jnp.dot(xb, wtop - wbot, preferred_element_type=_f32) + ba_ref[...]


_pre_tc = pl.pallas_call(
    _pre_body,
    grid=(_NBLK,),
    in_specs=[pl.BlockSpec((128, _HID), lambda i: (i, 0)),
              pl.BlockSpec((2 * _HID, _HID), lambda i: (0, 0)),
              pl.BlockSpec((1, _HID), lambda i: (0, 0))],
    out_specs=[pl.BlockSpec((128, _HID), lambda i: (i, 0)),
               pl.BlockSpec((128, _HID), lambda i: (i, 0))],
    out_shape=[jax.ShapeDtypeStruct((_NP, _HID), _f32),
               jax.ShapeDtypeStruct((_NP, _HID), _f32)],
)


def _cnt_cols(cnt_ref):
    c0 = jnp.max(cnt_ref[0], axis=1, keepdims=True)
    c1 = jnp.max(cnt_ref[1], axis=1, keepdims=True)
    return c0 + c1


def _mid_body(acc_ref, cnt_ref, w1b_ref, b1b_ref, w2a_ref, b2a_ref,
              p2_ref, q2_ref):
    c = _cnt_cols(cnt_ref)
    mean = (acc_ref[0] + acc_ref[1]) / jnp.maximum(c, 1.0)
    h1 = (jnp.dot(mean, w1b_ref[...], preferred_element_type=_f32)
          + b1b_ref[...] * jnp.minimum(c, 1.0))
    wtop = w2a_ref[0:_HID, :]
    wbot = w2a_ref[_HID:2 * _HID, :]
    q2_ref[...] = jnp.dot(h1, wbot, preferred_element_type=_f32)
    p2_ref[...] = jnp.dot(h1, wtop - wbot, preferred_element_type=_f32) + b2a_ref[...]


_mid_tc = pl.pallas_call(
    _mid_body,
    grid=(_NBLK,),
    in_specs=[pl.BlockSpec((2, 128, _HID), lambda i: (0, i, 0)),
              pl.BlockSpec((2, 128, _HID), lambda i: (0, i, 0)),
              pl.BlockSpec((_HID, _HID), lambda i: (0, 0)),
              pl.BlockSpec((1, _HID), lambda i: (0, 0)),
              pl.BlockSpec((2 * _HID, _HID), lambda i: (0, 0)),
              pl.BlockSpec((1, _HID), lambda i: (0, 0))],
    out_specs=[pl.BlockSpec((128, _HID), lambda i: (i, 0)),
               pl.BlockSpec((128, _HID), lambda i: (i, 0))],
    out_shape=[jax.ShapeDtypeStruct((_NP, _HID), _f32),
               jax.ShapeDtypeStruct((_NP, _HID), _f32)],
)


def _head_body(acc_ref, cnt_ref, w2b_ref, b2b_ref, wh_ref, bh_ref,
               wbd_ref, bc_ref, o_ref):
    c = _cnt_cols(cnt_ref)
    mean = (acc_ref[0] + acc_ref[1]) / jnp.maximum(c, 1.0)
    hq = (jnp.dot(mean, w2b_ref[...], preferred_element_type=_f32)
          + b2b_ref[...] * jnp.minimum(c, 1.0))
    t = jnp.maximum(jnp.dot(hq, wh_ref[...], preferred_element_type=_f32)
                    + bh_ref[...], 0.0)
    z = jnp.dot(t, wbd_ref[...], preferred_element_type=_f32) + bc_ref[...]
    lanes = lax.broadcasted_iota(jnp.int32, (128, 128), 1)
    o_ref[...] = jnp.where((lanes >= 68) & (lanes < 79), jax.nn.sigmoid(z), z)


_head_tc = pl.pallas_call(
    _head_body,
    grid=(_MBLK,),
    in_specs=[pl.BlockSpec((2, 128, _HID), lambda i: (0, i, 0)),
              pl.BlockSpec((2, 128, _HID), lambda i: (0, i, 0)),
              pl.BlockSpec((_HID, _HID), lambda i: (0, 0)),
              pl.BlockSpec((1, _HID), lambda i: (0, 0)),
              pl.BlockSpec((_HID, 4 * _HID), lambda i: (0, 0)),
              pl.BlockSpec((1, 4 * _HID), lambda i: (0, 0)),
              pl.BlockSpec((4 * _HID, 128), lambda i: (0, 0)),
              pl.BlockSpec((1, 128), lambda i: (0, 0))],
    out_specs=pl.BlockSpec((128, 128), lambda i: (i, 0)),
    out_shape=jax.ShapeDtypeStruct((_MPAD, 128), _f32),
)



def kernel(x, edge_index, W1a, b1a, W1b, b1b, W2a, b2a, W2b, b2b,
           Wf1, bf1, Wf2, bf2, Ws1, bs1, Ws2, bs2,
           Wo1, bo1, Wo2, bo2, Wm1, bm1, Wm2, bm2):
    src = edge_index[0].astype(jnp.int32)
    dst = edge_index[1].astype(jnp.int32)
    pad_i = jnp.arange(_EPAD - _E, dtype=jnp.int32) % (_NP - _N)
    src_p = jnp.concatenate([src, _N + pad_i])
    dst_p = jnp.concatenate([dst, _N + (_NP - _N - 1) - pad_i])
    xp = jnp.pad(x.astype(_f32), ((0, _NP - _N), (0, 0)))
    z_nd = jnp.zeros((_NP, _HID), _f32)
    ones_ch = jnp.ones((_CH, _HID), _f32)

    (cnt,) = _count_sc(dst_p, z_nd, ones_ch)
    p1, q1 = _pre_tc(xp, W1a, b1a.reshape(1, -1))
    (acc1,) = _edge_sc(src_p, dst_p, p1, q1, z_nd)
    p2, q2 = _mid_tc(acc1, cnt, W1b, b1b.reshape(1, -1), W2a, b2a.reshape(1, -1))
    (acc2,) = _edge_sc(src_p, dst_p, p2, q2, z_nd)

    wh = jnp.concatenate([Wf1, Ws1, Wo1, Wm1], axis=1)
    bh = jnp.concatenate([bf1, bs1, bo1, bm1]).reshape(1, -1)
    wbd = jnp.zeros((4 * _HID, 128), _f32)
    wbd = wbd.at[0:128, 0:32].set(Wf2)
    wbd = wbd.at[128:256, 32:38].set(Ws2)
    wbd = wbd.at[256:384, 38:68].set(Wo2)
    wbd = wbd.at[384:512, 68:79].set(Wm2)
    bc = jnp.zeros((128,), _f32)
    bc = bc.at[0:32].set(bf2).at[32:38].set(bs2).at[38:68].set(bo2).at[68:79].set(bm2)

    out = _head_tc(acc2, cnt, W2b, b2b.reshape(1, -1), wh, bh, wbd,
                   bc.reshape(1, -1))
    return out[:_M, :79]

# --- scband reference (transcript-rebuilt; emitter-appended) ---
"""Pipeline reference for scband-pyginpaintor-3530463118057 (READ-ONLY COPY).

The authoritative reference and input builder live on the scoring server;
editing this copy changes nothing except your own understanding.
"""

import jax, jax.numpy as jnp
import numpy as np

N = 10000
M = 5000
E = 320000
IN_DIM = 128
HID = 128
D = 32
K = 10


def setup_inputs(seed: int = 0) -> dict:
    key = jax.random.key(seed)
    ks = jax.random.split(key, 30)
    x = jax.random.normal(ks[0], (N, IN_DIM), dtype=jnp.float32)
    edge_index = jax.random.randint(ks[1], (2, E), 0, N, dtype=jnp.int32)
    s = 0.05
    inp = {
        'x': x,
        'edge_index': edge_index,
        # conv1 EdgeConv mlp([2*in_dim, hid, hid])
        'W1a': jax.random.normal(ks[2], (2 * IN_DIM, HID), dtype=jnp.float32) * s,
        'b1a': jnp.zeros((HID,), dtype=jnp.float32),
        'W1b': jax.random.normal(ks[3], (HID, HID), dtype=jnp.float32) * s,
        'b1b': jnp.zeros((HID,), dtype=jnp.float32),
        # conv2 EdgeConv mlp([2*hid, hid, hid])
        'W2a': jax.random.normal(ks[4], (2 * HID, HID), dtype=jnp.float32) * s,
        'b2a': jnp.zeros((HID,), dtype=jnp.float32),
        'W2b': jax.random.normal(ks[5], (HID, HID), dtype=jnp.float32) * s,
        'b2b': jnp.zeros((HID,), dtype=jnp.float32),
        # head_feat mlp([hid, hid, D])
        'Wf1': jax.random.normal(ks[6], (HID, HID), dtype=jnp.float32) * s,
        'bf1': jnp.zeros((HID,), dtype=jnp.float32),
        'Wf2': jax.random.normal(ks[7], (HID, D), dtype=jnp.float32) * s,
        'bf2': jnp.zeros((D,), dtype=jnp.float32),
        # head_scale mlp([hid, hid, 6])
        'Ws1': jax.random.normal(ks[8], (HID, HID), dtype=jnp.float32) * s,
        'bs1': jnp.zeros((HID,), dtype=jnp.float32),
        'Ws2': jax.random.normal(ks[9], (HID, 6), dtype=jnp.float32) * s,
        'bs2': jnp.zeros((6,), dtype=jnp.float32),
        # head_offsets mlp([hid, hid, 3K])
        'Wo1': jax.random.normal(ks[10], (HID, HID), dtype=jnp.float32) * s,
        'bo1': jnp.zeros((HID,), dtype=jnp.float32),
        'Wo2': jax.random.normal(ks[11], (HID, 3 * K), dtype=jnp.float32) * s,
        'bo2': jnp.zeros((3 * K,), dtype=jnp.float32),
        # head_mask mlp([hid, hid, K+1])
        'Wm1': jax.random.normal(ks[12], (HID, HID), dtype=jnp.float32) * s,
        'bm1': jnp.zeros((HID,), dtype=jnp.float32),
        'Wm2': jax.random.normal(ks[13], (HID, K + 1), dtype=jnp.float32) * s,
        'bm2': jnp.zeros((K + 1,), dtype=jnp.float32),
    }
    return inp


def _edgeconv(xfeat, src, dst, Wa, ba, Wb, bb):
    # PyG EdgeConv with aggr='mean': h_ij = mlp([x_i, x_j - x_i]), mean over incoming edges of node i (dst)
    xj = jnp.take(xfeat, src, axis=0)
    xi = jnp.take(xfeat, dst, axis=0)
    e = jnp.concatenate([xi, xj - xi], axis=-1)
    h = jnp.maximum(e @ Wa + ba, 0.0) @ Wb + bb
    ssum = jax.ops.segment_sum(h, dst, num_segments=N)
    cnt = jax.ops.segment_sum(jnp.ones((src.shape[0], 1), h.dtype), dst, num_segments=N)
    return ssum / jnp.maximum(cnt, 1.0)


def _head(z, W1, b1, W2, b2):
    return jnp.maximum(z @ W1 + b1, 0.0) @ W2 + b2


def reference(x, edge_index, W1a, b1a, W1b, b1b, W2a, b2a, W2b, b2b,
              Wf1, bf1, Wf2, bf2, Ws1, bs1, Ws2, bs2,
              Wo1, bo1, Wo2, bo2, Wm1, bm1, Wm2, bm2):
    src = edge_index[0]
    dst = edge_index[1]
    h1 = _edgeconv(x, src, dst, W1a, b1a, W1b, b1b)
    h2 = _edgeconv(h1, src, dst, W2a, b2a, W2b, b2b)
    hq = h2[:M]  # query nodes are first M in node ordering [query, known]
    d_feat = _head(hq, Wf1, bf1, Wf2, bf2)
    d_scale = _head(hq, Ws1, bs1, Ws2, bs2)
    d_off = _head(hq, Wo1, bo1, Wo2, bo2)
    d_mask = jax.nn.sigmoid(_head(hq, Wm1, bm1, Wm2, bm2))
    return jnp.concatenate([d_feat, d_scale, d_off, d_mask], axis=-1)

if __name__ == "__main__":
    import jax
    _d = setup_inputs()
    print(jax.jit(kernel)(*tuple(_d.values())))

</pallas_src>

<mosaic_0001>
#map = affine_map<(d0, d1) -> (0)>
#map1 = affine_map<(d0, d1) -> (0, 0)>
#map2 = affine_map<(d0, d1) -> (0, 0, 0)>
module attributes {stable_mosaic.version = 14 : i64} {
  func.func @_edge_body(%arg0: i32, %arg1: i32, %arg2: memref<327680xi32, #tpu.memory_space<hbm>>, %arg3: memref<327680xi32, #tpu.memory_space<hbm>>, %arg4: memref<10112x128xf32, #tpu.memory_space<hbm>>, %arg5: memref<10112x128xf32, #tpu.memory_space<hbm>>, %arg6: memref<10112x128xf32, #tpu.memory_space<hbm>>, %arg7: memref<2x10112x128xf32, #tpu.memory_space<hbm>>, %arg8: memref<128xi32, #tpu.memory_space<vmem>>, %arg9: memref<128xi32, #tpu.memory_space<vmem>>, %arg10: memref<128xi32, #tpu.memory_space<vmem>>, %arg11: memref<128xi32, #tpu.memory_space<vmem>>, %arg12: memref<128x128xf32, #tpu.memory_space<vmem>>, %arg13: memref<128x128xf32, #tpu.memory_space<vmem>>, %arg14: memref<!tpu.dma_semaphore, #tpu.memory_space<semaphore_mem>>, %arg15: memref<!tpu.dma_semaphore, #tpu.memory_space<semaphore_mem>>, %arg16: memref<10112x128xf32, #tpu.memory_space<vmem_shared>>) attributes {dimension_semantics = [#tpu.dimension_semantics<core_parallel>, #tpu.dimension_semantics<subcore_parallel>], iteration_bounds = array<i64: 2, 16>, scalar_prefetch = 0 : i64, scratch_operands = 9 : i64, tpu.core_type = #tpu.core_type<sc_vector_subcore>, window_params = [{transform_indices = #map}, {transform_indices = #map}, {transform_indices = #map1}, {transform_indices = #map1}, {transform_indices = #map1}, {transform_indices = #map2}]} {
    %mul3A = arith.constant 16 : i32
    %mul3A_0 = arith.muli %arg0, %mul3A : i32
    %add3A = arith.addi %mul3A_0, %arg1 : i32
    %mul3A_1 = arith.constant 632 : i32
    %mul3A_2 = arith.muli %arg1, %mul3A_1 : i32
    "tpu.region"() ({
      %run_scoped3A = tpu.sem_alloc : memref<!tpu.dma_semaphore, #tpu.memory_space<semaphore_mem>>
      %dma_start3A = arith.constant 0 : i32
      %dma_start3A_15 = tpu.memref_slice %arg16[%mul3A_2, %dma_start3A] : memref<10112x128xf32, #tpu.memory_space<vmem_shared>> -> memref<632x128xf32, #tpu.memory_space<vmem_shared>>
      %dma_start3A_16 = arith.constant 0 : i32
      %dma_start3A_17 = tpu.memref_slice %arg6[%mul3A_2, %dma_start3A_16] : memref<10112x128xf32, #tpu.memory_space<hbm>> -> memref<632x128xf32, #tpu.memory_space<hbm>>
      tpu.enqueue_dma source(%dma_start3A_17 : memref<632x128xf32, #tpu.memory_space<hbm>>) target(%dma_start3A_15 : memref<632x128xf32, #tpu.memory_space<vmem_shared>>) target_semaphore(%run_scoped3A : memref<!tpu.dma_semaphore, #tpu.memory_space<semaphore_mem>>)
      %dma_wait3A_18 = arith.constant 0 : i32
      %dma_wait3A_19 = tpu.memref_slice %arg16[%mul3A_2, %dma_wait3A_18] : memref<10112x128xf32, #tpu.memory_space<vmem_shared>> -> memref<632x128xf32, #tpu.memory_space<vmem_shared>>
      %dma_wait3A_20 = arith.constant 0 : i32
      %dma_wait3A_21 = tpu.memref_slice %arg6[%mul3A_2, %dma_wait3A_20] : memref<10112x128xf32, #tpu.memory_space<hbm>> -> memref<632x128xf32, #tpu.memory_space<hbm>>
      tpu.wait_dma2 semaphore(%run_scoped3A : memref<!tpu.dma_semaphore, #tpu.memory_space<semaphore_mem>>) src(%dma_wait3A_21 : memref<632x128xf32, #tpu.memory_space<hbm>>) dst(%dma_wait3A_19 : memref<632x128xf32, #tpu.memory_space<vmem_shared>>)
      tpu.yield
    }) : () -> ()
    %barrier3A = arith.constant 0 : index
    tpu.barrier barrier_id(%barrier3A)
    %mul3A_3 = arith.constant 10240 : i32
    %mul3A_4 = arith.muli %add3A, %mul3A_3 : i32
    %add3A_5 = arith.constant 0 : i32
    %add3A_6 = arith.addi %mul3A_4, %add3A_5 : i32
    "tpu.region"() ({
      %run_scoped3A = tpu.sem_alloc : memref<!tpu.dma_semaphore, #tpu.memory_space<semaphore_mem>>
      %dma_start3A = tpu.memref_slice %arg2[%add3A_6] : memref<327680xi32, #tpu.memory_space<hbm>> -> memref<128xi32, #tpu.memory_space<hbm>>
      %dma_start3A_15 = tpu.memref_slice %arg2[%add3A_6] : memref<327680xi32, #tpu.memory_space<hbm>> -> memref<128xi32, #tpu.memory_space<hbm>>
      tpu.enqueue_dma source(%dma_start3A_15 : memref<128xi32, #tpu.memory_space<hbm>>) target(%arg8 : memref<128xi32, #tpu.memory_space<vmem>>) target_semaphore(%run_scoped3A : memref<!tpu.dma_semaphore, #tpu.memory_space<semaphore_mem>>)
      %dma_wait3A_16 = tpu.memref_slice %arg2[%add3A_6] : memref<327680xi32, #tpu.memory_space<hbm>> -> memref<128xi32, #tpu.memory_space<hbm>>
      %dma_wait3A_17 = tpu.memref_slice %arg2[%add3A_6] : memref<327680xi32, #tpu.memory_space<hbm>> -> memref<128xi32, #tpu.memory_space<hbm>>
      tpu.wait_dma2 semaphore(%run_scoped3A : memref<!tpu.dma_semaphore, #tpu.memory_space<semaphore_mem>>) src(%dma_wait3A_17 : memref<128xi32, #tpu.memory_space<hbm>>) dst(%arg8 : memref<128xi32, #tpu.memory_space<vmem>>)
      tpu.yield
    }) : () -> ()
    "tpu.region"() ({
      %run_scoped3A = tpu.sem_alloc : memref<!tpu.dma_semaphore, #tpu.memory_space<semaphore_mem>>
      %dma_start3A = tpu.memref_slice %arg3[%add3A_6] : memref<327680xi32, #tpu.memory_space<hbm>> -> memref<128xi32, #tpu.memory_space<hbm>>
      %dma_start3A_15 = tpu.memref_slice %arg3[%add3A_6] : memref<327680xi32, #tpu.memory_space<hbm>> -> memref<128xi32, #tpu.memory_space<hbm>>
      tpu.enqueue_dma source(%dma_start3A_15 : memref<128xi32, #tpu.memory_space<hbm>>) target(%arg9 : memref<128xi32, #tpu.memory_space<vmem>>) target_semaphore(%run_scoped3A : memref<!tpu.dma_semaphore, #tpu.memory_space<semaphore_mem>>)
      %dma_wait3A_16 = tpu.memref_slice %arg3[%add3A_6] : memref<327680xi32, #tpu.memory_space<hbm>> -> memref<128xi32, #tpu.memory_space<hbm>>
      %dma_wait3A_17 = tpu.memref_slice %arg3[%add3A_6] : memref<327680xi32, #tpu.memory_space<hbm>> -> memref<128xi32, #tpu.memory_space<hbm>>
      tpu.wait_dma2 semaphore(%run_scoped3A : memref<!tpu.dma_semaphore, #tpu.memory_space<semaphore_mem>>) src(%dma_wait3A_17 : memref<128xi32, #tpu.memory_space<hbm>>) dst(%arg9 : memref<128xi32, #tpu.memory_space<vmem>>)
      tpu.yield
    }) : () -> ()
    %scan3A = arith.constant 0 : i32
    %scan3A_7 = arith.constant 0 : i32
    %scan3A_8 = arith.constant 40 : i32
    %scan3A_9 = arith.addi %scan3A_7, %scan3A_8 : i32
    %scan3A_10 = arith.constant 1 : i32
    scf.for %scan3A_15 = %scan3A_7 to %scan3A_9 step %scan3A_10  : i32 {
      %mul3A_16 = arith.constant 2 : i32
      %mul3A_17 = arith.muli %mul3A_16, %scan3A_15 : i32
      %eq3A = arith.constant 0 : i32
      %eq3A_18 = arith.cmpi eq, %scan3A_15, %eq3A : i32
      %dma_start3A = arith.constant 0 : i32
      %dma_start3A_19 = arith.constant 0 : i32
      %dma_start3A_20 = tpu.memref_slice %arg5[%dma_start3A, %dma_start3A_19] : memref<10112x128xf32, #tpu.memory_space<hbm>> -> memref<10112x128xf32, #tpu.memory_space<hbm>>
      tpu.enqueue_indirect_dma source(%dma_start3A_20 : memref<10112x128xf32, #tpu.memory_space<hbm>>) target(%arg13 : memref<128x128xf32, #tpu.memory_space<vmem>>) offsets(%arg8 : memref<128xi32, #tpu.memory_space<vmem>>) semaphore(%arg14 : memref<!tpu.dma_semaphore, #tpu.memory_space<semaphore_mem>>)
      %not3A = arith.constant true
      %not3A_21 = arith.xori %eq3A_18, %not3A : i1
      %convert_element_type3A = arith.extui %not3A_21 : i1 to i32
      %cond3A = arith.constant 0 : i32
      %cond3A_22 = arith.cmpi ne, %convert_element_type3A, %cond3A : i32
      scf.if %cond3A_22 {
        %dma_wait3A_85 = arith.constant 0 : i32
        %dma_wait3A_86 = arith.constant 0 : i32
        %dma_wait3A_87 = tpu.memref_slice %arg16[%dma_wait3A_85, %dma_wait3A_86] : memref<10112x128xf32, #tpu.memory_space<vmem_shared>> -> memref<10112x128xf32, #tpu.memory_space<vmem_shared>>
        tpu.wait_indirect_dma semaphore(%arg15 : memref<!tpu.dma_semaphore, #tpu.memory_space<semaphore_mem>>) src(%arg12 : memref<128x128xf32, #tpu.memory_space<vmem>>) dst(%dma_wait3A_87 : memref<10112x128xf32, #tpu.memory_space<vmem_shared>>)
      } else {
      }
      %dma_start3A_23 = arith.constant 0 : i32
      %dma_start3A_24 = arith.constant 0 : i32
      %dma_start3A_25 = tpu.memref_slice %arg4[%dma_start3A_23, %dma_start3A_24] : memref<10112x128xf32, #tpu.memory_space<hbm>> -> memref<10112x128xf32, #tpu.memory_space<hbm>>
      tpu.enqueue_indirect_dma source(%dma_start3A_25 : memref<10112x128xf32, #tpu.memory_space<hbm>>) target(%arg12 : memref<128x128xf32, #tpu.memory_space<vmem>>) offsets(%arg9 : memref<128xi32, #tpu.memory_space<vmem>>) semaphore(%arg14 : memref<!tpu.dma_semaphore, #tpu.memory_space<semaphore_mem>>)
      %add3A_26 = arith.constant 1 : i32
      %add3A_27 = arith.addi %mul3A_17, %add3A_26 : i32
      %lt3A = arith.constant 80 : i32
      %lt3A_28 = arith.cmpi slt, %add3A_27, %lt3A : i32
      %convert_element_type3A_29 = arith.extui %lt3A_28 : i1 to i32
      %cond3A_30 = arith.constant 0 : i32
      %cond3A_31 = arith.cmpi ne, %convert_element_type3A_29, %cond3A_30 : i32
      scf.if %cond3A_31 {
        %add3A_85 = arith.constant 1 : i32
        %add3A_86 = arith.addi %mul3A_17, %add3A_85 : i32
        %mul3A_87 = arith.constant 128 : i32
        %mul3A_88 = arith.muli %add3A_86, %mul3A_87 : i32
        %add3A_89 = arith.addi %mul3A_4, %mul3A_88 : i32
        "tpu.region"() ({
          %run_scoped3A = tpu.sem_alloc : memref<!tpu.dma_semaphore, #tpu.memory_space<semaphore_mem>>
          %dma_start3A_90 = tpu.memref_slice %arg2[%add3A_89] : memref<327680xi32, #tpu.memory_space<hbm>> -> memref<128xi32, #tpu.memory_space<hbm>>
          %dma_start3A_91 = tpu.memref_slice %arg2[%add3A_89] : memref<327680xi32, #tpu.memory_space<hbm>> -> memref<128xi32, #tpu.memory_space<hbm>>
          tpu.enqueue_dma source(%dma_start3A_91 : memref<128xi32, #tpu.memory_space<hbm>>) target(%arg10 : memref<128xi32, #tpu.memory_space<vmem>>) target_semaphore(%run_scoped3A : memref<!tpu.dma_semaphore, #tpu.memory_space<semaphore_mem>>)
          %dma_wait3A_92 = tpu.memref_slice %arg2[%add3A_89] : memref<327680xi32, #tpu.memory_space<hbm>> -> memref<128xi32, #tpu.memory_space<hbm>>
          %dma_wait3A_93 = tpu.memref_slice %arg2[%add3A_89] : memref<327680xi32, #tpu.memory_space<hbm>> -> memref<128xi32, #tpu.memory_space<hbm>>
          tpu.wait_dma2 semaphore(%run_scoped3A : memref<!tpu.dma_semaphore, #tpu.memory_space<semaphore_mem>>) src(%dma_wait3A_93 : memref<128xi32, #tpu.memory_space<hbm>>) dst(%arg10 : memref<128xi32, #tpu.memory_space<vmem>>)
          tpu.yield
        }) : () -> ()
        "tpu.region"() ({
          %run_scoped3A = tpu.sem_alloc : memref<!tpu.dma_semaphore, #tpu.memory_space<semaphore_mem>>
          %dma_start3A_90 = tpu.memref_slice %arg3[%add3A_89] : memref<327680xi32, #tpu.memory_space<hbm>> -> memref<128xi32, #tpu.memory_space<hbm>>
          %dma_start3A_91 = tpu.memref_slice %arg3[%add3A_89] : memref<327680xi32, #tpu.memory_space<hbm>> -> memref<128xi32, #tpu.memory_space<hbm>>
          tpu.enqueue_dma source(%dma_start3A_91 : memref<128xi32, #tpu.memory_space<hbm>>) target(%arg11 : memref<128xi32, #tpu.memory_space<vmem>>) target_semaphore(%run_scoped3A : memref<!tpu.dma_semaphore, #tpu.memory_space<semaphore_mem>>)
          %dma_wait3A_92 = tpu.memref_slice %arg3[%add3A_89] : memref<327680xi32, #tpu.memory_space<hbm>> -> memref<128xi32, #tpu.memory_space<hbm>>
          %dma_wait3A_93 = tpu.memref_slice %arg3[%add3A_89] : memref<327680xi32, #tpu.memory_space<hbm>> -> memref<128xi32, #tpu.memory_space<hbm>>
          tpu.wait_dma2 semaphore(%run_scoped3A : memref<!tpu.dma_semaphore, #tpu.memory_space<semaphore_mem>>) src(%dma_wait3A_93 : memref<128xi32, #tpu.memory_space<hbm>>) dst(%arg11 : memref<128xi32, #tpu.memory_space<vmem>>)
          tpu.yield
        }) : () -> ()
      } else {
      }
      %dma_wait3A_32 = arith.constant 0 : i32
      %dma_wait3A_33 = arith.constant 0 : i32
      %dma_wait3A_34 = tpu.memref_slice %arg5[%dma_wait3A_32, %dma_wait3A_33] : memref<10112x128xf32, #tpu.memory_space<hbm>> -> memref<10112x128xf32, #tpu.memory_space<hbm>>
      tpu.wait_indirect_dma semaphore(%arg14 : memref<!tpu.dma_semaphore, #tpu.memory_space<semaphore_mem>>) src(%dma_wait3A_34 : memref<10112x128xf32, #tpu.memory_space<hbm>>) dst(%arg13 : memref<128x128xf32, #tpu.memory_space<vmem>>)
      %dma_wait3A_35 = arith.constant 0 : i32
      %dma_wait3A_36 = arith.constant 0 : i32
      %dma_wait3A_37 = tpu.memref_slice %arg4[%dma_wait3A_35, %dma_wait3A_36] : memref<10112x128xf32, #tpu.memory_space<hbm>> -> memref<10112x128xf32, #tpu.memory_space<hbm>>
      tpu.wait_indirect_dma semaphore(%arg14 : memref<!tpu.dma_semaphore, #tpu.memory_space<semaphore_mem>>) src(%dma_wait3A_37 : memref<10112x128xf32, #tpu.memory_space<hbm>>) dst(%arg12 : memref<128x128xf32, #tpu.memory_space<vmem>>)
      %scan3A_38 = arith.constant 0 : i32
      %scan3A_39 = arith.constant 0 : i32
      %scan3A_40 = arith.constant 128 : i32
      %scan3A_41 = arith.addi %scan3A_39, %scan3A_40 : i32
      %scan3A_42 = arith.constant 1 : i32
      scf.for %scan3A_85 = %scan3A_39 to %scan3A_41 step %scan3A_42  : i32 {
        %get3A = arith.index_cast %scan3A_85 : i32 to index
        %get3A_86 = arith.constant 0 : index
        %get3A_87 = tpu.vector_load %arg12[%get3A, %get3A_86] {strides = array<i32>} : memref<128x128xf32, #tpu.memory_space<vmem>>, vector<1x16xf32>,
        %get3A_88 = vector.shape_cast %get3A_87 : vector<1x16xf32> to vector<16xf32>
        %get3A_89 = arith.index_cast %scan3A_85 : i32 to index
        %get3A_90 = arith.constant 0 : index
        %get3A_91 = tpu.vector_load %arg13[%get3A_89, %get3A_90] {strides = array<i32>} : memref<128x128xf32, #tpu.memory_space<vmem>>, vector<1x16xf32>,
        %get3A_92 = vector.shape_cast %get3A_91 : vector<1x16xf32> to vector<16xf32>
        %add3A_93 = arith.addf %get3A_88, %get3A_92 : vector<16xf32>
        %max3A = arith.constant 0.000000e+00 : f32
        %max3A_94 = vector.broadcast %max3A : f32 to vector<16xf32>
        %max3A_95 = arith.maximumf %add3A_93, %max3A_94 : vector<16xf32>
        %swap3A = arith.index_cast %scan3A_85 : i32 to index
        %swap3A_96 = arith.constant 0 : index
        %swap3A_97 = tpu.vector_load %arg12[%swap3A, %swap3A_96] {strides = array<i32>} : memref<128x128xf32, #tpu.memory_space<vmem>>, vector<1x16xf32>,
        %swap3A_98 = vector.shape_cast %swap3A_97 : vector<1x16xf32> to vector<16xf32>
        %swap3A_99 = vector.shape_cast %max3A_95 : vector<16xf32> to vector<1x16xf32>
        tpu.vector_store %arg12[%swap3A, %swap3A_96], %swap3A_99 {strides = array<i32>} : memref<128x128xf32, #tpu.memory_space<vmem>>, vector<1x16xf32>,
        %get3A_100 = arith.index_cast %scan3A_85 : i32 to index
        %get3A_101 = arith.constant 16 : index
        %get3A_102 = tpu.vector_load %arg12[%get3A_100, %get3A_101] {strides = array<i32>} : memref<128x128xf32, #tpu.memory_space<vmem>>, vector<1x16xf32>,
        %get3A_103 = vector.shape_cast %get3A_102 : vector<1x16xf32> to vector<16xf32>
        %get3A_104 = arith.index_cast %scan3A_85 : i32 to index
        %get3A_105 = arith.constant 16 : index
        %get3A_106 = tpu.vector_load %arg13[%get3A_104, %get3A_105] {strides = array<i32>} : memref<128x128xf32, #tpu.memory_space<vmem>>, vector<1x16xf32>,
        %get3A_107 = vector.shape_cast %get3A_106 : vector<1x16xf32> to vector<16xf32>
        %add3A_108 = arith.addf %get3A_103, %get3A_107 : vector<16xf32>
        %max3A_109 = arith.constant 0.000000e+00 : f32
        %max3A_110 = vector.broadcast %max3A_109 : f32 to vector<16xf32>
        %max3A_111 = arith.maximumf %add3A_108, %max3A_110 : vector<16xf32>
        %swap3A_112 = arith.index_cast %scan3A_85 : i32 to index
        %swap3A_113 = arith.constant 16 : index
        %swap3A_114 = tpu.vector_load %arg12[%swap3A_112, %swap3A_113] {strides = array<i32>} : memref<128x128xf32, #tpu.memory_space<vmem>>, vector<1x16xf32>,
        %swap3A_115 = vector.shape_cast %swap3A_114 : vector<1x16xf32> to vector<16xf32>
        %swap3A_116 = vector.shape_cast %max3A_111 : vector<16xf32> to vector<1x16xf32>
        tpu.vector_store %arg12[%swap3A_112, %swap3A_113], %swap3A_116 {strides = array<i32>} : memref<128x128xf32, #tpu.memory_space<vmem>>, vector<1x16xf32>,
        %get3A_117 = arith.index_cast %scan3A_85 : i32 to index
        %get3A_118 = arith.constant 32 : index
        %get3A_119 = tpu.vector_load %arg12[%get3A_117, %get3A_118] {strides = array<i32>} : memref<128x128xf32, #tpu.memory_space<vmem>>, vector<1x16xf32>,
        %get3A_120 = vector.shape_cast %get3A_119 : vector<1x16xf32> to vector<16xf32>
        %get3A_121 = arith.index_cast %scan3A_85 : i32 to index
        %get3A_122 = arith.constant 32 : index
        %get3A_123 = tpu.vector_load %arg13[%get3A_121, %get3A_122] {strides = array<i32>} : memref<128x128xf32, #tpu.memory_space<vmem>>, vector<1x16xf32>,
        %get3A_124 = vector.shape_cast %get3A_123 : vector<1x16xf32> to vector<16xf32>
        %add3A_125 = arith.addf %get3A_120, %get3A_124 : vector<16xf32>
        %max3A_126 = arith.constant 0.000000e+00 : f32
        %max3A_127 = vector.broadcast %max3A_126 : f32 to vector<16xf32>
        %max3A_128 = arith.maximumf %add3A_125, %max3A_127 : vector<16xf32>
        %swap3A_129 = arith.index_cast %scan3A_85 : i32 to index
        %swap3A_130 = arith.constant 32 : index
        %swap3A_131 = tpu.vector_load %arg12[%swap3A_129, %swap3A_130] {strides = array<i32>} : memref<128x128xf32, #tpu.memory_space<vmem>>, vector<1x16xf32>,
        %swap3A_132 = vector.shape_cast %swap3A_131 : vector<1x16xf32> to vector<16xf32>
        %swap3A_133 = vector.shape_cast %max3A_128 : vector<16xf32> to vector<1x16xf32>
        tpu.vector_store %arg12[%swap3A_129, %swap3A_130], %swap3A_133 {strides = array<i32>} : memref<128x128xf32, #tpu.memory_space<vmem>>, vector<1x16xf32>,
        %get3A_134 = arith.index_cast %scan3A_85 : i32 to index
        %get3A_135 = arith.constant 48 : index
        %get3A_136 = tpu.vector_load %arg12[%get3A_134, %get3A_135] {strides = array<i32>} : memref<128x128xf32, #tpu.memory_space<vmem>>, vector<1x16xf32>,
        %get3A_137 = vector.shape_cast %get3A_136 : vector<1x16xf32> to vector<16xf32>
        %get3A_138 = arith.index_cast %scan3A_85 : i32 to index
        %get3A_139 = arith.constant 48 : index
        %get3A_140 = tpu.vector_load %arg13[%get3A_138, %get3A_139] {strides = array<i32>} : memref<128x128xf32, #tpu.memory_space<vmem>>, vector<1x16xf32>,
        %get3A_141 = vector.shape_cast %get3A_140 : vector<1x16xf32> to vector<16xf32>
        %add3A_142 = arith.addf %get3A_137, %get3A_141 : vector<16xf32>
        %max3A_143 = arith.constant 0.000000e+00 : f32
        %max3A_144 = vector.broadcast %max3A_143 : f32 to vector<16xf32>
        %max3A_145 = arith.maximumf %add3A_142, %max3A_144 : vector<16xf32>
        %swap3A_146 = arith.index_cast %scan3A_85 : i32 to index
        %swap3A_147 = arith.constant 48 : index
        %swap3A_148 = tpu.vector_load %arg12[%swap3A_146, %swap3A_147] {strides = array<i32>} : memref<128x128xf32, #tpu.memory_space<vmem>>, vector<1x16xf32>,
        %swap3A_149 = vector.shape_cast %swap3A_148 : vector<1x16xf32> to vector<16xf32>
        %swap3A_150 = vector.shape_cast %max3A_145 : vector<16xf32> to vector<1x16xf32>
        tpu.vector_store %arg12[%swap3A_146, %swap3A_147], %swap3A_150 {strides = array<i32>} : memref<128x128xf32, #tpu.memory_space<vmem>>, vector<1x16xf32>,
        %get3A_151 = arith.index_cast %scan3A_85 : i32 to index
        %get3A_152 = arith.constant 64 : index
        %get3A_153 = tpu.vector_load %arg12[%get3A_151, %get3A_152] {strides = array<i32>} : memref<128x128xf32, #tpu.memory_space<vmem>>, vector<1x16xf32>,
        %get3A_154 = vector.shape_cast %get3A_153 : vector<1x16xf32> to vector<16xf32>
        %get3A_155 = arith.index_cast %scan3A_85 : i32 to index
        %get3A_156 = arith.constant 64 : index
        %get3A_157 = tpu.vector_load %arg13[%get3A_155, %get3A_156] {strides = array<i32>} : memref<128x128xf32, #tpu.memory_space<vmem>>, vector<1x16xf32>,
        %get3A_158 = vector.shape_cast %get3A_157 : vector<1x16xf32> to vector<16xf32>
        %add3A_159 = arith.addf %get3A_154, %get3A_158 : vector<16xf32>
        %max3A_160 = arith.constant 0.000000e+00 : f32
        %max3A_161 = vector.broadcast %max3A_160 : f32 to vector<16xf32>
        %max3A_162 = arith.maximumf %add3A_159, %max3A_161 : vector<16xf32>
        %swap3A_163 = arith.index_cast %scan3A_85 : i32 to index
        %swap3A_164 = arith.constant 64 : index
        %swap3A_165 = tpu.vector_load %arg12[%swap3A_163, %swap3A_164] {strides = array<i32>} : memref<128x128xf32, #tpu.memory_space<vmem>>, vector<1x16xf32>,
        %swap3A_166 = vector.shape_cast %swap3A_165 : vector<1x16xf32> to vector<16xf32>
        %swap3A_167 = vector.shape_cast %max3A_162 : vector<16xf32> to vector<1x16xf32>
        tpu.vector_store %arg12[%swap3A_163, %swap3A_164], %swap3A_167 {strides = array<i32>} : memref<128x128xf32, #tpu.memory_space<vmem>>, vector<1x16xf32>,
        %get3A_168 = arith.index_cast %scan3A_85 : i32 to index
        %get3A_169 = arith.constant 80 : index
        %get3A_170 = tpu.vector_load %arg12[%get3A_168, %get3A_169] {strides = array<i32>} : memref<128x128xf32, #tpu.memory_space<vmem>>, vector<1x16xf32>,
        %get3A_171 = vector.shape_cast %get3A_170 : vector<1x16xf32> to vector<16xf32>
        %get3A_172 = arith.index_cast %scan3A_85 : i32 to index
        %get3A_173 = arith.constant 80 : index
        %get3A_174 = tpu.vector_load %arg13[%get3A_172, %get3A_173] {strides = array<i32>} : memref<128x128xf32, #tpu.memory_space<vmem>>, vector<1x16xf32>,
        %get3A_175 = vector.shape_cast %get3A_174 : vector<1x16xf32> to vector<16xf32>
        %add3A_176 = arith.addf %get3A_171, %get3A_175 : vector<16xf32>
        %max3A_177 = arith.constant 0.000000e+00 : f32
        %max3A_178 = vector.broadcast %max3A_177 : f32 to vector<16xf32>
        %max3A_179 = arith.maximumf %add3A_176, %max3A_178 : vector<16xf32>
        %swap3A_180 = arith.index_cast %scan3A_85 : i32 to index
        %swap3A_181 = arith.constant 80 : index
        %swap3A_182 = tpu.vector_load %arg12[%swap3A_180, %swap3A_181] {strides = array<i32>} : memref<128x128xf32, #tpu.memory_space<vmem>>, vector<1x16xf32>,
        %swap3A_183 = vector.shape_cast %swap3A_182 : vector<1x16xf32> to vector<16xf32>
        %swap3A_184 = vector.shape_cast %max3A_179 : vector<16xf32> to vector<1x16xf32>
        tpu.vector_store %arg12[%swap3A_180, %swap3A_181], %swap3A_184 {strides = array<i32>} : memref<128x128xf32, #tpu.memory_space<vmem>>, vector<1x16xf32>,
        %get3A_185 = arith.index_cast %scan3A_85 : i32 to index
        %get3A_186 = arith.constant 96 : index
        %get3A_187 = tpu.vector_load %arg12[%get3A_185, %get3A_186] {strides = array<i32>} : memref<128x128xf32, #tpu.memory_space<vmem>>, vector<1x16xf32>,
        %get3A_188 = vector.shape_cast %get3A_187 : vector<1x16xf32> to vector<16xf32>
        %get3A_189 = arith.index_cast %scan3A_85 : i32 to index
        %get3A_190 = arith.constant 96 : index
        %get3A_191 = tpu.vector_load %arg13[%get3A_189, %get3A_190] {strides = array<i32>} : memref<128x128xf32, #tpu.memory_space<vmem>>, vector<1x16xf32>,
        %get3A_192 = vector.shape_cast %get3A_191 : vector<1x16xf32> to vector<16xf32>
        %add3A_193 = arith.addf %get3A_188, %get3A_192 : vector<16xf32>
        %max3A_194 = arith.constant 0.000000e+00 : f32
        %max3A_195 = vector.broadcast %max3A_194 : f32 to vector<16xf32>
        %max3A_196 = arith.maximumf %add3A_193, %max3A_195 : vector<16xf32>
        %swap3A_197 = arith.index_cast %scan3A_85 : i32 to index
        %swap3A_198 = arith.constant 96 : index
        %swap3A_199 = tpu.vector_load %arg12[%swap3A_197, %swap3A_198] {strides = array<i32>} : memref<128x128xf32, #tpu.memory_space<vmem>>, vector<1x16xf32>,
        %swap3A_200 = vector.shape_cast %swap3A_199 : vector<1x16xf32> to vector<16xf32>
        %swap3A_201 = vector.shape_cast %max3A_196 : vector<16xf32> to vector<1x16xf32>
        tpu.vector_store %arg12[%swap3A_197, %swap3A_198], %swap3A_201 {strides = array<i32>} : memref<128x128xf32, #tpu.memory_space<vmem>>, vector<1x16xf32>,
        %get3A_202 = arith.index_cast %scan3A_85 : i32 to index
        %get3A_203 = arith.constant 112 : index
        %get3A_204 = tpu.vector_load %arg12[%get3A_202, %get3A_203] {strides = array<i32>} : memref<128x128xf32, #tpu.memory_space<vmem>>, vector<1x16xf32>,
        %get3A_205 = vector.shape_cast %get3A_204 : vector<1x16xf32> to vector<16xf32>
        %get3A_206 = arith.index_cast %scan3A_85 : i32 to index
        %get3A_207 = arith.constant 112 : index
        %get3A_208 = tpu.vector_load %arg13[%get3A_206, %get3A_207] {strides = array<i32>} : memref<128x128xf32, #tpu.memory_space<vmem>>, vector<1x16xf32>,
        %get3A_209 = vector.shape_cast %get3A_208 : vector<1x16xf32> to vector<16xf32>
        %add3A_210 = arith.addf %get3A_205, %get3A_209 : vector<16xf32>
        %max3A_211 = arith.constant 0.000000e+00 : f32
        %max3A_212 = vector.broadcast %max3A_211 : f32 to vector<16xf32>
        %max3A_213 = arith.maximumf %add3A_210, %max3A_212 : vector<16xf32>
        %swap3A_214 = arith.index_cast %scan3A_85 : i32 to index
        %swap3A_215 = arith.constant 112 : index
        %swap3A_216 = tpu.vector_load %arg12[%swap3A_214, %swap3A_215] {strides = array<i32>} : memref<128x128xf32, #tpu.memory_space<vmem>>, vector<1x16xf32>,
        %swap3A_217 = vector.shape_cast %swap3A_216 : vector<1x16xf32> to vector<16xf32>
        %swap3A_218 = vector.shape_cast %max3A_213 : vector<16xf32> to vector<1x16xf32>
        tpu.vector_store %arg12[%swap3A_214, %swap3A_215], %swap3A_218 {strides = array<i32>} : memref<128x128xf32, #tpu.memory_space<vmem>>, vector<1x16xf32>,
      }
      %scan3A_43 = arith.constant 128 : i32
      %dma_start3A_44 = arith.constant 0 : i32
      %dma_start3A_45 = arith.constant 0 : i32
      %dma_start3A_46 = tpu.memref_slice %arg16[%dma_start3A_44, %dma_start3A_45] : memref<10112x128xf32, #tpu.memory_space<vmem_shared>> -> memref<10112x128xf32, #tpu.memory_space<vmem_shared>>
      tpu.enqueue_indirect_dma source(%arg12 : memref<128x128xf32, #tpu.memory_space<vmem>>) target(%dma_start3A_46 : memref<10112x128xf32, #tpu.memory_space<vmem_shared>>) offsets(%arg9 : memref<128xi32, #tpu.memory_space<vmem>>) semaphore(%arg15 : memref<!tpu.dma_semaphore, #tpu.memory_space<semaphore_mem>>) {add = true}
      %mul3A_47 = arith.constant 2 : i32
      %mul3A_48 = arith.muli %mul3A_47, %scan3A_15 : i32
      %add3A_49 = arith.constant 1 : i32
      %add3A_50 = arith.addi %mul3A_48, %add3A_49 : i32
      %dma_start3A_51 = arith.constant 0 : i32
      %dma_start3A_52 = arith.constant 0 : i32
      %dma_start3A_53 = tpu.memref_slice %arg5[%dma_start3A_51, %dma_start3A_52] : memref<10112x128xf32, #tpu.memory_space<hbm>> -> memref<10112x128xf32, #tpu.memory_space<hbm>>
      tpu.enqueue_indirect_dma source(%dma_start3A_53 : memref<10112x128xf32, #tpu.memory_space<hbm>>) target(%arg13 : memref<128x128xf32, #tpu.memory_space<vmem>>) offsets(%arg10 : memref<128xi32, #tpu.memory_space<vmem>>) semaphore(%arg14 : memref<!tpu.dma_semaphore, #tpu.memory_space<semaphore_mem>>)
      %not3A_54 = arith.constant false
      %not3A_55 = arith.constant true
      %not3A_56 = arith.xori %not3A_54, %not3A_55 : i1
      %convert_element_type3A_57 = arith.extui %not3A_56 : i1 to i32
      %cond3A_58 = arith.constant 0 : i32
      %cond3A_59 = arith.cmpi ne, %convert_element_type3A_57, %cond3A_58 : i32
      scf.if %cond3A_59 {
        %dma_wait3A_85 = arith.constant 0 : i32
        %dma_wait3A_86 = arith.constant 0 : i32
        %dma_wait3A_87 = tpu.memref_slice %arg16[%dma_wait3A_85, %dma_wait3A_86] : memref<10112x128xf32, #tpu.memory_space<vmem_shared>> -> memref<10112x128xf32, #tpu.memory_space<vmem_shared>>
        tpu.wait_indirect_dma semaphore(%arg15 : memref<!tpu.dma_semaphore, #tpu.memory_space<semaphore_mem>>) src(%arg12 : memref<128x128xf32, #tpu.memory_space<vmem>>) dst(%dma_wait3A_87 : memref<10112x128xf32, #tpu.memory_space<vmem_shared>>)
      } else {
      }
      %dma_start3A_60 = arith.constant 0 : i32
      %dma_start3A_61 = arith.constant 0 : i32
      %dma_start3A_62 = tpu.memref_slice %arg4[%dma_start3A_60, %dma_start3A_61] : memref<10112x128xf32, #tpu.memory_space<hbm>> -> memref<10112x128xf32, #tpu.memory_space<hbm>>
      tpu.enqueue_indirect_dma source(%dma_start3A_62 : memref<10112x128xf32, #tpu.memory_space<hbm>>) target(%arg12 : memref<128x128xf32, #tpu.memory_space<vmem>>) offsets(%arg11 : memref<128xi32, #tpu.memory_space<vmem>>) semaphore(%arg14 : memref<!tpu.dma_semaphore, #tpu.memory_space<semaphore_mem>>)
      %add3A_63 = arith.constant 1 : i32
      %add3A_64 = arith.addi %add3A_50, %add3A_63 : i32
      %lt3A_65 = arith.constant 80 : i32
      %lt3A_66 = arith.cmpi slt, %add3A_64, %lt3A_65 : i32
      %convert_element_type3A_67 = arith.extui %lt3A_66 : i1 to i32
      %cond3A_68 = arith.constant 0 : i32
      %cond3A_69 = arith.cmpi ne, %convert_element_type3A_67, %cond3A_68 : i32
      scf.if %cond3A_69 {
        %add3A_85 = arith.constant 1 : i32
        %add3A_86 = arith.addi %add3A_50, %add3A_85 : i32
        %mul3A_87 = arith.constant 128 : i32
        %mul3A_88 = arith.muli %add3A_86, %mul3A_87 : i32
        %add3A_89 = arith.addi %mul3A_4, %mul3A_88 : i32
        "tpu.region"() ({
          %run_scoped3A = tpu.sem_alloc : memref<!tpu.dma_semaphore, #tpu.memory_space<semaphore_mem>>
          %dma_start3A_90 = tpu.memref_slice %arg2[%add3A_89] : memref<327680xi32, #tpu.memory_space<hbm>> -> memref<128xi32, #tpu.memory_space<hbm>>
          %dma_start3A_91 = tpu.memref_slice %arg2[%add3A_89] : memref<327680xi32, #tpu.memory_space<hbm>> -> memref<128xi32, #tpu.memory_space<hbm>>
          tpu.enqueue_dma source(%dma_start3A_91 : memref<128xi32, #tpu.memory_space<hbm>>) target(%arg8 : memref<128xi32, #tpu.memory_space<vmem>>) target_semaphore(%run_scoped3A : memref<!tpu.dma_semaphore, #tpu.memory_space<semaphore_mem>>)
          %dma_wait3A_92 = tpu.memref_slice %arg2[%add3A_89] : memref<327680xi32, #tpu.memory_space<hbm>> -> memref<128xi32, #tpu.memory_space<hbm>>
          %dma_wait3A_93 = tpu.memref_slice %arg2[%add3A_89] : memref<327680xi32, #tpu.memory_space<hbm>> -> memref<128xi32, #tpu.memory_space<hbm>>
          tpu.wait_dma2 semaphore(%run_scoped3A : memref<!tpu.dma_semaphore, #tpu.memory_space<semaphore_mem>>) src(%dma_wait3A_93 : memref<128xi32, #tpu.memory_space<hbm>>) dst(%arg8 : memref<128xi32, #tpu.memory_space<vmem>>)
          tpu.yield
        }) : () -> ()
        "tpu.region"() ({
          %run_scoped3A = tpu.sem_alloc : memref<!tpu.dma_semaphore, #tpu.memory_space<semaphore_mem>>
          %dma_start3A_90 = tpu.memref_slice %arg3[%add3A_89] : memref<327680xi32, #tpu.memory_space<hbm>> -> memref<128xi32, #tpu.memory_space<hbm>>
          %dma_start3A_91 = tpu.memref_slice %arg3[%add3A_89] : memref<327680xi32, #tpu.memory_space<hbm>> -> memref<128xi32, #tpu.memory_space<hbm>>
          tpu.enqueue_dma source(%dma_start3A_91 : memref<128xi32, #tpu.memory_space<hbm>>) target(%arg9 : memref<128xi32, #tpu.memory_space<vmem>>) target_semaphore(%run_scoped3A : memref<!tpu.dma_semaphore, #tpu.memory_space<semaphore_mem>>)
          %dma_wait3A_92 = tpu.memref_slice %arg3[%add3A_89] : memref<327680xi32, #tpu.memory_space<hbm>> -> memref<128xi32, #tpu.memory_space<hbm>>
          %dma_wait3A_93 = tpu.memref_slice %arg3[%add3A_89] : memref<327680xi32, #tpu.memory_space<hbm>> -> memref<128xi32, #tpu.memory_space<hbm>>
          tpu.wait_dma2 semaphore(%run_scoped3A : memref<!tpu.dma_semaphore, #tpu.memory_space<semaphore_mem>>) src(%dma_wait3A_93 : memref<128xi32, #tpu.memory_space<hbm>>) dst(%arg9 : memref<128xi32, #tpu.memory_space<vmem>>)
          tpu.yield
        }) : () -> ()
      } else {
      }
      %dma_wait3A_70 = arith.constant 0 : i32
      %dma_wait3A_71 = arith.constant 0 : i32
      %dma_wait3A_72 = tpu.memref_slice %arg5[%dma_wait3A_70, %dma_wait3A_71] : memref<10112x128xf32, #tpu.memory_space<hbm>> -> memref<10112x128xf32, #tpu.memory_space<hbm>>
      tpu.wait_indirect_dma semaphore(%arg14 : memref<!tpu.dma_semaphore, #tpu.memory_space<semaphore_mem>>) src(%dma_wait3A_72 : memref<10112x128xf32, #tpu.memory_space<hbm>>) dst(%arg13 : memref<128x128xf32, #tpu.memory_space<vmem>>)
      %dma_wait3A_73 = arith.constant 0 : i32
      %dma_wait3A_74 = arith.constant 0 : i32
      %dma_wait3A_75 = tpu.memref_slice %arg4[%dma_wait3A_73, %dma_wait3A_74] : memref<10112x128xf32, #tpu.memory_space<hbm>> -> memref<10112x128xf32, #tpu.memory_space<hbm>>
      tpu.wait_indirect_dma semaphore(%arg14 : memref<!tpu.dma_semaphore, #tpu.memory_space<semaphore_mem>>) src(%dma_wait3A_75 : memref<10112x128xf32, #tpu.memory_space<hbm>>) dst(%arg12 : memref<128x128xf32, #tpu.memory_space<vmem>>)
      %scan3A_76 = arith.constant 0 : i32
      %scan3A_77 = arith.constant 0 : i32
      %scan3A_78 = arith.constant 128 : i32
      %scan3A_79 = arith.addi %scan3A_77, %scan3A_78 : i32
      %scan3A_80 = arith.constant 1 : i32
      scf.for %scan3A_85 = %scan3A_77 to %scan3A_79 step %scan3A_80  : i32 {
        %get3A = arith.index_cast %scan3A_85 : i32 to index
        %get3A_86 = arith.constant 0 : index
        %get3A_87 = tpu.vector_load %arg12[%get3A, %get3A_86] {strides = array<i32>} : memref<128x128xf32, #tpu.memory_space<vmem>>, vector<1x16xf32>,
        %get3A_88 = vector.shape_cast %get3A_87 : vector<1x16xf32> to vector<16xf32>
        %get3A_89 = arith.index_cast %scan3A_85 : i32 to index
        %get3A_90 = arith.constant 0 : index
        %get3A_91 = tpu.vector_load %arg13[%get3A_89, %get3A_90] {strides = array<i32>} : memref<128x128xf32, #tpu.memory_space<vmem>>, vector<1x16xf32>,
        %get3A_92 = vector.shape_cast %get3A_91 : vector<1x16xf32> to vector<16xf32>
        %add3A_93 = arith.addf %get3A_88, %get3A_92 : vector<16xf32>
        %max3A = arith.constant 0.000000e+00 : f32
        %max3A_94 = vector.broadcast %max3A : f32 to vector<16xf32>
        %max3A_95 = arith.maximumf %add3A_93, %max3A_94 : vector<16xf32>
        %swap3A = arith.index_cast %scan3A_85 : i32 to index
        %swap3A_96 = arith.constant 0 : index
        %swap3A_97 = tpu.vector_load %arg12[%swap3A, %swap3A_96] {strides = array<i32>} : memref<128x128xf32, #tpu.memory_space<vmem>>, vector<1x16xf32>,
        %swap3A_98 = vector.shape_cast %swap3A_97 : vector<1x16xf32> to vector<16xf32>
        %swap3A_99 = vector.shape_cast %max3A_95 : vector<16xf32> to vector<1x16xf32>
        tpu.vector_store %arg12[%swap3A, %swap3A_96], %swap3A_99 {strides = array<i32>} : memref<128x128xf32, #tpu.memory_space<vmem>>, vector<1x16xf32>,
        %get3A_100 = arith.index_cast %scan3A_85 : i32 to index
        %get3A_101 = arith.constant 16 : index
        %get3A_102 = tpu.vector_load %arg12[%get3A_100, %get3A_101] {strides = array<i32>} : memref<128x128xf32, #tpu.memory_space<vmem>>, vector<1x16xf32>,
        %get3A_103 = vector.shape_cast %get3A_102 : vector<1x16xf32> to vector<16xf32>
        %get3A_104 = arith.index_cast %scan3A_85 : i32 to index
        %get3A_105 = arith.constant 16 : index
        %get3A_106 = tpu.vector_load %arg13[%get3A_104, %get3A_105] {strides = array<i32>} : memref<128x128xf32, #tpu.memory_space<vmem>>, vector<1x16xf32>,
        %get3A_107 = vector.shape_cast %get3A_106 : vector<1x16xf32> to vector<16xf32>
        %add3A_108 = arith.addf %get3A_103, %get3A_107 : vector<16xf32>
        %max3A_109 = arith.constant 0.000000e+00 : f32
        %max3A_110 = vector.broadcast %max3A_109 : f32 to vector<16xf32>
        %max3A_111 = arith.maximumf %add3A_108, %max3A_110 : vector<16xf32>
        %swap3A_112 = arith.index_cast %scan3A_85 : i32 to index
        %swap3A_113 = arith.constant 16 : index
        %swap3A_114 = tpu.vector_load %arg12[%swap3A_112, %swap3A_113] {strides = array<i32>} : memref<128x128xf32, #tpu.memory_space<vmem>>, vector<1x16xf32>,
        %swap3A_115 = vector.shape_cast %swap3A_114 : vector<1x16xf32> to vector<16xf32>
        %swap3A_116 = vector.shape_cast %max3A_111 : vector<16xf32> to vector<1x16xf32>
        tpu.vector_store %arg12[%swap3A_112, %swap3A_113], %swap3A_116 {strides = array<i32>} : memref<128x128xf32, #tpu.memory_space<vmem>>, vector<1x16xf32>,
        %get3A_117 = arith.index_cast %scan3A_85 : i32 to index
        %get3A_118 = arith.constant 32 : index
        %get3A_119 = tpu.vector_load %arg12[%get3A_117, %get3A_118] {strides = array<i32>} : memref<128x128xf32, #tpu.memory_space<vmem>>, vector<1x16xf32>,
        %get3A_120 = vector.shape_cast %get3A_119 : vector<1x16xf32> to vector<16xf32>
        %get3A_121 = arith.index_cast %scan3A_85 : i32 to index
        %get3A_122 = arith.constant 32 : index
        %get3A_123 = tpu.vector_load %arg13[%get3A_121, %get3A_122] {strides = array<i32>} : memref<128x128xf32, #tpu.memory_space<vmem>>, vector<1x16xf32>,
        %get3A_124 = vector.shape_cast %get3A_123 : vector<1x16xf32> to vector<16xf32>
        %add3A_125 = arith.addf %get3A_120, %get3A_124 : vector<16xf32>
        %max3A_126 = arith.constant 0.000000e+00 : f32
        %max3A_127 = vector.broadcast %max3A_126 : f32 to vector<16xf32>
        %max3A_128 = arith.maximumf %add3A_125, %max3A_127 : vector<16xf32>
        %swap3A_129 = arith.index_cast %scan3A_85 : i32 to index
        %swap3A_130 = arith.constant 32 : index
        %swap3A_131 = tpu.vector_load %arg12[%swap3A_129, %swap3A_130] {strides = array<i32>} : memref<128x128xf32, #tpu.memory_space<vmem>>, vector<1x16xf32>,
        %swap3A_132 = vector.shape_cast %swap3A_131 : vector<1x16xf32> to vector<16xf32>
        %swap3A_133 = vector.shape_cast %max3A_128 : vector<16xf32> to vector<1x16xf32>
        tpu.vector_store %arg12[%swap3A_129, %swap3A_130], %swap3A_133 {strides = array<i32>} : memref<128x128xf32, #tpu.memory_space<vmem>>, vector<1x16xf32>,
        %get3A_134 = arith.index_cast %scan3A_85 : i32 to index
        %get3A_135 = arith.constant 48 : index
        %get3A_136 = tpu.vector_load %arg12[%get3A_134, %get3A_135] {strides = array<i32>} : memref<128x128xf32, #tpu.memory_space<vmem>>, vector<1x16xf32>,
        %get3A_137 = vector.shape_cast %get3A_136 : vector<1x16xf32> to vector<16xf32>
        %get3A_138 = arith.index_cast %scan3A_85 : i32 to index
        %get3A_139 = arith.constant 48 : index
        %get3A_140 = tpu.vector_load %arg13[%get3A_138, %get3A_139] {strides = array<i32>} : memref<128x128xf32, #tpu.memory_space<vmem>>, vector<1x16xf32>,
        %get3A_141 = vector.shape_cast %get3A_140 : vector<1x16xf32> to vector<16xf32>
        %add3A_142 = arith.addf %get3A_137, %get3A_141 : vector<16xf32>
        %max3A_143 = arith.constant 0.000000e+00 : f32
        %max3A_144 = vector.broadcast %max3A_143 : f32 to vector<16xf32>
        %max3A_145 = arith.maximumf %add3A_142, %max3A_144 : vector<16xf32>
        %swap3A_146 = arith.index_cast %scan3A_85 : i32 to index
        %swap3A_147 = arith.constant 48 : index
        %swap3A_148 = tpu.vector_load %arg12[%swap3A_146, %swap3A_147] {strides = array<i32>} : memref<128x128xf32, #tpu.memory_space<vmem>>, vector<1x16xf32>,
        %swap3A_149 = vector.shape_cast %swap3A_148 : vector<1x16xf32> to vector<16xf32>
        %swap3A_150 = vector.shape_cast %max3A_145 : vector<16xf32> to vector<1x16xf32>
        tpu.vector_store %arg12[%swap3A_146, %swap3A_147], %swap3A_150 {strides = array<i32>} : memref<128x128xf32, #tpu.memory_space<vmem>>, vector<1x16xf32>,
        %get3A_151 = arith.index_cast %scan3A_85 : i32 to index
        %get3A_152 = arith.constant 64 : index
        %get3A_153 = tpu.vector_load %arg12[%get3A_151, %get3A_152] {strides = array<i32>} : memref<128x128xf32, #tpu.memory_space<vmem>>, vector<1x16xf32>,
        %get3A_154 = vector.shape_cast %get3A_153 : vector<1x16xf32> to vector<16xf32>
        %get3A_155 = arith.index_cast %scan3A_85 : i32 to index
        %get3A_156 = arith.constant 64 : index
        %get3A_157 = tpu.vector_load %arg13[%get3A_155, %get3A_156] {strides = array<i32>} : memref<128x128xf32, #tpu.memory_space<vmem>>, vector<1x16xf32>,
        %get3A_158 = vector.shape_cast %get3A_157 : vector<1x16xf32> to vector<16xf32>
        %add3A_159 = arith.addf %get3A_154, %get3A_158 : vector<16xf32>
        %max3A_160 = arith.constant 0.000000e+00 : f32
        %max3A_161 = vector.broadcast %max3A_160 : f32 to vector<16xf32>
        %max3A_162 = arith.maximumf %add3A_159, %max3A_161 : vector<16xf32>
        %swap3A_163 = arith.index_cast %scan3A_85 : i32 to index
        %swap3A_164 = arith.constant 64 : index
        %swap3A_165 = tpu.vector_load %arg12[%swap3A_163, %swap3A_164] {strides = array<i32>} : memref<128x128xf32, #tpu.memory_space<vmem>>, vector<1x16xf32>,
        %swap3A_166 = vector.shape_cast %swap3A_165 : vector<1x16xf32> to vector<16xf32>
        %swap3A_167 = vector.shape_cast %max3A_162 : vector<16xf32> to vector<1x16xf32>
        tpu.vector_store %arg12[%swap3A_163, %swap3A_164], %swap3A_167 {strides = array<i32>} : memref<128x128xf32, #tpu.memory_space<vmem>>, vector<1x16xf32>,
        %get3A_168 = arith.index_cast %scan3A_85 : i32 to index
        %get3A_169 = arith.constant 80 : index
        %get3A_170 = tpu.vector_load %arg12[%get3A_168, %get3A_169] {strides = array<i32>} : memref<128x128xf32, #tpu.memory_space<vmem>>, vector<1x16xf32>,
        %get3A_171 = vector.shape_cast %get3A_170 : vector<1x16xf32> to vector<16xf32>
        %get3A_172 = arith.index_cast %scan3A_85 : i32 to index
        %get3A_173 = arith.constant 80 : index
        %get3A_174 = tpu.vector_load %arg13[%get3A_172, %get3A_173] {strides = array<i32>} : memref<128x128xf32, #tpu.memory_space<vmem>>, vector<1x16xf32>,
        %get3A_175 = vector.shape_cast %get3A_174 : vector<1x16xf32> to vector<16xf32>
        %add3A_176 = arith.addf %get3A_171, %get3A_175 : vector<16xf32>
        %max3A_177 = arith.constant 0.000000e+00 : f32
        %max3A_178 = vector.broadcast %max3A_177 : f32 to vector<16xf32>
        %max3A_179 = arith.maximumf %add3A_176, %max3A_178 : vector<16xf32>
        %swap3A_180 = arith.index_cast %scan3A_85 : i32 to index
        %swap3A_181 = arith.constant 80 : index
        %swap3A_182 = tpu.vector_load %arg12[%swap3A_180, %swap3A_181] {strides = array<i32>} : memref<128x128xf32, #tpu.memory_space<vmem>>, vector<1x16xf32>,
        %swap3A_183 = vector.shape_cast %swap3A_182 : vector<1x16xf32> to vector<16xf32>
        %swap3A_184 = vector.shape_cast %max3A_179 : vector<16xf32> to vector<1x16xf32>
        tpu.vector_store %arg12[%swap3A_180, %swap3A_181], %swap3A_184 {strides = array<i32>} : memref<128x128xf32, #tpu.memory_space<vmem>>, vector<1x16xf32>,
        %get3A_185 = arith.index_cast %scan3A_85 : i32 to index
        %get3A_186 = arith.constant 96 : index
        %get3A_187 = tpu.vector_load %arg12[%get3A_185, %get3A_186] {strides = array<i32>} : memref<128x128xf32, #tpu.memory_space<vmem>>, vector<1x16xf32>,
        %get3A_188 = vector.shape_cast %get3A_187 : vector<1x16xf32> to vector<16xf32>
        %get3A_189 = arith.index_cast %scan3A_85 : i32 to index
        %get3A_190 = arith.constant 96 : index
        %get3A_191 = tpu.vector_load %arg13[%get3A_189, %get3A_190] {strides = array<i32>} : memref<128x128xf32, #tpu.memory_space<vmem>>, vector<1x16xf32>,
        %get3A_192 = vector.shape_cast %get3A_191 : vector<1x16xf32> to vector<16xf32>
        %add3A_193 = arith.addf %get3A_188, %get3A_192 : vector<16xf32>
        %max3A_194 = arith.constant 0.000000e+00 : f32
        %max3A_195 = vector.broadcast %max3A_194 : f32 to vector<16xf32>
        %max3A_196 = arith.maximumf %add3A_193, %max3A_195 : vector<16xf32>
        %swap3A_197 = arith.index_cast %scan3A_85 : i32 to index
        %swap3A_198 = arith.constant 96 : index
        %swap3A_199 = tpu.vector_load %arg12[%swap3A_197, %swap3A_198] {strides = array<i32>} : memref<128x128xf32, #tpu.memory_space<vmem>>, vector<1x16xf32>,
        %swap3A_200 = vector.shape_cast %swap3A_199 : vector<1x16xf32> to vector<16xf32>
        %swap3A_201 = vector.shape_cast %max3A_196 : vector<16xf32> to vector<1x16xf32>
        tpu.vector_store %arg12[%swap3A_197, %swap3A_198], %swap3A_201 {strides = array<i32>} : memref<128x128xf32, #tpu.memory_space<vmem>>, vector<1x16xf32>,
        %get3A_202 = arith.index_cast %scan3A_85 : i32 to index
        %get3A_203 = arith.constant 112 : index
        %get3A_204 = tpu.vector_load %arg12[%get3A_202, %get3A_203] {strides = array<i32>} : memref<128x128xf32, #tpu.memory_space<vmem>>, vector<1x16xf32>,
        %get3A_205 = vector.shape_cast %get3A_204 : vector<1x16xf32> to vector<16xf32>
        %get3A_206 = arith.index_cast %scan3A_85 : i32 to index
        %get3A_207 = arith.constant 112 : index
        %get3A_208 = tpu.vector_load %arg13[%get3A_206, %get3A_207] {strides = array<i32>} : memref<128x128xf32, #tpu.memory_space<vmem>>, vector<1x16xf32>,
        %get3A_209 = vector.shape_cast %get3A_208 : vector<1x16xf32> to vector<16xf32>
        %add3A_210 = arith.addf %get3A_205, %get3A_209 : vector<16xf32>
        %max3A_211 = arith.constant 0.000000e+00 : f32
        %max3A_212 = vector.broadcast %max3A_211 : f32 to vector<16xf32>
        %max3A_213 = arith.maximumf %add3A_210, %max3A_212 : vector<16xf32>
        %swap3A_214 = arith.index_cast %scan3A_85 : i32 to index
        %swap3A_215 = arith.constant 112 : index
        %swap3A_216 = tpu.vector_load %arg12[%swap3A_214, %swap3A_215] {strides = array<i32>} : memref<128x128xf32, #tpu.memory_space<vmem>>, vector<1x16xf32>,
        %swap3A_217 = vector.shape_cast %swap3A_216 : vector<1x16xf32> to vector<16xf32>
        %swap3A_218 = vector.shape_cast %max3A_213 : vector<16xf32> to vector<1x16xf32>
        tpu.vector_store %arg12[%swap3A_214, %swap3A_215], %swap3A_218 {strides = array<i32>} : memref<128x128xf32, #tpu.memory_space<vmem>>, vector<1x16xf32>,
      }
      %scan3A_81 = arith.constant 128 : i32
      %dma_start3A_82 = arith.constant 0 : i32
      %dma_start3A_83 = arith.constant 0 : i32
      %dma_start3A_84 = tpu.memref_slice %arg16[%dma_start3A_82, %dma_start3A_83] : memref<10112x128xf32, #tpu.memory_space<vmem_shared>> -> memref<10112x128xf32, #tpu.memory_space<vmem_shared>>
      tpu.enqueue_indirect_dma source(%arg12 : memref<128x128xf32, #tpu.memory_space<vmem>>) target(%dma_start3A_84 : memref<10112x128xf32, #tpu.memory_space<vmem_shared>>) offsets(%arg11 : memref<128xi32, #tpu.memory_space<vmem>>) semaphore(%arg15 : memref<!tpu.dma_semaphore, #tpu.memory_space<semaphore_mem>>) {add = true}
    }
    %scan3A_11 = arith.constant 40 : i32
    %dma_wait3A = arith.constant 0 : i32
    %dma_wait3A_12 = arith.constant 0 : i32
    %dma_wait3A_13 = tpu.memref_slice %arg16[%dma_wait3A, %dma_wait3A_12] : memref<10112x128xf32, #tpu.memory_space<vmem_shared>> -> memref<10112x128xf32, #tpu.memory_space<vmem_shared>>
    tpu.wait_indirect_dma semaphore(%arg15 : memref<!tpu.dma_semaphore, #tpu.memory_space<semaphore_mem>>) src(%arg12 : memref<128x128xf32, #tpu.memory_space<vmem>>) dst(%dma_wait3A_13 : memref<10112x128xf32, #tpu.memory_space<vmem_shared>>)
    %barrier3A_14 = arith.constant 0 : index
    tpu.barrier barrier_id(%barrier3A_14)
    "tpu.region"() ({
      %run_scoped3A = tpu.sem_alloc : memref<!tpu.dma_semaphore, #tpu.memory_space<semaphore_mem>>
      %dma_start3A = arith.constant 0 : i32
      %dma_start3A_15 = tpu.memref_slice %arg7[%arg0, %mul3A_2, %dma_start3A] : memref<2x10112x128xf32, #tpu.memory_space<hbm>> -> memref<1x632x128xf32, #tpu.memory_space<hbm>>
      %dma_start3A_16 = tpu.memref_squeeze %dma_start3A_15 : memref<1x632x128xf32, #tpu.memory_space<hbm>> -> memref<632x128xf32, #tpu.memory_space<hbm>>
      %dma_start3A_17 = arith.constant 0 : i32
      %dma_start3A_18 = tpu.memref_slice %arg16[%mul3A_2, %dma_start3A_17] : memref<10112x128xf32, #tpu.memory_space<vmem_shared>> -> memref<632x128xf32, #tpu.memory_space<vmem_shared>>
      tpu.enqueue_dma source(%dma_start3A_18 : memref<632x128xf32, #tpu.memory_space<vmem_shared>>) target(%dma_start3A_16 : memref<632x128xf32, #tpu.memory_space<hbm>>) target_semaphore(%run_scoped3A : memref<!tpu.dma_semaphore, #tpu.memory_space<semaphore_mem>>)
      %dma_wait3A_19 = arith.constant 0 : i32
      %dma_wait3A_20 = tpu.memref_slice %arg7[%arg0, %mul3A_2, %dma_wait3A_19] : memref<2x10112x128xf32, #tpu.memory_space<hbm>> -> memref<1x632x128xf32, #tpu.memory_space<hbm>>
      %dma_wait3A_21 = tpu.memref_squeeze %dma_wait3A_20 : memref<1x632x128xf32, #tpu.memory_space<hbm>> -> memref<632x128xf32, #tpu.memory_space<hbm>>
      %dma_wait3A_22 = arith.constant 0 : i32
      %dma_wait3A_23 = tpu.memref_slice %arg16[%mul3A_2, %dma_wait3A_22] : memref<10112x128xf32, #tpu.memory_space<vmem_shared>> -> memref<632x128xf32, #tpu.memory_space<vmem_shared>>
      tpu.wait_dma2 semaphore(%run_scoped3A : memref<!tpu.dma_semaphore, #tpu.memory_space<semaphore_mem>>) src(%dma_wait3A_23 : memref<632x128xf32, #tpu.memory_space<vmem_shared>>) dst(%dma_wait3A_21 : memref<632x128xf32, #tpu.memory_space<hbm>>)
      tpu.yield
    }) : () -> ()
    return
  }
}

#map = affine_map<(d0, d1) -> (0)>
#map1 = affine_map<(d0, d1) -> (0, 0)>
#map2 = affine_map<(d0, d1) -> (0, 0, 0)>
module attributes {stable_mosaic.version = 14 : i64} {
  func.func @_edge_body(%arg0: i32, %arg1: i32, %arg2: memref<327680xi32, #tpu.memory_space<hbm>>, %arg3: memref<327680xi32, #tpu.memory_space<hbm>>, %arg4: memref<10112x128xf32, #tpu.memory_space<hbm>>, %arg5: memref<10112x128xf32, #tpu.memory_space<hbm>>, %arg6: memref<10112x128xf32, #tpu.memory_space<hbm>>, %arg7: memref<2x10112x128xf32, #tpu.memory_space<hbm>>, %arg8: memref<128xi32, #tpu.memory_space<vmem>>, %arg9: memref<128xi32, #tpu.memory_space<vmem>>, %arg10: memref<128xi32, #tpu.memory_space<vmem>>, %arg11: memref<128xi32, #tpu.memory_space<vmem>>, %arg12: memref<128x128xf32, #tpu.memory_space<vmem>>, %arg13: memref<128x128xf32, #tpu.memory_space<vmem>>, %arg14: memref<!tpu.dma_semaphore, #tpu.memory_space<semaphore_mem>>, %arg15: memref<!tpu.dma_semaphore, #tpu.memory_space<semaphore_mem>>, %arg16: memref<10112x128xf32, #tpu.memory_space<vmem_shared>>) attributes {dimension_semantics = [#tpu.dimension_semantics<core_parallel>, #tpu.dimension_semantics<subcore_parallel>], iteration_bounds = array<i64: 2, 16>, scalar_prefetch = 0 : i64, scratch_operands = 9 : i64, tpu.core_type = #tpu.core_type<sc_vector_subcore>, window_params = [{transform_indices = #map}, {transform_indices = #map}, {transform_indices = #map1}, {transform_indices = #map1}, {transform_indices = #map1}, {transform_indices = #map2}]} {
    %mul3A = arith.constant 16 : i32
    %mul3A_0 = arith.muli %arg0, %mul3A : i32
    %add3A = arith.addi %mul3A_0, %arg1 : i32
    %mul3A_1 = arith.constant 632 : i32
    %mul3A_2 = arith.muli %arg1, %mul3A_1 : i32
    "tpu.region"() ({
      %run_scoped3A = tpu.sem_alloc : memref<!tpu.dma_semaphore, #tpu.memory_space<semaphore_mem>>
      %dma_start3A = arith.constant 0 : i32
      %dma_start3A_15 = tpu.memref_slice %arg16[%mul3A_2, %dma_start3A] : memref<10112x128xf32, #tpu.memory_space<vmem_shared>> -> memref<632x128xf32, #tpu.memory_space<vmem_shared>>
      %dma_start3A_16 = arith.constant 0 : i32
      %dma_start3A_17 = tpu.memref_slice %arg6[%mul3A_2, %dma_start3A_16] : memref<10112x128xf32, #tpu.memory_space<hbm>> -> memref<632x128xf32, #tpu.memory_space<hbm>>
      tpu.enqueue_dma source(%dma_start3A_17 : memref<632x128xf32, #tpu.memory_space<hbm>>) target(%dma_start3A_15 : memref<632x128xf32, #tpu.memory_space<vmem_shared>>) target_semaphore(%run_scoped3A : memref<!tpu.dma_semaphore, #tpu.memory_space<semaphore_mem>>)
      %dma_wait3A_18 = arith.constant 0 : i32
      %dma_wait3A_19 = tpu.memref_slice %arg16[%mul3A_2, %dma_wait3A_18] : memref<10112x128xf32, #tpu.memory_space<vmem_shared>> -> memref<632x128xf32, #tpu.memory_space<vmem_shared>>
      %dma_wait3A_20 = arith.constant 0 : i32
      %dma_wait3A_21 = tpu.memref_slice %arg6[%mul3A_2, %dma_wait3A_20] : memref<10112x128xf32, #tpu.memory_space<hbm>> -> memref<632x128xf32, #tpu.memory_space<hbm>>
      tpu.wait_dma2 semaphore(%run_scoped3A : memref<!tpu.dma_semaphore, #tpu.memory_space<semaphore_mem>>) src(%dma_wait3A_21 : memref<632x128xf32, #tpu.memory_space<hbm>>) dst(%dma_wait3A_19 : memref<632x128xf32, #tpu.memory_space<vmem_shared>>)
      tpu.yield
    }) : () -> ()
    %barrier3A = arith.constant 0 : index
    tpu.barrier barrier_id(%barrier3A)
    %mul3A_3 = arith.constant 10240 : i32
    %mul3A_4 = arith.muli %add3A, %mul3A_3 : i32
    %add3A_5 = arith.constant 0 : i32
    %add3A_6 = arith.addi %mul3A_4, %add3A_5 : i32
    "tpu.region"() ({
      %run_scoped3A = tpu.sem_alloc : memref<!tpu.dma_semaphore, #tpu.memory_space<semaphore_mem>>
      %dma_start3A = tpu.memref_slice %arg2[%add3A_6] : memref<327680xi32, #tpu.memory_space<hbm>> -> memref<128xi32, #tpu.memory_space<hbm>>
      %dma_start3A_15 = tpu.memref_slice %arg2[%add3A_6] : memref<327680xi32, #tpu.memory_space<hbm>> -> memref<128xi32, #tpu.memory_space<hbm>>
      tpu.enqueue_dma source(%dma_start3A_15 : memref<128xi32, #tpu.memory_space<hbm>>) target(%arg8 : memref<128xi32, #tpu.memory_space<vmem>>) target_semaphore(%run_scoped3A : memref<!tpu.dma_semaphore, #tpu.memory_space<semaphore_mem>>)
      %dma_wait3A_16 = tpu.memref_slice %arg2[%add3A_6] : memref<327680xi32, #tpu.memory_space<hbm>> -> memref<128xi32, #tpu.memory_space<hbm>>
      %dma_wait3A_17 = tpu.memref_slice %arg2[%add3A_6] : memref<327680xi32, #tpu.memory_space<hbm>> -> memref<128xi32, #tpu.memory_space<hbm>>
      tpu.wait_dma2 semaphore(%run_scoped3A : memref<!tpu.dma_semaphore, #tpu.memory_space<semaphore_mem>>) src(%dma_wait3A_17 : memref<128xi32, #tpu.memory_space<hbm>>) dst(%arg8 : memref<128xi32, #tpu.memory_space<vmem>>)
      tpu.yield
    }) : () -> ()
    "tpu.region"() ({
      %run_scoped3A = tpu.sem_alloc : memref<!tpu.dma_semaphore, #tpu.memory_space<semaphore_mem>>
      %dma_start3A = tpu.memref_slice %arg3[%add3A_6] : memref<327680xi32, #tpu.memory_space<hbm>> -> memref<128xi32, #tpu.memory_space<hbm>>
      %dma_start3A_15 = tpu.memref_slice %arg3[%add3A_6] : memref<327680xi32, #tpu.memory_space<hbm>> -> memref<128xi32, #tpu.memory_space<hbm>>
      tpu.enqueue_dma source(%dma_start3A_15 : memref<128xi32, #tpu.memory_space<hbm>>) target(%arg9 : memref<128xi32, #tpu.memory_space<vmem>>) target_semaphore(%run_scoped3A : memref<!tpu.dma_semaphore, #tpu.memory_space<semaphore_mem>>)
      %dma_wait3A_16 = tpu.memref_slice %arg3[%add3A_6] : memref<327680xi32, #tpu.memory_space<hbm>> -> memref<128xi32, #tpu.memory_space<hbm>>
      %dma_wait3A_17 = tpu.memref_slice %arg3[%add3A_6] : memref<327680xi32, #tpu.memory_space<hbm>> -> memref<128xi32, #tpu.memory_space<hbm>>
      tpu.wait_dma2 semaphore(%run_scoped3A : memref<!tpu.dma_semaphore, #tpu.memory_space<semaphore_mem>>) src(%dma_wait3A_17 : memref<128xi32, #tpu.memory_space<hbm>>) dst(%arg9 : memref<128xi32, #tpu.memory_space<vmem>>)
      tpu.yield
    }) : () -> ()
    %scan3A = arith.constant 0 : i32
    %scan3A_7 = arith.constant 0 : i32
    %scan3A_8 = arith.constant 40 : i32
    %scan3A_9 = arith.addi %scan3A_7, %scan3A_8 : i32
    %scan3A_10 = arith.constant 1 : i32
    scf.for %scan3A_15 = %scan3A_7 to %scan3A_9 step %scan3A_10  : i32 {
      %mul3A_16 = arith.constant 2 : i32
      %mul3A_17 = arith.muli %mul3A_16, %scan3A_15 : i32
      %eq3A = arith.constant 0 : i32
      %eq3A_18 = arith.cmpi eq, %scan3A_15, %eq3A : i32
      %dma_start3A = arith.constant 0 : i32
      %dma_start3A_19 = arith.constant 0 : i32
      %dma_start3A_20 = tpu.memref_slice %arg5[%dma_start3A, %dma_start3A_19] : memref<10112x128xf32, #tpu.memory_space<hbm>> -> memref<10112x128xf32, #tpu.memory_space<hbm>>
      tpu.enqueue_indirect_dma source(%dma_start3A_20 : memref<10112x128xf32, #tpu.memory_space<hbm>>) target(%arg13 : memref<128x128xf32, #tpu.memory_space<vmem>>) offsets(%arg8 : memref<128xi32, #tpu.memory_space<vmem>>) semaphore(%arg14 : memref<!tpu.dma_semaphore, #tpu.memory_space<semaphore_mem>>)
      %not3A = arith.constant true
      %not3A_21 = arith.xori %eq3A_18, %not3A : i1
      %convert_element_type3A = arith.extui %not3A_21 : i1 to i32
      %cond3A = arith.constant 0 : i32
      %cond3A_22 = arith.cmpi ne, %convert_element_type3A, %cond3A : i32
      scf.if %cond3A_22 {
        %dma_wait3A_85 = arith.constant 0 : i32
        %dma_wait3A_86 = arith.constant 0 : i32
        %dma_wait3A_87 = tpu.memref_slice %arg16[%dma_wait3A_85, %dma_wait3A_86] : memref<10112x128xf32, #tpu.memory_space<vmem_shared>> -> memref<10112x128xf32, #tpu.memory_space<vmem_shared>>
        tpu.wait_indirect_dma semaphore(%arg15 : memref<!tpu.dma_semaphore, #tpu.memory_space<semaphore_mem>>) src(%arg12 : memref<128x128xf32, #tpu.memory_space<vmem>>) dst(%dma_wait3A_87 : memref<10112x128xf32, #tpu.memory_space<vmem_shared>>)
      } else {
      }
      %dma_start3A_23 = arith.constant 0 : i32
      %dma_start3A_24 = arith.constant 0 : i32
      %dma_start3A_25 = tpu.memref_slice %arg4[%dma_start3A_23, %dma_start3A_24] : memref<10112x128xf32, #tpu.memory_space<hbm>> -> memref<10112x128xf32, #tpu.memory_space<hbm>>
      tpu.enqueue_indirect_dma source(%dma_start3A_25 : memref<10112x128xf32, #tpu.memory_space<hbm>>) target(%arg12 : memref<128x128xf32, #tpu.memory_space<vmem>>) offsets(%arg9 : memref<128xi32, #tpu.memory_space<vmem>>) semaphore(%arg14 : memref<!tpu.dma_semaphore, #tpu.memory_space<semaphore_mem>>)
      %add3A_26 = arith.constant 1 : i32
      %add3A_27 = arith.addi %mul3A_17, %add3A_26 : i32
      %lt3A = arith.constant 80 : i32
      %lt3A_28 = arith.cmpi slt, %add3A_27, %lt3A : i32
      %convert_element_type3A_29 = arith.extui %lt3A_28 : i1 to i32
      %cond3A_30 = arith.constant 0 : i32
      %cond3A_31 = arith.cmpi ne, %convert_element_type3A_29, %cond3A_30 : i32
      scf.if %cond3A_31 {
        %add3A_85 = arith.constant 1 : i32
        %add3A_86 = arith.addi %mul3A_17, %add3A_85 : i32
        %mul3A_87 = arith.constant 128 : i32
        %mul3A_88 = arith.muli %add3A_86, %mul3A_87 : i32
        %add3A_89 = arith.addi %mul3A_4, %mul3A_88 : i32
        "tpu.region"() ({
          %run_scoped3A = tpu.sem_alloc : memref<!tpu.dma_semaphore, #tpu.memory_space<semaphore_mem>>
          %dma_start3A_90 = tpu.memref_slice %arg2[%add3A_89] : memref<327680xi32, #tpu.memory_space<hbm>> -> memref<128xi32, #tpu.memory_space<hbm>>
          %dma_start3A_91 = tpu.memref_slice %arg2[%add3A_89] : memref<327680xi32, #tpu.memory_space<hbm>> -> memref<128xi32, #tpu.memory_space<hbm>>
          tpu.enqueue_dma source(%dma_start3A_91 : memref<128xi32, #tpu.memory_space<hbm>>) target(%arg10 : memref<128xi32, #tpu.memory_space<vmem>>) target_semaphore(%run_scoped3A : memref<!tpu.dma_semaphore, #tpu.memory_space<semaphore_mem>>)
          %dma_wait3A_92 = tpu.memref_slice %arg2[%add3A_89] : memref<327680xi32, #tpu.memory_space<hbm>> -> memref<128xi32, #tpu.memory_space<hbm>>
          %dma_wait3A_93 = tpu.memref_slice %arg2[%add3A_89] : memref<327680xi32, #tpu.memory_space<hbm>> -> memref<128xi32, #tpu.memory_space<hbm>>
          tpu.wait_dma2 semaphore(%run_scoped3A : memref<!tpu.dma_semaphore, #tpu.memory_space<semaphore_mem>>) src(%dma_wait3A_93 : memref<128xi32, #tpu.memory_space<hbm>>) dst(%arg10 : memref<128xi32, #tpu.memory_space<vmem>>)
          tpu.yield
        }) : () -> ()
        "tpu.region"() ({
          %run_scoped3A = tpu.sem_alloc : memref<!tpu.dma_semaphore, #tpu.memory_space<semaphore_mem>>
          %dma_start3A_90 = tpu.memref_slice %arg3[%add3A_89] : memref<327680xi32, #tpu.memory_space<hbm>> -> memref<128xi32, #tpu.memory_space<hbm>>
          %dma_start3A_91 = tpu.memref_slice %arg3[%add3A_89] : memref<327680xi32, #tpu.memory_space<hbm>> -> memref<128xi32, #tpu.memory_space<hbm>>
          tpu.enqueue_dma source(%dma_start3A_91 : memref<128xi32, #tpu.memory_space<hbm>>) target(%arg11 : memref<128xi32, #tpu.memory_space<vmem>>) target_semaphore(%run_scoped3A : memref<!tpu.dma_semaphore, #tpu.memory_space<semaphore_mem>>)
          %dma_wait3A_92 = tpu.memref_slice %arg3[%add3A_89] : memref<327680xi32, #tpu.memory_space<hbm>> -> memref<128xi32, #tpu.memory_space<hbm>>
          %dma_wait3A_93 = tpu.memref_slice %arg3[%add3A_89] : memref<327680xi32, #tpu.memory_space<hbm>> -> memref<128xi32, #tpu.memory_space<hbm>>
          tpu.wait_dma2 semaphore(%run_scoped3A : memref<!tpu.dma_semaphore, #tpu.memory_space<semaphore_mem>>) src(%dma_wait3A_93 : memref<128xi32, #tpu.memory_space<hbm>>) dst(%arg11 : memref<128xi32, #tpu.memory_space<vmem>>)
          tpu.yield
        }) : () -> ()
      } else {
      }
      %dma_wait3A_32 = arith.constant 0 : i32
      %dma_wait3A_33 = arith.constant 0 : i32
      %dma_wait3A_34 = tpu.memref_slice %arg5[%dma_wait3A_32, %dma_wait3A_33] : memref<10112x128xf32, #tpu.memory_space<hbm>> -> memref<10112x128xf32, #tpu.memory_space<hbm>>
      tpu.wait_indirect_dma semaphore(%arg14 : memref<!tpu.dma_semaphore, #tpu.memory_space<semaphore_mem>>) src(%dma_wait3A_34 : memref<10112x128xf32, #tpu.memory_space<hbm>>) dst(%arg13 : memref<128x128xf32, #tpu.memory_space<vmem>>)
      %dma_wait3A_35 = arith.constant 0 : i32
      %dma_wait3A_36 = arith.constant 0 : i32
      %dma_wait3A_37 = tpu.memref_slice %arg4[%dma_wait3A_35, %dma_wait3A_36] : memref<10112x128xf32, #tpu.memory_space<hbm>> -> memref<10112x128xf32, #tpu.memory_space<hbm>>
      tpu.wait_indirect_dma semaphore(%arg14 : memref<!tpu.dma_semaphore, #tpu.memory_space<semaphore_mem>>) src(%dma_wait3A_37 : memref<10112x128xf32, #tpu.memory_space<hbm>>) dst(%arg12 : memref<128x128xf32, #tpu.memory_space<vmem>>)
      %scan3A_38 = arith.constant 0 : i32
      %scan3A_39 = arith.constant 0 : i32
      %scan3A_40 = arith.constant 128 : i32
      %scan3A_41 = arith.addi %scan3A_39, %scan3A_40 : i32
      %scan3A_42 = arith.constant 1 : i32
      scf.for %scan3A_85 = %scan3A_39 to %scan3A_41 step %scan3A_42  : i32 {
        %get3A = arith.index_cast %scan3A_85 : i32 to index
        %get3A_86 = arith.constant 0 : index
        %get3A_87 = tpu.vector_load %arg12[%get3A, %get3A_86] {strides = array<i32>} : memref<128x128xf32, #tpu.memory_space<vmem>>, vector<1x16xf32>,
        %get3A_88 = vector.shape_cast %get3A_87 : vector<1x16xf32> to vector<16xf32>
        %get3A_89 = arith.index_cast %scan3A_85 : i32 to index
        %get3A_90 = arith.constant 0 : index
        %get3A_91 = tpu.vector_load %arg13[%get3A_89, %get3A_90] {strides = array<i32>} : memref<128x128xf32, #tpu.memory_space<vmem>>, vector<1x16xf32>,
        %get3A_92 = vector.shape_cast %get3A_91 : vector<1x16xf32> to vector<16xf32>
        %add3A_93 = arith.addf %get3A_88, %get3A_92 : vector<16xf32>
        %max3A = arith.constant 0.000000e+00 : f32
        %max3A_94 = vector.broadcast %max3A : f32 to vector<16xf32>
        %max3A_95 = arith.maximumf %add3A_93, %max3A_94 : vector<16xf32>
        %swap3A = arith.index_cast %scan3A_85 : i32 to index
        %swap3A_96 = arith.constant 0 : index
        %swap3A_97 = tpu.vector_load %arg12[%swap3A, %swap3A_96] {strides = array<i32>} : memref<128x128xf32, #tpu.memory_space<vmem>>, vector<1x16xf32>,
        %swap3A_98 = vector.shape_cast %swap3A_97 : vector<1x16xf32> to vector<16xf32>
        %swap3A_99 = vector.shape_cast %max3A_95 : vector<16xf32> to vector<1x16xf32>
        tpu.vector_store %arg12[%swap3A, %swap3A_96], %swap3A_99 {strides = array<i32>} : memref<128x128xf32, #tpu.memory_space<vmem>>, vector<1x16xf32>,
        %get3A_100 = arith.index_cast %scan3A_85 : i32 to index
        %get3A_101 = arith.constant 16 : index
        %get3A_102 = tpu.vector_load %arg12[%get3A_100, %get3A_101] {strides = array<i32>} : memref<128x128xf32, #tpu.memory_space<vmem>>, vector<1x16xf32>,
        %get3A_103 = vector.shape_cast %get3A_102 : vector<1x16xf32> to vector<16xf32>
        %get3A_104 = arith.index_cast %scan3A_85 : i32 to index
        %get3A_105 = arith.constant 16 : index
        %get3A_106 = tpu.vector_load %arg13[%get3A_104, %get3A_105] {strides = array<i32>} : memref<128x128xf32, #tpu.memory_space<vmem>>, vector<1x16xf32>,
        %get3A_107 = vector.shape_cast %get3A_106 : vector<1x16xf32> to vector<16xf32>
        %add3A_108 = arith.addf %get3A_103, %get3A_107 : vector<16xf32>
        %max3A_109 = arith.constant 0.000000e+00 : f32
        %max3A_110 = vector.broadcast %max3A_109 : f32 to vector<16xf32>
        %max3A_111 = arith.maximumf %add3A_108, %max3A_110 : vector<16xf32>
        %swap3A_112 = arith.index_cast %scan3A_85 : i32 to index
        %swap3A_113 = arith.constant 16 : index
        %swap3A_114 = tpu.vector_load %arg12[%swap3A_112, %swap3A_113] {strides = array<i32>} : memref<128x128xf32, #tpu.memory_space<vmem>>, vector<1x16xf32>,
        %swap3A_115 = vector.shape_cast %swap3A_114 : vector<1x16xf32> to vector<16xf32>
        %swap3A_116 = vector.shape_cast %max3A_111 : vector<16xf32> to vector<1x16xf32>
        tpu.vector_store %arg12[%swap3A_112, %swap3A_113], %swap3A_116 {strides = array<i32>} : memref<128x128xf32, #tpu.memory_space<vmem>>, vector<1x16xf32>,
        %get3A_117 = arith.index_cast %scan3A_85 : i32 to index
        %get3A_118 = arith.constant 32 : index
        %get3A_119 = tpu.vector_load %arg12[%get3A_117, %get3A_118] {strides = array<i32>} : memref<128x128xf32, #tpu.memory_space<vmem>>, vector<1x16xf32>,
        %get3A_120 = vector.shape_cast %get3A_119 : vector<1x16xf32> to vector<16xf32>
        %get3A_121 = arith.index_cast %scan3A_85 : i32 to index
        %get3A_122 = arith.constant 32 : index
        %get3A_123 = tpu.vector_load %arg13[%get3A_121, %get3A_122] {strides = array<i32>} : memref<128x128xf32, #tpu.memory_space<vmem>>, vector<1x16xf32>,
        %get3A_124 = vector.shape_cast %get3A_123 : vector<1x16xf32> to vector<16xf32>
        %add3A_125 = arith.addf %get3A_120, %get3A_124 : vector<16xf32>
        %max3A_126 = arith.constant 0.000000e+00 : f32
        %max3A_127 = vector.broadcast %max3A_126 : f32 to vector<16xf32>
        %max3A_128 = arith.maximumf %add3A_125, %max3A_127 : vector<16xf32>
        %swap3A_129 = arith.index_cast %scan3A_85 : i32 to index
        %swap3A_130 = arith.constant 32 : index
        %swap3A_131 = tpu.vector_load %arg12[%swap3A_129, %swap3A_130] {strides = array<i32>} : memref<128x128xf32, #tpu.memory_space<vmem>>, vector<1x16xf32>,
        %swap3A_132 = vector.shape_cast %swap3A_131 : vector<1x16xf32> to vector<16xf32>
        %swap3A_133 = vector.shape_cast %max3A_128 : vector<16xf32> to vector<1x16xf32>
        tpu.vector_store %arg12[%swap3A_129, %swap3A_130], %swap3A_133 {strides = array<i32>} : memref<128x128xf32, #tpu.memory_space<vmem>>, vector<1x16xf32>,
        %get3A_134 = arith.index_cast %scan3A_85 : i32 to index
        %get3A_135 = arith.constant 48 : index
        %get3A_136 = tpu.vector_load %arg12[%get3A_134, %get3A_135] {strides = array<i32>} : memref<128x128xf32, #tpu.memory_space<vmem>>, vector<1x16xf32>,
        %get3A_137 = vector.shape_cast %get3A_136 : vector<1x16xf32> to vector<16xf32>
        %get3A_138 = arith.index_cast %scan3A_85 : i32 to index
        %get3A_139 = arith.constant 48 : index
        %get3A_140 = tpu.vector_load %arg13[%get3A_138, %get3A_139] {strides = array<i32>} : memref<128x128xf32, #tpu.memory_space<vmem>>, vector<1x16xf32>,
        %get3A_141 = vector.shape_cast %get3A_140 : vector<1x16xf32> to vector<16xf32>
        %add3A_142 = arith.addf %get3A_137, %get3A_141 : vector<16xf32>
        %max3A_143 = arith.constant 0.000000e+00 : f32
        %max3A_144 = vector.broadcast %max3A_143 : f32 to vector<16xf32>
        %max3A_145 = arith.maximumf %add3A_142, %max3A_144 : vector<16xf32>
        %swap3A_146 = arith.index_cast %scan3A_85 : i32 to index
        %swap3A_147 = arith.constant 48 : index
        %swap3A_148 = tpu.vector_load %arg12[%swap3A_146, %swap3A_147] {strides = array<i32>} : memref<128x128xf32, #tpu.memory_space<vmem>>, vector<1x16xf32>,
        %swap3A_149 = vector.shape_cast %swap3A_148 : vector<1x16xf32> to vector<16xf32>
        %swap3A_150 = vector.shape_cast %max3A_145 : vector<16xf32> to vector<1x16xf32>
        tpu.vector_store %arg12[%swap3A_146, %swap3A_147], %swap3A_150 {strides = array<i32>} : memref<128x128xf32, #tpu.memory_space<vmem>>, vector<1x16xf32>,
        %get3A_151 = arith.index_cast %scan3A_85 : i32 to index
        %get3A_152 = arith.constant 64 : index
        %get3A_153 = tpu.vector_load %arg12[%get3A_151, %get3A_152] {strides = array<i32>} : memref<128x128xf32, #tpu.memory_space<vmem>>, vector<1x16xf32>,
        %get3A_154 = vector.shape_cast %get3A_153 : vector<1x16xf32> to vector<16xf32>
        %get3A_155 = arith.index_cast %scan3A_85 : i32 to index
        %get3A_156 = arith.constant 64 : index
        %get3A_157 = tpu.vector_load %arg13[%get3A_155, %get3A_156] {strides = array<i32>} : memref<128x128xf32, #tpu.memory_space<vmem>>, vector<1x16xf32>,
        %get3A_158 = vector.shape_cast %get3A_157 : vector<1x16xf32> to vector<16xf32>
        %add3A_159 = arith.addf %get3A_154, %get3A_158 : vector<16xf32>
        %max3A_160 = arith.constant 0.000000e+00 : f32
        %max3A_161 = vector.broadcast %max3A_160 : f32 to vector<16xf32>
        %max3A_162 = arith.maximumf %add3A_159, %max3A_161 : vector<16xf32>
        %swap3A_163 = arith.index_cast %scan3A_85 : i32 to index
        %swap3A_164 = arith.constant 64 : index
        %swap3A_165 = tpu.vector_load %arg12[%swap3A_163, %swap3A_164] {strides = array<i32>} : memref<128x128xf32, #tpu.memory_space<vmem>>, vector<1x16xf32>,
        %swap3A_166 = vector.shape_cast %swap3A_165 : vector<1x16xf32> to vector<16xf32>
        %swap3A_167 = vector.shape_cast %max3A_162 : vector<16xf32> to vector<1x16xf32>
        tpu.vector_store %arg12[%swap3A_163, %swap3A_164], %swap3A_167 {strides = array<i32>} : memref<128x128xf32, #tpu.memory_space<vmem>>, vector<1x16xf32>,
        %get3A_168 = arith.index_cast %scan3A_85 : i32 to index
        %get3A_169 = arith.constant 80 : index
        %get3A_170 = tpu.vector_load %arg12[%get3A_168, %get3A_169] {strides = array<i32>} : memref<128x128xf32, #tpu.memory_space<vmem>>, vector<1x16xf32>,
        %get3A_171 = vector.shape_cast %get3A_170 : vector<1x16xf32> to vector<16xf32>
        %get3A_172 = arith.index_cast %scan3A_85 : i32 to index
        %get3A_173 = arith.constant 80 : index
        %get3A_174 = tpu.vector_load %arg13[%get3A_172, %get3A_173] {strides = array<i32>} : memref<128x128xf32, #tpu.memory_space<vmem>>, vector<1x16xf32>,
        %get3A_175 = vector.shape_cast %get3A_174 : vector<1x16xf32> to vector<16xf32>
        %add3A_176 = arith.addf %get3A_171, %get3A_175 : vector<16xf32>
        %max3A_177 = arith.constant 0.000000e+00 : f32
        %max3A_178 = vector.broadcast %max3A_177 : f32 to vector<16xf32>
        %max3A_179 = arith.maximumf %add3A_176, %max3A_178 : vector<16xf32>
        %swap3A_180 = arith.index_cast %scan3A_85 : i32 to index
        %swap3A_181 = arith.constant 80 : index
        %swap3A_182 = tpu.vector_load %arg12[%swap3A_180, %swap3A_181] {strides = array<i32>} : memref<128x128xf32, #tpu.memory_space<vmem>>, vector<1x16xf32>,
        %swap3A_183 = vector.shape_cast %swap3A_182 : vector<1x16xf32> to vector<16xf32>
        %swap3A_184 = vector.shape_cast %max3A_179 : vector<16xf32> to vector<1x16xf32>
        tpu.vector_store %arg12[%swap3A_180, %swap3A_181], %swap3A_184 {strides = array<i32>} : memref<128x128xf32, #tpu.memory_space<vmem>>, vector<1x16xf32>,
        %get3A_185 = arith.index_cast %scan3A_85 : i32 to index
        %get3A_186 = arith.constant 96 : index
        %get3A_187 = tpu.vector_load %arg12[%get3A_185, %get3A_186] {strides = array<i32>} : memref<128x128xf32, #tpu.memory_space<vmem>>, vector<1x16xf32>,
        %get3A_188 = vector.shape_cast %get3A_187 : vector<1x16xf32> to vector<16xf32>
        %get3A_189 = arith.index_cast %scan3A_85 : i32 to index
        %get3A_190 = arith.constant 96 : index
        %get3A_191 = tpu.vector_load %arg13[%get3A_189, %get3A_190] {strides = array<i32>} : memref<128x128xf32, #tpu.memory_space<vmem>>, vector<1x16xf32>,
        %get3A_192 = vector.shape_cast %get3A_191 : vector<1x16xf32> to vector<16xf32>
        %add3A_193 = arith.addf %get3A_188, %get3A_192 : vector<16xf32>
        %max3A_194 = arith.constant 0.000000e+00 : f32
        %max3A_195 = vector.broadcast %max3A_194 : f32 to vector<16xf32>
        %max3A_196 = arith.maximumf %add3A_193, %max3A_195 : vector<16xf32>
        %swap3A_197 = arith.index_cast %scan3A_85 : i32 to index
        %swap3A_198 = arith.constant 96 : index
        %swap3A_199 = tpu.vector_load %arg12[%swap3A_197, %swap3A_198] {strides = array<i32>} : memref<128x128xf32, #tpu.memory_space<vmem>>, vector<1x16xf32>,
        %swap3A_200 = vector.shape_cast %swap3A_199 : vector<1x16xf32> to vector<16xf32>
        %swap3A_201 = vector.shape_cast %max3A_196 : vector<16xf32> to vector<1x16xf32>
        tpu.vector_store %arg12[%swap3A_197, %swap3A_198], %swap3A_201 {strides = array<i32>} : memref<128x128xf32, #tpu.memory_space<vmem>>, vector<1x16xf32>,
        %get3A_202 = arith.index_cast %scan3A_85 : i32 to index
        %get3A_203 = arith.constant 112 : index
        %get3A_204 = tpu.vector_load %arg12[%get3A_202, %get3A_203] {strides = array<i32>} : memref<128x128xf32, #tpu.memory_space<vmem>>, vector<1x16xf32>,
        %get3A_205 = vector.shape_cast %get3A_204 : vector<1x16xf32> to vector<16xf32>
        %get3A_206 = arith.index_cast %scan3A_85 : i32 to index
        %get3A_207 = arith.constant 112 : index
        %get3A_208 = tpu.vector_load %arg13[%get3A_206, %get3A_207] {strides = array<i32>} : memref<128x128xf32, #tpu.memory_space<vmem>>, vector<1x16xf32>,
        %get3A_209 = vector.shape_cast %get3A_208 : vector<1x16xf32> to vector<16xf32>
        %add3A_210 = arith.addf %get3A_205, %get3A_209 : vector<16xf32>
        %max3A_211 = arith.constant 0.000000e+00 : f32
        %max3A_212 = vector.broadcast %max3A_211 : f32 to vector<16xf32>
        %max3A_213 = arith.maximumf %add3A_210, %max3A_212 : vector<16xf32>
        %swap3A_214 = arith.index_cast %scan3A_85 : i32 to index
        %swap3A_215 = arith.constant 112 : index
        %swap3A_216 = tpu.vector_load %arg12[%swap3A_214, %swap3A_215] {strides = array<i32>} : memref<128x128xf32, #tpu.memory_space<vmem>>, vector<1x16xf32>,
        %swap3A_217 = vector.shape_cast %swap3A_216 : vector<1x16xf32> to vector<16xf32>
        %swap3A_218 = vector.shape_cast %max3A_213 : vector<16xf32> to vector<1x16xf32>
        tpu.vector_store %arg12[%swap3A_214, %swap3A_215], %swap3A_218 {strides = array<i32>} : memref<128x128xf32, #tpu.memory_space<vmem>>, vector<1x16xf32>,
      }
      %scan3A_43 = arith.constant 128 : i32
      %dma_start3A_44 = arith.constant 0 : i32
      %dma_start3A_45 = arith.constant 0 : i32
      %dma_start3A_46 = tpu.memref_slice %arg16[%dma_start3A_44, %dma_start3A_45] : memref<10112x128xf32, #tpu.memory_space<vmem_shared>> -> memref<10112x128xf32, #tpu.memory_space<vmem_shared>>
      tpu.enqueue_indirect_dma source(%arg12 : memref<128x128xf32, #tpu.memory_space<vmem>>) target(%dma_start3A_46 : memref<10112x128xf32, #tpu.memory_space<vmem_shared>>) offsets(%arg9 : memref<128xi32, #tpu.memory_space<vmem>>) semaphore(%arg15 : memref<!tpu.dma_semaphore, #tpu.memory_space<semaphore_mem>>) {add = true}
      %mul3A_47 = arith.constant 2 : i32
      %mul3A_48 = arith.muli %mul3A_47, %scan3A_15 : i32
      %add3A_49 = arith.constant 1 : i32
      %add3A_50 = arith.addi %mul3A_48, %add3A_49 : i32
      %dma_start3A_51 = arith.constant 0 : i32
      %dma_start3A_52 = arith.constant 0 : i32
      %dma_start3A_53 = tpu.memref_slice %arg5[%dma_start3A_51, %dma_start3A_52] : memref<10112x128xf32, #tpu.memory_space<hbm>> -> memref<10112x128xf32, #tpu.memory_space<hbm>>
      tpu.enqueue_indirect_dma source(%dma_start3A_53 : memref<10112x128xf32, #tpu.memory_space<hbm>>) target(%arg13 : memref<128x128xf32, #tpu.memory_space<vmem>>) offsets(%arg10 : memref<128xi32, #tpu.memory_space<vmem>>) semaphore(%arg14 : memref<!tpu.dma_semaphore, #tpu.memory_space<semaphore_mem>>)
      %not3A_54 = arith.constant false
      %not3A_55 = arith.constant true
      %not3A_56 = arith.xori %not3A_54, %not3A_55 : i1
      %convert_element_type3A_57 = arith.extui %not3A_56 : i1 to i32
      %cond3A_58 = arith.constant 0 : i32
      %cond3A_59 = arith.cmpi ne, %convert_element_type3A_57, %cond3A_58 : i32
      scf.if %cond3A_59 {
        %dma_wait3A_85 = arith.constant 0 : i32
        %dma_wait3A_86 = arith.constant 0 : i32
        %dma_wait3A_87 = tpu.memref_slice %arg16[%dma_wait3A_85, %dma_wait3A_86] : memref<10112x128xf32, #tpu.memory_space<vmem_shared>> -> memref<10112x128xf32, #tpu.memory_space<vmem_shared>>
        tpu.wait_indirect_dma semaphore(%arg15 : memref<!tpu.dma_semaphore, #tpu.memory_space<semaphore_mem>>) src(%arg12 : memref<128x128xf32, #tpu.memory_space<vmem>>) dst(%dma_wait3A_87 : memref<10112x128xf32, #tpu.memory_space<vmem_shared>>)
      } else {
      }
      %dma_start3A_60 = arith.constant 0 : i32
      %dma_start3A_61 = arith.constant 0 : i32
      %dma_start3A_62 = tpu.memref_slice %arg4[%dma_start3A_60, %dma_start3A_61] : memref<10112x128xf32, #tpu.memory_space<hbm>> -> memref<10112x128xf32, #tpu.memory_space<hbm>>
      tpu.enqueue_indirect_dma source(%dma_start3A_62 : memref<10112x128xf32, #tpu.memory_space<hbm>>) target(%arg12 : memref<128x128xf32, #tpu.memory_space<vmem>>) offsets(%arg11 : memref<128xi32, #tpu.memory_space<vmem>>) semaphore(%arg14 : memref<!tpu.dma_semaphore, #tpu.memory_space<semaphore_mem>>)
      %add3A_63 = arith.constant 1 : i32
      %add3A_64 = arith.addi %add3A_50, %add3A_63 : i32
      %lt3A_65 = arith.constant 80 : i32
      %lt3A_66 = arith.cmpi slt, %add3A_64, %lt3A_65 : i32
      %convert_element_type3A_67 = arith.extui %lt3A_66 : i1 to i32
      %cond3A_68 = arith.constant 0 : i32
      %cond3A_69 = arith.cmpi ne, %convert_element_type3A_67, %cond3A_68 : i32
      scf.if %cond3A_69 {
        %add3A_85 = arith.constant 1 : i32
        %add3A_86 = arith.addi %add3A_50, %add3A_85 : i32
        %mul3A_87 = arith.constant 128 : i32
        %mul3A_88 = arith.muli %add3A_86, %mul3A_87 : i32
        %add3A_89 = arith.addi %mul3A_4, %mul3A_88 : i32
        "tpu.region"() ({
          %run_scoped3A = tpu.sem_alloc : memref<!tpu.dma_semaphore, #tpu.memory_space<semaphore_mem>>
          %dma_start3A_90 = tpu.memref_slice %arg2[%add3A_89] : memref<327680xi32, #tpu.memory_space<hbm>> -> memref<128xi32, #tpu.memory_space<hbm>>
          %dma_start3A_91 = tpu.memref_slice %arg2[%add3A_89] : memref<327680xi32, #tpu.memory_space<hbm>> -> memref<128xi32, #tpu.memory_space<hbm>>
          tpu.enqueue_dma source(%dma_start3A_91 : memref<128xi32, #tpu.memory_space<hbm>>) target(%arg8 : memref<128xi32, #tpu.memory_space<vmem>>) target_semaphore(%run_scoped3A : memref<!tpu.dma_semaphore, #tpu.memory_space<semaphore_mem>>)
          %dma_wait3A_92 = tpu.memref_slice %arg2[%add3A_89] : memref<327680xi32, #tpu.memory_space<hbm>> -> memref<128xi32, #tpu.memory_space<hbm>>
          %dma_wait3A_93 = tpu.memref_slice %arg2[%add3A_89] : memref<327680xi32, #tpu.memory_space<hbm>> -> memref<128xi32, #tpu.memory_space<hbm>>
          tpu.wait_dma2 semaphore(%run_scoped3A : memref<!tpu.dma_semaphore, #tpu.memory_space<semaphore_mem>>) src(%dma_wait3A_93 : memref<128xi32, #tpu.memory_space<hbm>>) dst(%arg8 : memref<128xi32, #tpu.memory_space<vmem>>)
          tpu.yield
        }) : () -> ()
        "tpu.region"() ({
          %run_scoped3A = tpu.sem_alloc : memref<!tpu.dma_semaphore, #tpu.memory_space<semaphore_mem>>
          %dma_start3A_90 = tpu.memref_slice %arg3[%add3A_89] : memref<327680xi32, #tpu.memory_space<hbm>> -> memref<128xi32, #tpu.memory_space<hbm>>
          %dma_start3A_91 = tpu.memref_slice %arg3[%add3A_89] : memref<327680xi32, #tpu.memory_space<hbm>> -> memref<128xi32, #tpu.memory_space<hbm>>
          tpu.enqueue_dma source(%dma_start3A_91 : memref<128xi32, #tpu.memory_space<hbm>>) target(%arg9 : memref<128xi32, #tpu.memory_space<vmem>>) target_semaphore(%run_scoped3A : memref<!tpu.dma_semaphore, #tpu.memory_space<semaphore_mem>>)
          %dma_wait3A_92 = tpu.memref_slice %arg3[%add3A_89] : memref<327680xi32, #tpu.memory_space<hbm>> -> memref<128xi32, #tpu.memory_space<hbm>>
          %dma_wait3A_93 = tpu.memref_slice %arg3[%add3A_89] : memref<327680xi32, #tpu.memory_space<hbm>> -> memref<128xi32, #tpu.memory_space<hbm>>
          tpu.wait_dma2 semaphore(%run_scoped3A : memref<!tpu.dma_semaphore, #tpu.memory_space<semaphore_mem>>) src(%dma_wait3A_93 : memref<128xi32, #tpu.memory_space<hbm>>) dst(%arg9 : memref<128xi32, #tpu.memory_space<vmem>>)
          tpu.yield
        }) : () -> ()
      } else {
      }
      %dma_wait3A_70 = arith.constant 0 : i32
      %dma_wait3A_71 = arith.constant 0 : i32
      %dma_wait3A_72 = tpu.memref_slice %arg5[%dma_wait3A_70, %dma_wait3A_71] : memref<10112x128xf32, #tpu.memory_space<hbm>> -> memref<10112x128xf32, #tpu.memory_space<hbm>>
      tpu.wait_indirect_dma semaphore(%arg14 : memref<!tpu.dma_semaphore, #tpu.memory_space<semaphore_mem>>) src(%dma_wait3A_72 : memref<10112x128xf32, #tpu.memory_space<hbm>>) dst(%arg13 : memref<128x128xf32, #tpu.memory_space<vmem>>)
      %dma_wait3A_73 = arith.constant 0 : i32
      %dma_wait3A_74 = arith.constant 0 : i32
      %dma_wait3A_75 = tpu.memref_slice %arg4[%dma_wait3A_73, %dma_wait3A_74] : memref<10112x128xf32, #tpu.memory_space<hbm>> -> memref<10112x128xf32, #tpu.memory_space<hbm>>
      tpu.wait_indirect_dma semaphore(%arg14 : memref<!tpu.dma_semaphore, #tpu.memory_space<semaphore_mem>>) src(%dma_wait3A_75 : memref<10112x128xf32, #tpu.memory_space<hbm>>) dst(%arg12 : memref<128x128xf32, #tpu.memory_space<vmem>>)
      %scan3A_76 = arith.constant 0 : i32
      %scan3A_77 = arith.constant 0 : i32
      %scan3A_78 = arith.constant 128 : i32
      %scan3A_79 = arith.addi %scan3A_77, %scan3A_78 : i32
      %scan3A_80 = arith.constant 1 : i32
      scf.for %scan3A_85 = %scan3A_77 to %scan3A_79 step %scan3A_80  : i32 {
        %get3A = arith.index_cast %scan3A_85 : i32 to index
        %get3A_86 = arith.constant 0 : index
        %get3A_87 = tpu.vector_load %arg12[%get3A, %get3A_86] {strides = array<i32>} : memref<128x128xf32, #tpu.memory_space<vmem>>, vector<1x16xf32>,
        %get3A_88 = vector.shape_cast %get3A_87 : vector<1x16xf32> to vector<16xf32>
        %get3A_89 = arith.index_cast %scan3A_85 : i32 to index
        %get3A_90 = arith.constant 0 : index
        %get3A_91 = tpu.vector_load %arg13[%get3A_89, %get3A_90] {strides = array<i32>} : memref<128x128xf32, #tpu.memory_space<vmem>>, vector<1x16xf32>,
        %get3A_92 = vector.shape_cast %get3A_91 : vector<1x16xf32> to vector<16xf32>
        %add3A_93 = arith.addf %get3A_88, %get3A_92 : vector<16xf32>
        %max3A = arith.constant 0.000000e+00 : f32
        %max3A_94 = vector.broadcast %max3A : f32 to vector<16xf32>
        %max3A_95 = arith.maximumf %add3A_93, %max3A_94 : vector<16xf32>
        %swap3A = arith.index_cast %scan3A_85 : i32 to index
        %swap3A_96 = arith.constant 0 : index
        %swap3A_97 = tpu.vector_load %arg12[%swap3A, %swap3A_96] {strides = array<i32>} : memref<128x128xf32, #tpu.memory_space<vmem>>, vector<1x16xf32>,
        %swap3A_98 = vector.shape_cast %swap3A_97 : vector<1x16xf32> to vector<16xf32>
        %swap3A_99 = vector.shape_cast %max3A_95 : vector<16xf32> to vector<1x16xf32>
        tpu.vector_store %arg12[%swap3A, %swap3A_96], %swap3A_99 {strides = array<i32>} : memref<128x128xf32, #tpu.memory_space<vmem>>, vector<1x16xf32>,
        %get3A_100 = arith.index_cast %scan3A_85 : i32 to index
        %get3A_101 = arith.constant 16 : index
        %get3A_102 = tpu.vector_load %arg12[%get3A_100, %get3A_101] {strides = array<i32>} : memref<128x128xf32, #tpu.memory_space<vmem>>, vector<1x16xf32>,
        %get3A_103 = vector.shape_cast %get3A_102 : vector<1x16xf32> to vector<16xf32>
        %get3A_104 = arith.index_cast %scan3A_85 : i32 to index
        %get3A_105 = arith.constant 16 : index
        %get3A_106 = tpu.vector_load %arg13[%get3A_104, %get3A_105] {strides = array<i32>} : memref<128x128xf32, #tpu.memory_space<vmem>>, vector<1x16xf32>,
        %get3A_107 = vector.shape_cast %get3A_106 : vector<1x16xf32> to vector<16xf32>
        %add3A_108 = arith.addf %get3A_103, %get3A_107 : vector<16xf32>
        %max3A_109 = arith.constant 0.000000e+00 : f32
        %max3A_110 = vector.broadcast %max3A_109 : f32 to vector<16xf32>
        %max3A_111 = arith.maximumf %add3A_108, %max3A_110 : vector<16xf32>
        %swap3A_112 = arith.index_cast %scan3A_85 : i32 to index
        %swap3A_113 = arith.constant 16 : index
        %swap3A_114 = tpu.vector_load %arg12[%swap3A_112, %swap3A_113] {strides = array<i32>} : memref<128x128xf32, #tpu.memory_space<vmem>>, vector<1x16xf32>,
        %swap3A_115 = vector.shape_cast %swap3A_114 : vector<1x16xf32> to vector<16xf32>
        %swap3A_116 = vector.shape_cast %max3A_111 : vector<16xf32> to vector<1x16xf32>
        tpu.vector_store %arg12[%swap3A_112, %swap3A_113], %swap3A_116 {strides = array<i32>} : memref<128x128xf32, #tpu.memory_space<vmem>>, vector<1x16xf32>,
        %get3A_117 = arith.index_cast %scan3A_85 : i32 to index
        %get3A_118 = arith.constant 32 : index
        %get3A_119 = tpu.vector_load %arg12[%get3A_117, %get3A_118] {strides = array<i32>} : memref<128x128xf32, #tpu.memory_space<vmem>>, vector<1x16xf32>,
        %get3A_120 = vector.shape_cast %get3A_119 : vector<1x16xf32> to vector<16xf32>
        %get3A_121 = arith.index_cast %scan3A_85 : i32 to index
        %get3A_122 = arith.constant 32 : index
        %get3A_123 = tpu.vector_load %arg13[%get3A_121, %get3A_122] {strides = array<i32>} : memref<128x128xf32, #tpu.memory_space<vmem>>, vector<1x16xf32>,
        %get3A_124 = vector.shape_cast %get3A_123 : vector<1x16xf32> to vector<16xf32>
        %add3A_125 = arith.addf %get3A_120, %get3A_124 : vector<16xf32>
        %max3A_126 = arith.constant 0.000000e+00 : f32
        %max3A_127 = vector.broadcast %max3A_126 : f32 to vector<16xf32>
        %max3A_128 = arith.maximumf %add3A_125, %max3A_127 : vector<16xf32>
        %swap3A_129 = arith.index_cast %scan3A_85 : i32 to index
        %swap3A_130 = arith.constant 32 : index
        %swap3A_131 = tpu.vector_load %arg12[%swap3A_129, %swap3A_130] {strides = array<i32>} : memref<128x128xf32, #tpu.memory_space<vmem>>, vector<1x16xf32>,
        %swap3A_132 = vector.shape_cast %swap3A_131 : vector<1x16xf32> to vector<16xf32>
        %swap3A_133 = vector.shape_cast %max3A_128 : vector<16xf32> to vector<1x16xf32>
        tpu.vector_store %arg12[%swap3A_129, %swap3A_130], %swap3A_133 {strides = array<i32>} : memref<128x128xf32, #tpu.memory_space<vmem>>, vector<1x16xf32>,
        %get3A_134 = arith.index_cast %scan3A_85 : i32 to index
        %get3A_135 = arith.constant 48 : index
        %get3A_136 = tpu.vector_load %arg12[%get3A_134, %get3A_135] {strides = array<i32>} : memref<128x128xf32, #tpu.memory_space<vmem>>, vector<1x16xf32>,
        %get3A_137 = vector.shape_cast %get3A_136 : vector<1x16xf32> to vector<16xf32>
        %get3A_138 = arith.index_cast %scan3A_85 : i32 to index
        %get3A_139 = arith.constant 48 : index
        %get3A_140 = tpu.vector_load %arg13[%get3A_138, %get3A_139] {strides = array<i32>} : memref<128x128xf32, #tpu.memory_space<vmem>>, vector<1x16xf32>,
        %get3A_141 = vector.shape_cast %get3A_140 : vector<1x16xf32> to vector<16xf32>
        %add3A_142 = arith.addf %get3A_137, %get3A_141 : vector<16xf32>
        %max3A_143 = arith.constant 0.000000e+00 : f32
        %max3A_144 = vector.broadcast %max3A_143 : f32 to vector<16xf32>
        %max3A_145 = arith.maximumf %add3A_142, %max3A_144 : vector<16xf32>
        %swap3A_146 = arith.index_cast %scan3A_85 : i32 to index
        %swap3A_147 = arith.constant 48 : index
        %swap3A_148 = tpu.vector_load %arg12[%swap3A_146, %swap3A_147] {strides = array<i32>} : memref<128x128xf32, #tpu.memory_space<vmem>>, vector<1x16xf32>,
        %swap3A_149 = vector.shape_cast %swap3A_148 : vector<1x16xf32> to vector<16xf32>
        %swap3A_150 = vector.shape_cast %max3A_145 : vector<16xf32> to vector<1x16xf32>
        tpu.vector_store %arg12[%swap3A_146, %swap3A_147], %swap3A_150 {strides = array<i32>} : memref<128x128xf32, #tpu.memory_space<vmem>>, vector<1x16xf32>,
        %get3A_151 = arith.index_cast %scan3A_85 : i32 to index
        %get3A_152 = arith.constant 64 : index
        %get3A_153 = tpu.vector_load %arg12[%get3A_151, %get3A_152] {strides = array<i32>} : memref<128x128xf32, #tpu.memory_space<vmem>>, vector<1x16xf32>,
        %get3A_154 = vector.shape_cast %get3A_153 : vector<1x16xf32> to vector<16xf32>
        %get3A_155 = arith.index_cast %scan3A_85 : i32 to index
        %get3A_156 = arith.constant 64 : index
        %get3A_157 = tpu.vector_load %arg13[%get3A_155, %get3A_156] {strides = array<i32>} : memref<128x128xf32, #tpu.memory_space<vmem>>, vector<1x16xf32>,
        %get3A_158 = vector.shape_cast %get3A_157 : vector<1x16xf32> to vector<16xf32>
        %add3A_159 = arith.addf %get3A_154, %get3A_158 : vector<16xf32>
        %max3A_160 = arith.constant 0.000000e+00 : f32
        %max3A_161 = vector.broadcast %max3A_160 : f32 to vector<16xf32>
        %max3A_162 = arith.maximumf %add3A_159, %max3A_161 : vector<16xf32>
        %swap3A_163 = arith.index_cast %scan3A_85 : i32 to index
        %swap3A_164 = arith.constant 64 : index
        %swap3A_165 = tpu.vector_load %arg12[%swap3A_163, %swap3A_164] {strides = array<i32>} : memref<128x128xf32, #tpu.memory_space<vmem>>, vector<1x16xf32>,
        %swap3A_166 = vector.shape_cast %swap3A_165 : vector<1x16xf32> to vector<16xf32>
        %swap3A_167 = vector.shape_cast %max3A_162 : vector<16xf32> to vector<1x16xf32>
        tpu.vector_store %arg12[%swap3A_163, %swap3A_164], %swap3A_167 {strides = array<i32>} : memref<128x128xf32, #tpu.memory_space<vmem>>, vector<1x16xf32>,
        %get3A_168 = arith.index_cast %scan3A_85 : i32 to index
        %get3A_169 = arith.constant 80 : index
        %get3A_170 = tpu.vector_load %arg12[%get3A_168, %get3A_169] {strides = array<i32>} : memref<128x128xf32, #tpu.memory_space<vmem>>, vector<1x16xf32>,
        %get3A_171 = vector.shape_cast %get3A_170 : vector<1x16xf32> to vector<16xf32>
        %get3A_172 = arith.index_cast %scan3A_85 : i32 to index
        %get3A_173 = arith.constant 80 : index
        %get3A_174 = tpu.vector_load %arg13[%get3A_172, %get3A_173] {strides = array<i32>} : memref<128x128xf32, #tpu.memory_space<vmem>>, vector<1x16xf32>,
        %get3A_175 = vector.shape_cast %get3A_174 : vector<1x16xf32> to vector<16xf32>
        %add3A_176 = arith.addf %get3A_171, %get3A_175 : vector<16xf32>
        %max3A_177 = arith.constant 0.000000e+00 : f32
        %max3A_178 = vector.broadcast %max3A_177 : f32 to vector<16xf32>
        %max3A_179 = arith.maximumf %add3A_176, %max3A_178 : vector<16xf32>
        %swap3A_180 = arith.index_cast %scan3A_85 : i32 to index
        %swap3A_181 = arith.constant 80 : index
        %swap3A_182 = tpu.vector_load %arg12[%swap3A_180, %swap3A_181] {strides = array<i32>} : memref<128x128xf32, #tpu.memory_space<vmem>>, vector<1x16xf32>,
        %swap3A_183 = vector.shape_cast %swap3A_182 : vector<1x16xf32> to vector<16xf32>
        %swap3A_184 = vector.shape_cast %max3A_179 : vector<16xf32> to vector<1x16xf32>
        tpu.vector_store %arg12[%swap3A_180, %swap3A_181], %swap3A_184 {strides = array<i32>} : memref<128x128xf32, #tpu.memory_space<vmem>>, vector<1x16xf32>,
        %get3A_185 = arith.index_cast %scan3A_85 : i32 to index
        %get3A_186 = arith.constant 96 : index
        %get3A_187 = tpu.vector_load %arg12[%get3A_185, %get3A_186] {strides = array<i32>} : memref<128x128xf32, #tpu.memory_space<vmem>>, vector<1x16xf32>,
        %get3A_188 = vector.shape_cast %get3A_187 : vector<1x16xf32> to vector<16xf32>
        %get3A_189 = arith.index_cast %scan3A_85 : i32 to index
        %get3A_190 = arith.constant 96 : index
        %get3A_191 = tpu.vector_load %arg13[%get3A_189, %get3A_190] {strides = array<i32>} : memref<128x128xf32, #tpu.memory_space<vmem>>, vector<1x16xf32>,
        %get3A_192 = vector.shape_cast %get3A_191 : vector<1x16xf32> to vector<16xf32>
        %add3A_193 = arith.addf %get3A_188, %get3A_192 : vector<16xf32>
        %max3A_194 = arith.constant 0.000000e+00 : f32
        %max3A_195 = vector.broadcast %max3A_194 : f32 to vector<16xf32>
        %max3A_196 = arith.maximumf %add3A_193, %max3A_195 : vector<16xf32>
        %swap3A_197 = arith.index_cast %scan3A_85 : i32 to index
        %swap3A_198 = arith.constant 96 : index
        %swap3A_199 = tpu.vector_load %arg12[%swap3A_197, %swap3A_198] {strides = array<i32>} : memref<128x128xf32, #tpu.memory_space<vmem>>, vector<1x16xf32>,
        %swap3A_200 = vector.shape_cast %swap3A_199 : vector<1x16xf32> to vector<16xf32>
        %swap3A_201 = vector.shape_cast %max3A_196 : vector<16xf32> to vector<1x16xf32>
        tpu.vector_store %arg12[%swap3A_197, %swap3A_198], %swap3A_201 {strides = array<i32>} : memref<128x128xf32, #tpu.memory_space<vmem>>, vector<1x16xf32>,
        %get3A_202 = arith.index_cast %scan3A_85 : i32 to index
        %get3A_203 = arith.constant 112 : index
        %get3A_204 = tpu.vector_load %arg12[%get3A_202, %get3A_203] {strides = array<i32>} : memref<128x128xf32, #tpu.memory_space<vmem>>, vector<1x16xf32>,
        %get3A_205 = vector.shape_cast %get3A_204 : vector<1x16xf32> to vector<16xf32>
        %get3A_206 = arith.index_cast %scan3A_85 : i32 to index
        %get3A_207 = arith.constant 112 : index
        %get3A_208 = tpu.vector_load %arg13[%get3A_206, %get3A_207] {strides = array<i32>} : memref<128x128xf32, #tpu.memory_space<vmem>>, vector<1x16xf32>,
        %get3A_209 = vector.shape_cast %get3A_208 : vector<1x16xf32> to vector<16xf32>
        %add3A_210 = arith.addf %get3A_205, %get3A_209 : vector<16xf32>
        %max3A_211 = arith.constant 0.000000e+00 : f32
        %max3A_212 = vector.broadcast %max3A_211 : f32 to vector<16xf32>
        %max3A_213 = arith.maximumf %add3A_210, %max3A_212 : vector<16xf32>
        %swap3A_214 = arith.index_cast %scan3A_85 : i32 to index
        %swap3A_215 = arith.constant 112 : index
        %swap3A_216 = tpu.vector_load %arg12[%swap3A_214, %swap3A_215] {strides = array<i32>} : memref<128x128xf32, #tpu.memory_space<vmem>>, vector<1x16xf32>,
        %swap3A_217 = vector.shape_cast %swap3A_216 : vector<1x16xf32> to vector<16xf32>
        %swap3A_218 = vector.shape_cast %max3A_213 : vector<16xf32> to vector<1x16xf32>
        tpu.vector_store %arg12[%swap3A_214, %swap3A_215], %swap3A_218 {strides = array<i32>} : memref<128x128xf32, #tpu.memory_space<vmem>>, vector<1x16xf32>,
      }
      %scan3A_81 = arith.constant 128 : i32
      %dma_start3A_82 = arith.constant 0 : i32
      %dma_start3A_83 = arith.constant 0 : i32
      %dma_start3A_84 = tpu.memref_slice %arg16[%dma_start3A_82, %dma_start3A_83] : memref<10112x128xf32, #tpu.memory_space<vmem_shared>> -> memref<10112x128xf32, #tpu.memory_space<vmem_shared>>
      tpu.enqueue_indirect_dma source(%arg12 : memref<128x128xf32, #tpu.memory_space<vmem>>) target(%dma_start3A_84 : memref<10112x128xf32, #tpu.memory_space<vmem_shared>>) offsets(%arg11 : memref<128xi32, #tpu.memory_space<vmem>>) semaphore(%arg15 : memref<!tpu.dma_semaphore, #tpu.memory_space<semaphore_mem>>) {add = true}
    }
    %scan3A_11 = arith.constant 40 : i32
    %dma_wait3A = arith.constant 0 : i32
    %dma_wait3A_12 = arith.constant 0 : i32
    %dma_wait3A_13 = tpu.memref_slice %arg16[%dma_wait3A, %dma_wait3A_12] : memref<10112x128xf32, #tpu.memory_space<vmem_shared>> -> memref<10112x128xf32, #tpu.memory_space<vmem_shared>>
    tpu.wait_indirect_dma semaphore(%arg15 : memref<!tpu.dma_semaphore, #tpu.memory_space<semaphore_mem>>) src(%arg12 : memref<128x128xf32, #tpu.memory_space<vmem>>) dst(%dma_wait3A_13 : memref<10112x128xf32, #tpu.memory_space<vmem_shared>>)
    %barrier3A_14 = arith.constant 0 : index
    tpu.barrier barrier_id(%barrier3A_14)
    "tpu.region"() ({
      %run_scoped3A = tpu.sem_alloc : memref<!tpu.dma_semaphore, #tpu.memory_space<semaphore_mem>>
      %dma_start3A = arith.constant 0 : i32
      %dma_start3A_15 = tpu.memref_slice %arg7[%arg0, %mul3A_2, %dma_start3A] : memref<2x10112x128xf32, #tpu.memory_space<hbm>> -> memref<1x632x128xf32, #tpu.memory_space<hbm>>
      %dma_start3A_16 = tpu.memref_squeeze %dma_start3A_15 : memref<1x632x128xf32, #tpu.memory_space<hbm>> -> memref<632x128xf32, #tpu.memory_space<hbm>>
      %dma_start3A_17 = arith.constant 0 : i32
      %dma_start3A_18 = tpu.memref_slice %arg16[%mul3A_2, %dma_start3A_17] : memref<10112x128xf32, #tpu.memory_space<vmem_shared>> -> memref<632x128xf32, #tpu.memory_space<vmem_shared>>
      tpu.enqueue_dma source(%dma_start3A_18 : memref<632x128xf32, #tpu.memory_space<vmem_shared>>) target(%dma_start3A_16 : memref<632x128xf32, #tpu.memory_space<hbm>>) target_semaphore(%run_scoped3A : memref<!tpu.dma_semaphore, #tpu.memory_space<semaphore_mem>>)
      %dma_wait3A_19 = arith.constant 0 : i32
      %dma_wait3A_20 = tpu.memref_slice %arg7[%arg0, %mul3A_2, %dma_wait3A_19] : memref<2x10112x128xf32, #tpu.memory_space<hbm>> -> memref<1x632x128xf32, #tpu.memory_space<hbm>>
      %dma_wait3A_21 = tpu.memref_squeeze %dma_wait3A_20 : memref<1x632x128xf32, #tpu.memory_space<hbm>> -> memref<632x128xf32, #tpu.memory_space<hbm>>
      %dma_wait3A_22 = arith.constant 0 : i32
      %dma_wait3A_23 = tpu.memref_slice %arg16[%mul3A_2, %dma_wait3A_22] : memref<10112x128xf32, #tpu.memory_space<vmem_shared>> -> memref<632x128xf32, #tpu.memory_space<vmem_shared>>
      tpu.wait_dma2 semaphore(%run_scoped3A : memref<!tpu.dma_semaphore, #tpu.memory_space<semaphore_mem>>) src(%dma_wait3A_23 : memref<632x128xf32, #tpu.memory_space<vmem_shared>>) dst(%dma_wait3A_21 : memref<632x128xf32, #tpu.memory_space<hbm>>)
      tpu.yield
    }) : () -> ()
    return
  }
}

#map = affine_map<(d0, d1) -> (0)>
#map1 = affine_map<(d0, d1) -> (0, 0)>
#map2 = affine_map<(d0, d1) -> (0, 0, 0)>
module attributes {stable_mosaic.version = 14 : i64} {
  func.func @_count_body(%arg0: i32, %arg1: i32, %arg2: memref<327680xi32, #tpu.memory_space<hbm>>, %arg3: memref<10112x128xf32, #tpu.memory_space<hbm>>, %arg4: memref<128x128xf32, #tpu.memory_space<hbm>>, %arg5: memref<2x10112x128xf32, #tpu.memory_space<hbm>>, %arg6: memref<128xi32, #tpu.memory_space<vmem>>, %arg7: memref<128xi32, #tpu.memory_space<vmem>>, %arg8: memref<128x128xf32, #tpu.memory_space<vmem>>, %arg9: memref<!tpu.dma_semaphore, #tpu.memory_space<semaphore_mem>>, %arg10: memref<10112x128xf32, #tpu.memory_space<vmem_shared>>) attributes {dimension_semantics = [#tpu.dimension_semantics<core_parallel>, #tpu.dimension_semantics<subcore_parallel>], iteration_bounds = array<i64: 2, 16>, scalar_prefetch = 0 : i64, scratch_operands = 5 : i64, tpu.core_type = #tpu.core_type<sc_vector_subcore>, window_params = [{transform_indices = #map}, {transform_indices = #map1}, {transform_indices = #map1}, {transform_indices = #map2}]} {
    %mul3A = arith.constant 16 : i32
    %mul3A_0 = arith.muli %arg0, %mul3A : i32
    %add3A = arith.addi %mul3A_0, %arg1 : i32
    %mul3A_1 = arith.constant 632 : i32
    %mul3A_2 = arith.muli %arg1, %mul3A_1 : i32
    "tpu.region"() ({
      %run_scoped3A = tpu.sem_alloc : memref<!tpu.dma_semaphore, #tpu.memory_space<semaphore_mem>>
      %dma_start3A = arith.constant 0 : i32
      %dma_start3A_15 = tpu.memref_slice %arg10[%mul3A_2, %dma_start3A] : memref<10112x128xf32, #tpu.memory_space<vmem_shared>> -> memref<632x128xf32, #tpu.memory_space<vmem_shared>>
      %dma_start3A_16 = arith.constant 0 : i32
      %dma_start3A_17 = tpu.memref_slice %arg3[%mul3A_2, %dma_start3A_16] : memref<10112x128xf32, #tpu.memory_space<hbm>> -> memref<632x128xf32, #tpu.memory_space<hbm>>
      tpu.enqueue_dma source(%dma_start3A_17 : memref<632x128xf32, #tpu.memory_space<hbm>>) target(%dma_start3A_15 : memref<632x128xf32, #tpu.memory_space<vmem_shared>>) target_semaphore(%run_scoped3A : memref<!tpu.dma_semaphore, #tpu.memory_space<semaphore_mem>>)
      %dma_wait3A_18 = arith.constant 0 : i32
      %dma_wait3A_19 = tpu.memref_slice %arg10[%mul3A_2, %dma_wait3A_18] : memref<10112x128xf32, #tpu.memory_space<vmem_shared>> -> memref<632x128xf32, #tpu.memory_space<vmem_shared>>
      %dma_wait3A_20 = arith.constant 0 : i32
      %dma_wait3A_21 = tpu.memref_slice %arg3[%mul3A_2, %dma_wait3A_20] : memref<10112x128xf32, #tpu.memory_space<hbm>> -> memref<632x128xf32, #tpu.memory_space<hbm>>
      tpu.wait_dma2 semaphore(%run_scoped3A : memref<!tpu.dma_semaphore, #tpu.memory_space<semaphore_mem>>) src(%dma_wait3A_21 : memref<632x128xf32, #tpu.memory_space<hbm>>) dst(%dma_wait3A_19 : memref<632x128xf32, #tpu.memory_space<vmem_shared>>)
      tpu.yield
    }) : () -> ()
    "tpu.region"() ({
      %run_scoped3A = tpu.sem_alloc : memref<!tpu.dma_semaphore, #tpu.memory_space<semaphore_mem>>
      tpu.enqueue_dma source(%arg4 : memref<128x128xf32, #tpu.memory_space<hbm>>) target(%arg8 : memref<128x128xf32, #tpu.memory_space<vmem>>) target_semaphore(%run_scoped3A : memref<!tpu.dma_semaphore, #tpu.memory_space<semaphore_mem>>)
      tpu.wait_dma2 semaphore(%run_scoped3A : memref<!tpu.dma_semaphore, #tpu.memory_space<semaphore_mem>>) src(%arg4 : memref<128x128xf32, #tpu.memory_space<hbm>>) dst(%arg8 : memref<128x128xf32, #tpu.memory_space<vmem>>)
      tpu.yield
    }) : () -> ()
    %barrier3A = arith.constant 0 : index
    tpu.barrier barrier_id(%barrier3A)
    %mul3A_3 = arith.constant 10240 : i32
    %mul3A_4 = arith.muli %add3A, %mul3A_3 : i32
    %add3A_5 = arith.constant 0 : i32
    %add3A_6 = arith.addi %mul3A_4, %add3A_5 : i32
    "tpu.region"() ({
      %run_scoped3A = tpu.sem_alloc : memref<!tpu.dma_semaphore, #tpu.memory_space<semaphore_mem>>
      %dma_start3A = tpu.memref_slice %arg2[%add3A_6] : memref<327680xi32, #tpu.memory_space<hbm>> -> memref<128xi32, #tpu.memory_space<hbm>>
      %dma_start3A_15 = tpu.memref_slice %arg2[%add3A_6] : memref<327680xi32, #tpu.memory_space<hbm>> -> memref<128xi32, #tpu.memory_space<hbm>>
      tpu.enqueue_dma source(%dma_start3A_15 : memref<128xi32, #tpu.memory_space<hbm>>) target(%arg6 : memref<128xi32, #tpu.memory_space<vmem>>) target_semaphore(%run_scoped3A : memref<!tpu.dma_semaphore, #tpu.memory_space<semaphore_mem>>)
      %dma_wait3A_16 = tpu.memref_slice %arg2[%add3A_6] : memref<327680xi32, #tpu.memory_space<hbm>> -> memref<128xi32, #tpu.memory_space<hbm>>
      %dma_wait3A_17 = tpu.memref_slice %arg2[%add3A_6] : memref<327680xi32, #tpu.memory_space<hbm>> -> memref<128xi32, #tpu.memory_space<hbm>>
      tpu.wait_dma2 semaphore(%run_scoped3A : memref<!tpu.dma_semaphore, #tpu.memory_space<semaphore_mem>>) src(%dma_wait3A_17 : memref<128xi32, #tpu.memory_space<hbm>>) dst(%arg6 : memref<128xi32, #tpu.memory_space<vmem>>)
      tpu.yield
    }) : () -> ()
    %scan3A = arith.constant 0 : i32
    %scan3A_7 = arith.constant 0 : i32
    %scan3A_8 = arith.constant 40 : i32
    %scan3A_9 = arith.addi %scan3A_7, %scan3A_8 : i32
    %scan3A_10 = arith.constant 1 : i32
    scf.for %scan3A_15 = %scan3A_7 to %scan3A_9 step %scan3A_10  : i32 {
      %mul3A_16 = arith.constant 2 : i32
      %mul3A_17 = arith.muli %mul3A_16, %scan3A_15 : i32
      %eq3A = arith.constant 0 : i32
      %eq3A_18 = arith.cmpi eq, %scan3A_15, %eq3A : i32
      %not3A = arith.constant true
      %not3A_19 = arith.xori %eq3A_18, %not3A : i1
      %convert_element_type3A = arith.extui %not3A_19 : i1 to i32
      %cond3A = arith.constant 0 : i32
      %cond3A_20 = arith.cmpi ne, %convert_element_type3A, %cond3A : i32
      scf.if %cond3A_20 {
        %dma_wait3A_49 = arith.constant 0 : i32
        %dma_wait3A_50 = arith.constant 0 : i32
        %dma_wait3A_51 = tpu.memref_slice %arg10[%dma_wait3A_49, %dma_wait3A_50] : memref<10112x128xf32, #tpu.memory_space<vmem_shared>> -> memref<10112x128xf32, #tpu.memory_space<vmem_shared>>
        tpu.wait_indirect_dma semaphore(%arg9 : memref<!tpu.dma_semaphore, #tpu.memory_space<semaphore_mem>>) src(%arg8 : memref<128x128xf32, #tpu.memory_space<vmem>>) dst(%dma_wait3A_51 : memref<10112x128xf32, #tpu.memory_space<vmem_shared>>)
      } else {
      }
      %add3A_21 = arith.constant 1 : i32
      %add3A_22 = arith.addi %mul3A_17, %add3A_21 : i32
      %lt3A = arith.constant 80 : i32
      %lt3A_23 = arith.cmpi slt, %add3A_22, %lt3A : i32
      %convert_element_type3A_24 = arith.extui %lt3A_23 : i1 to i32
      %cond3A_25 = arith.constant 0 : i32
      %cond3A_26 = arith.cmpi ne, %convert_element_type3A_24, %cond3A_25 : i32
      scf.if %cond3A_26 {
        %add3A_49 = arith.constant 1 : i32
        %add3A_50 = arith.addi %mul3A_17, %add3A_49 : i32
        %mul3A_51 = arith.constant 128 : i32
        %mul3A_52 = arith.muli %add3A_50, %mul3A_51 : i32
        %add3A_53 = arith.addi %mul3A_4, %mul3A_52 : i32
        "tpu.region"() ({
          %run_scoped3A = tpu.sem_alloc : memref<!tpu.dma_semaphore, #tpu.memory_space<semaphore_mem>>
          %dma_start3A_54 = tpu.memref_slice %arg2[%add3A_53] : memref<327680xi32, #tpu.memory_space<hbm>> -> memref<128xi32, #tpu.memory_space<hbm>>
          %dma_start3A_55 = tpu.memref_slice %arg2[%add3A_53] : memref<327680xi32, #tpu.memory_space<hbm>> -> memref<128xi32, #tpu.memory_space<hbm>>
          tpu.enqueue_dma source(%dma_start3A_55 : memref<128xi32, #tpu.memory_space<hbm>>) target(%arg7 : memref<128xi32, #tpu.memory_space<vmem>>) target_semaphore(%run_scoped3A : memref<!tpu.dma_semaphore, #tpu.memory_space<semaphore_mem>>)
          %dma_wait3A_56 = tpu.memref_slice %arg2[%add3A_53] : memref<327680xi32, #tpu.memory_space<hbm>> -> memref<128xi32, #tpu.memory_space<hbm>>
          %dma_wait3A_57 = tpu.memref_slice %arg2[%add3A_53] : memref<327680xi32, #tpu.memory_space<hbm>> -> memref<128xi32, #tpu.memory_space<hbm>>
          tpu.wait_dma2 semaphore(%run_scoped3A : memref<!tpu.dma_semaphore, #tpu.memory_space<semaphore_mem>>) src(%dma_wait3A_57 : memref<128xi32, #tpu.memory_space<hbm>>) dst(%arg7 : memref<128xi32, #tpu.memory_space<vmem>>)
          tpu.yield
        }) : () -> ()
      } else {
      }
      %dma_start3A = arith.constant 0 : i32
      %dma_start3A_27 = arith.constant 0 : i32
      %dma_start3A_28 = tpu.memref_slice %arg10[%dma_start3A, %dma_start3A_27] : memref<10112x128xf32, #tpu.memory_space<vmem_shared>> -> memref<10112x128xf32, #tpu.memory_space<vmem_shared>>
      tpu.enqueue_indirect_dma source(%arg8 : memref<128x128xf32, #tpu.memory_space<vmem>>) target(%dma_start3A_28 : memref<10112x128xf32, #tpu.memory_space<vmem_shared>>) offsets(%arg6 : memref<128xi32, #tpu.memory_space<vmem>>) semaphore(%arg9 : memref<!tpu.dma_semaphore, #tpu.memory_space<semaphore_mem>>) {add = true}
      %mul3A_29 = arith.constant 2 : i32
      %mul3A_30 = arith.muli %mul3A_29, %scan3A_15 : i32
      %add3A_31 = arith.constant 1 : i32
      %add3A_32 = arith.addi %mul3A_30, %add3A_31 : i32
      %not3A_33 = arith.constant false
      %not3A_34 = arith.constant true
      %not3A_35 = arith.xori %not3A_33, %not3A_34 : i1
      %convert_element_type3A_36 = arith.extui %not3A_35 : i1 to i32
      %cond3A_37 = arith.constant 0 : i32
      %cond3A_38 = arith.cmpi ne, %convert_element_type3A_36, %cond3A_37 : i32
      scf.if %cond3A_38 {
        %dma_wait3A_49 = arith.constant 0 : i32
        %dma_wait3A_50 = arith.constant 0 : i32
        %dma_wait3A_51 = tpu.memref_slice %arg10[%dma_wait3A_49, %dma_wait3A_50] : memref<10112x128xf32, #tpu.memory_space<vmem_shared>> -> memref<10112x128xf32, #tpu.memory_space<vmem_shared>>
        tpu.wait_indirect_dma semaphore(%arg9 : memref<!tpu.dma_semaphore, #tpu.memory_space<semaphore_mem>>) src(%arg8 : memref<128x128xf32, #tpu.memory_space<vmem>>) dst(%dma_wait3A_51 : memref<10112x128xf32, #tpu.memory_space<vmem_shared>>)
      } else {
      }
      %add3A_39 = arith.constant 1 : i32
      %add3A_40 = arith.addi %add3A_32, %add3A_39 : i32
      %lt3A_41 = arith.constant 80 : i32
      %lt3A_42 = arith.cmpi slt, %add3A_40, %lt3A_41 : i32
      %convert_element_type3A_43 = arith.extui %lt3A_42 : i1 to i32
      %cond3A_44 = arith.constant 0 : i32
      %cond3A_45 = arith.cmpi ne, %convert_element_type3A_43, %cond3A_44 : i32
      scf.if %cond3A_45 {
        %add3A_49 = arith.constant 1 : i32
        %add3A_50 = arith.addi %add3A_32, %add3A_49 : i32
        %mul3A_51 = arith.constant 128 : i32
        %mul3A_52 = arith.muli %add3A_50, %mul3A_51 : i32
        %add3A_53 = arith.addi %mul3A_4, %mul3A_52 : i32
        "tpu.region"() ({
          %run_scoped3A = tpu.sem_alloc : memref<!tpu.dma_semaphore, #tpu.memory_space<semaphore_mem>>
          %dma_start3A_54 = tpu.memref_slice %arg2[%add3A_53] : memref<327680xi32, #tpu.memory_space<hbm>> -> memref<128xi32, #tpu.memory_space<hbm>>
          %dma_start3A_55 = tpu.memref_slice %arg2[%add3A_53] : memref<327680xi32, #tpu.memory_space<hbm>> -> memref<128xi32, #tpu.memory_space<hbm>>
          tpu.enqueue_dma source(%dma_start3A_55 : memref<128xi32, #tpu.memory_space<hbm>>) target(%arg6 : memref<128xi32, #tpu.memory_space<vmem>>) target_semaphore(%run_scoped3A : memref<!tpu.dma_semaphore, #tpu.memory_space<semaphore_mem>>)
          %dma_wait3A_56 = tpu.memref_slice %arg2[%add3A_53] : memref<327680xi32, #tpu.memory_space<hbm>> -> memref<128xi32, #tpu.memory_space<hbm>>
          %dma_wait3A_57 = tpu.memref_slice %arg2[%add3A_53] : memref<327680xi32, #tpu.memory_space<hbm>> -> memref<128xi32, #tpu.memory_space<hbm>>
          tpu.wait_dma2 semaphore(%run_scoped3A : memref<!tpu.dma_semaphore, #tpu.memory_space<semaphore_mem>>) src(%dma_wait3A_57 : memref<128xi32, #tpu.memory_space<hbm>>) dst(%arg6 : memref<128xi32, #tpu.memory_space<vmem>>)
          tpu.yield
        }) : () -> ()
      } else {
      }
      %dma_start3A_46 = arith.constant 0 : i32
      %dma_start3A_47 = arith.constant 0 : i32
      %dma_start3A_48 = tpu.memref_slice %arg10[%dma_start3A_46, %dma_start3A_47] : memref<10112x128xf32, #tpu.memory_space<vmem_shared>> -> memref<10112x128xf32, #tpu.memory_space<vmem_shared>>
      tpu.enqueue_indirect_dma source(%arg8 : memref<128x128xf32, #tpu.memory_space<vmem>>) target(%dma_start3A_48 : memref<10112x128xf32, #tpu.memory_space<vmem_shared>>) offsets(%arg7 : memref<128xi32, #tpu.memory_space<vmem>>) semaphore(%arg9 : memref<!tpu.dma_semaphore, #tpu.memory_space<semaphore_mem>>) {add = true}
    }
    %scan3A_11 = arith.constant 40 : i32
    %dma_wait3A = arith.constant 0 : i32
    %dma_wait3A_12 = arith.constant 0 : i32
    %dma_wait3A_13 = tpu.memref_slice %arg10[%dma_wait3A, %dma_wait3A_12] : memref<10112x128xf32, #tpu.memory_space<vmem_shared>> -> memref<10112x128xf32, #tpu.memory_space<vmem_shared>>
    tpu.wait_indirect_dma semaphore(%arg9 : memref<!tpu.dma_semaphore, #tpu.memory_space<semaphore_mem>>) src(%arg8 : memref<128x128xf32, #tpu.memory_space<vmem>>) dst(%dma_wait3A_13 : memref<10112x128xf32, #tpu.memory_space<vmem_shared>>)
    %barrier3A_14 = arith.constant 0 : index
    tpu.barrier barrier_id(%barrier3A_14)
    "tpu.region"() ({
      %run_scoped3A = tpu.sem_alloc : memref<!tpu.dma_semaphore, #tpu.memory_space<semaphore_mem>>
      %dma_start3A = arith.constant 0 : i32
      %dma_start3A_15 = tpu.memref_slice %arg5[%arg0, %mul3A_2, %dma_start3A] : memref<2x10112x128xf32, #tpu.memory_space<hbm>> -> memref<1x632x128xf32, #tpu.memory_space<hbm>>
      %dma_start3A_16 = tpu.memref_squeeze %dma_start3A_15 : memref<1x632x128xf32, #tpu.memory_space<hbm>> -> memref<632x128xf32, #tpu.memory_space<hbm>>
      %dma_start3A_17 = arith.constant 0 : i32
      %dma_start3A_18 = tpu.memref_slice %arg10[%mul3A_2, %dma_start3A_17] : memref<10112x128xf32, #tpu.memory_space<vmem_shared>> -> memref<632x128xf32, #tpu.memory_space<vmem_shared>>
      tpu.enqueue_dma source(%dma_start3A_18 : memref<632x128xf32, #tpu.memory_space<vmem_shared>>) target(%dma_start3A_16 : memref<632x128xf32, #tpu.memory_space<hbm>>) target_semaphore(%run_scoped3A : memref<!tpu.dma_semaphore, #tpu.memory_space<semaphore_mem>>)
      %dma_wait3A_19 = arith.constant 0 : i32
      %dma_wait3A_20 = tpu.memref_slice %arg5[%arg0, %mul3A_2, %dma_wait3A_19] : memref<2x10112x128xf32, #tpu.memory_space<hbm>> -> memref<1x632x128xf32, #tpu.memory_space<hbm>>
      %dma_wait3A_21 = tpu.memref_squeeze %dma_wait3A_20 : memref<1x632x128xf32, #tpu.memory_space<hbm>> -> memref<632x128xf32, #tpu.memory_space<hbm>>
      %dma_wait3A_22 = arith.constant 0 : i32
      %dma_wait3A_23 = tpu.memref_slice %arg10[%mul3A_2, %dma_wait3A_22] : memref<10112x128xf32, #tpu.memory_space<vmem_shared>> -> memref<632x128xf32, #tpu.memory_space<vmem_shared>>
      tpu.wait_dma2 semaphore(%run_scoped3A : memref<!tpu.dma_semaphore, #tpu.memory_space<semaphore_mem>>) src(%dma_wait3A_23 : memref<632x128xf32, #tpu.memory_space<vmem_shared>>) dst(%dma_wait3A_21 : memref<632x128xf32, #tpu.memory_space<hbm>>)
      tpu.yield
    }) : () -> ()
    return
  }
}

module attributes {stable_mosaic.version = 14 : i64} {
  func.func @_pre_body(%arg0: i32, %arg1: memref<128x128xf32, #tpu.memory_space<vmem>>, %arg2: memref<256x128xf32, #tpu.memory_space<vmem>>, %arg3: memref<1x128xf32, #tpu.memory_space<vmem>>, %arg4: memref<128x128xf32, #tpu.memory_space<vmem>>, %arg5: memref<128x128xf32, #tpu.memory_space<vmem>>) attributes {dimension_semantics = [#tpu.dimension_semantics<arbitrary>], iteration_bounds = array<i64: 79>, scalar_prefetch = 0 : i64, scratch_operands = 0 : i64, tpu.core_type = #tpu.core_type<tc>, window_params = [{transform_indices = @transform_0, window_bounds = array<i64: 128, 128>}, {pipeline_mode = #tpu.pipeline_mode<synchronous>, transform_indices = @transform_1, window_bounds = array<i64: 256, 128>}, {pipeline_mode = #tpu.pipeline_mode<synchronous>, transform_indices = @transform_2, window_bounds = array<i64: 1, 128>}, {transform_indices = @transform_3, window_bounds = array<i64: 128, 128>}, {transform_indices = @transform_4, window_bounds = array<i64: 128, 128>}]} {
    %get3A = arith.constant 0 : index
    %get3A_0 = arith.constant 0 : index
    %get3A_1 = vector.load %arg2[%get3A, %get3A_0] : memref<256x128xf32, #tpu.memory_space<vmem>>, vector<128x128xf32>
    %get3A_2 = arith.constant 128 : index
    %get3A_3 = arith.constant 0 : index
    %get3A_4 = vector.load %arg2[%get3A_2, %get3A_3] : memref<256x128xf32, #tpu.memory_space<vmem>>, vector<128x128xf32>
    %get3A_5 = arith.constant 0 : index
    %get3A_6 = arith.constant 0 : index
    %get3A_7 = vector.load %arg1[%get3A_5, %get3A_6] : memref<128x128xf32, #tpu.memory_space<vmem>>, vector<128x128xf32>
    %dot_general3A = arith.constant dense<0.000000e+00> : vector<128x128xf32>
    %dot_general3A_8 = tpu.matmul %get3A_7, %get3A_4, %dot_general3A {dimension_numbers = #tpu.dot_dimension_numbers<[1], [0], [0], [1], [0, 0, 1, 1], [], []>, transpose_lhs_hint = false} : vector<128x128xf32>, vector<128x128xf32>, vector<128x128xf32> -> vector<128x128xf32>
    %swap3A = arith.constant 0 : index
    %swap3A_9 = arith.constant 0 : index
    %swap3A_10 = vector.load %arg5[%swap3A, %swap3A_9] : memref<128x128xf32, #tpu.memory_space<vmem>>, vector<128x128xf32>
    tpu.vector_store %arg5[%swap3A, %swap3A_9], %dot_general3A_8 {strides = array<i32>} : memref<128x128xf32, #tpu.memory_space<vmem>>, vector<128x128xf32>,
    %sub3A = arith.subf %get3A_1, %get3A_4 : vector<128x128xf32>
    %dot_general3A_11 = arith.constant dense<0.000000e+00> : vector<128x128xf32>
    %dot_general3A_12 = tpu.matmul %get3A_7, %sub3A, %dot_general3A_11 {dimension_numbers = #tpu.dot_dimension_numbers<[1], [0], [0], [1], [0, 0, 1, 1], [], []>, transpose_lhs_hint = false} : vector<128x128xf32>, vector<128x128xf32>, vector<128x128xf32> -> vector<128x128xf32>
    %get3A_13 = arith.constant 0 : index
    %get3A_14 = arith.constant 0 : index
    %get3A_15 = vector.load %arg3[%get3A_13, %get3A_14] : memref<1x128xf32, #tpu.memory_space<vmem>>, vector<1x128xf32>
    %add3A = vector.broadcast %get3A_15 : vector<1x128xf32> to vector<128x128xf32>
    %add3A_16 = arith.addf %dot_general3A_12, %add3A : vector<128x128xf32>
    %swap3A_17 = arith.constant 0 : index
    %swap3A_18 = arith.constant 0 : index
    %swap3A_19 = vector.load %arg4[%swap3A_17, %swap3A_18] : memref<128x128xf32, #tpu.memory_space<vmem>>, vector<128x128xf32>
    tpu.vector_store %arg4[%swap3A_17, %swap3A_18], %add3A_16 {strides = array<i32>} : memref<128x128xf32, #tpu.memory_space<vmem>>, vector<128x128xf32>,
    return
  }
  func.func @transform_0(%arg0: i32) -> (i32, i32) {
    %c0_i32 = arith.constant 0 : i32
    %c0_i32_0 = arith.constant 0 : i32
    return %arg0, %c0_i32 : i32, i32
  }
  func.func @transform_1(%arg0: i32) -> (i32, i32) {
    %c0_i32 = arith.constant 0 : i32
    %c0_i32_0 = arith.constant 0 : i32
    %c0_i32_1 = arith.constant 0 : i32
    return %c0_i32, %c0_i32_0 : i32, i32
  }
  func.func @transform_2(%arg0: i32) -> (i32, i32) {
    %c0_i32 = arith.constant 0 : i32
    %c0_i32_0 = arith.constant 0 : i32
    %c0_i32_1 = arith.constant 0 : i32
    return %c0_i32, %c0_i32_0 : i32, i32
  }
  func.func @transform_3(%arg0: i32) -> (i32, i32) {
    %c0_i32 = arith.constant 0 : i32
    %c0_i32_0 = arith.constant 0 : i32
    return %arg0, %c0_i32 : i32, i32
  }
  func.func @transform_4(%arg0: i32) -> (i32, i32) {
    %c0_i32 = arith.constant 0 : i32
    %c0_i32_0 = arith.constant 0 : i32
    return %arg0, %c0_i32 : i32, i32
  }
}

module attributes {stable_mosaic.version = 14 : i64} {
  func.func @_mid_body(%arg0: i32, %arg1: memref<2x128x128xf32, #tpu.memory_space<vmem>>, %arg2: memref<2x128x128xf32, #tpu.memory_space<vmem>>, %arg3: memref<128x128xf32, #tpu.memory_space<vmem>>, %arg4: memref<1x128xf32, #tpu.memory_space<vmem>>, %arg5: memref<256x128xf32, #tpu.memory_space<vmem>>, %arg6: memref<1x128xf32, #tpu.memory_space<vmem>>, %arg7: memref<128x128xf32, #tpu.memory_space<vmem>>, %arg8: memref<128x128xf32, #tpu.memory_space<vmem>>) attributes {dimension_semantics = [#tpu.dimension_semantics<arbitrary>], iteration_bounds = array<i64: 79>, scalar_prefetch = 0 : i64, scratch_operands = 0 : i64, tpu.core_type = #tpu.core_type<tc>, window_params = [{transform_indices = @transform_0, window_bounds = array<i64: 2, 128, 128>}, {transform_indices = @transform_1, window_bounds = array<i64: 2, 128, 128>}, {pipeline_mode = #tpu.pipeline_mode<synchronous>, transform_indices = @transform_2, window_bounds = array<i64: 128, 128>}, {pipeline_mode = #tpu.pipeline_mode<synchronous>, transform_indices = @transform_3, window_bounds = array<i64: 1, 128>}, {pipeline_mode = #tpu.pipeline_mode<synchronous>, transform_indices = @transform_4, window_bounds = array<i64: 256, 128>}, {pipeline_mode = #tpu.pipeline_mode<synchronous>, transform_indices = @transform_5, window_bounds = array<i64: 1, 128>}, {transform_indices = @transform_6, window_bounds = array<i64: 128, 128>}, {transform_indices = @transform_7, window_bounds = array<i64: 128, 128>}]} {
    %get3A = arith.constant 0 : index
    %get3A_0 = arith.constant 0 : index
    %get3A_1 = arith.constant 0 : index
    %get3A_2 = vector.load %arg2[%get3A, %get3A_0, %get3A_1] : memref<2x128x128xf32, #tpu.memory_space<vmem>>, vector<1x128x128xf32>
    %get3A_3 = vector.shape_cast %get3A_2 : vector<1x128x128xf32> to vector<128x128xf32>
    %reduce_max3A = arith.constant dense<0xFF800000> : vector<128xf32>
    %reduce_max3A_4 = vector.multi_reduction <maximumf>, %get3A_3, %reduce_max3A [1] : vector<128x128xf32> to vector<128xf32>
    %broadcast_in_dim3A = vector.shape_cast %reduce_max3A_4 : vector<128xf32> to vector<128x1xf32>
    %get3A_5 = arith.constant 1 : index
    %get3A_6 = arith.constant 0 : index
    %get3A_7 = arith.constant 0 : index
    %get3A_8 = vector.load %arg2[%get3A_5, %get3A_6, %get3A_7] : memref<2x128x128xf32, #tpu.memory_space<vmem>>, vector<1x128x128xf32>
    %get3A_9 = vector.shape_cast %get3A_8 : vector<1x128x128xf32> to vector<128x128xf32>
    %reduce_max3A_10 = arith.constant dense<0xFF800000> : vector<128xf32>
    %reduce_max3A_11 = vector.multi_reduction <maximumf>, %get3A_9, %reduce_max3A_10 [1] : vector<128x128xf32> to vector<128xf32>
    %broadcast_in_dim3A_12 = vector.shape_cast %reduce_max3A_11 : vector<128xf32> to vector<128x1xf32>
    %add3A = arith.addf %broadcast_in_dim3A, %broadcast_in_dim3A_12 : vector<128x1xf32>
    %get3A_13 = arith.constant 0 : index
    %get3A_14 = arith.constant 0 : index
    %get3A_15 = arith.constant 0 : index
    %get3A_16 = vector.load %arg1[%get3A_13, %get3A_14, %get3A_15] : memref<2x128x128xf32, #tpu.memory_space<vmem>>, vector<1x128x128xf32>
    %get3A_17 = vector.shape_cast %get3A_16 : vector<1x128x128xf32> to vector<128x128xf32>
    %get3A_18 = arith.constant 1 : index
    %get3A_19 = arith.constant 0 : index
    %get3A_20 = arith.constant 0 : index
    %get3A_21 = vector.load %arg1[%get3A_18, %get3A_19, %get3A_20] : memref<2x128x128xf32, #tpu.memory_space<vmem>>, vector<1x128x128xf32>
    %get3A_22 = vector.shape_cast %get3A_21 : vector<1x128x128xf32> to vector<128x128xf32>
    %add3A_23 = arith.addf %get3A_17, %get3A_22 : vector<128x128xf32>
    %max3A = arith.constant 1.000000e+00 : f32
    %max3A_24 = vector.broadcast %max3A : f32 to vector<128x1xf32>
    %max3A_25 = arith.maximumf %add3A, %max3A_24 : vector<128x1xf32>
    %div3A = vector.broadcast %max3A_25 : vector<128x1xf32> to vector<128x128xf32>
    %div3A_26 = arith.divf %add3A_23, %div3A : vector<128x128xf32>
    %get3A_27 = arith.constant 0 : index
    %get3A_28 = arith.constant 0 : index
    %get3A_29 = vector.load %arg3[%get3A_27, %get3A_28] : memref<128x128xf32, #tpu.memory_space<vmem>>, vector<128x128xf32>
    %dot_general3A = arith.constant dense<0.000000e+00> : vector<128x128xf32>
    %dot_general3A_30 = tpu.matmul %div3A_26, %get3A_29, %dot_general3A {dimension_numbers = #tpu.dot_dimension_numbers<[1], [0], [0], [1], [0, 0, 1, 1], [], []>, transpose_lhs_hint = false} : vector<128x128xf32>, vector<128x128xf32>, vector<128x128xf32> -> vector<128x128xf32>
    %get3A_31 = arith.constant 0 : index
    %get3A_32 = arith.constant 0 : index
    %get3A_33 = vector.load %arg4[%get3A_31, %get3A_32] : memref<1x128xf32, #tpu.memory_space<vmem>>, vector<1x128xf32>
    %min3A = arith.constant 1.000000e+00 : f32
    %min3A_34 = vector.broadcast %min3A : f32 to vector<128x1xf32>
    %min3A_35 = arith.minimumf %add3A, %min3A_34 : vector<128x1xf32>
    %mul3A = vector.broadcast %get3A_33 : vector<1x128xf32> to vector<128x128xf32>
    %mul3A_36 = vector.broadcast %min3A_35 : vector<128x1xf32> to vector<128x128xf32>
    %mul3A_37 = arith.mulf %mul3A, %mul3A_36 : vector<128x128xf32>
    %add3A_38 = arith.addf %dot_general3A_30, %mul3A_37 : vector<128x128xf32>
    %get3A_39 = arith.constant 0 : index
    %get3A_40 = arith.constant 0 : index
    %get3A_41 = vector.load %arg5[%get3A_39, %get3A_40] : memref<256x128xf32, #tpu.memory_space<vmem>>, vector<128x128xf32>
    %get3A_42 = arith.constant 128 : index
    %get3A_43 = arith.constant 0 : index
    %get3A_44 = vector.load %arg5[%get3A_42, %get3A_43] : memref<256x128xf32, #tpu.memory_space<vmem>>, vector<128x128xf32>
    %dot_general3A_45 = arith.constant dense<0.000000e+00> : vector<128x128xf32>
    %dot_general3A_46 = tpu.matmul %add3A_38, %get3A_44, %dot_general3A_45 {dimension_numbers = #tpu.dot_dimension_numbers<[1], [0], [0], [1], [0, 0, 1, 1], [], []>, transpose_lhs_hint = false} : vector<128x128xf32>, vector<128x128xf32>, vector<128x128xf32> -> vector<128x128xf32>
    %swap3A = arith.constant 0 : index
    %swap3A_47 = arith.constant 0 : index
    %swap3A_48 = vector.load %arg8[%swap3A, %swap3A_47] : memref<128x128xf32, #tpu.memory_space<vmem>>, vector<128x128xf32>
    tpu.vector_store %arg8[%swap3A, %swap3A_47], %dot_general3A_46 {strides = array<i32>} : memref<128x128xf32, #tpu.memory_space<vmem>>, vector<128x128xf32>,
    %sub3A = arith.subf %get3A_41, %get3A_44 : vector<128x128xf32>
    %dot_general3A_49 = arith.constant dense<0.000000e+00> : vector<128x128xf32>
    %dot_general3A_50 = tpu.matmul %add3A_38, %sub3A, %dot_general3A_49 {dimension_numbers = #tpu.dot_dimension_numbers<[1], [0], [0], [1], [0, 0, 1, 1], [], []>, transpose_lhs_hint = false} : vector<128x128xf32>, vector<128x128xf32>, vector<128x128xf32> -> vector<128x128xf32>
    %get3A_51 = arith.constant 0 : index
    %get3A_52 = arith.constant 0 : index
    %get3A_53 = vector.load %arg6[%get3A_51, %get3A_52] : memref<1x128xf32, #tpu.memory_space<vmem>>, vector<1x128xf32>
    %add3A_54 = vector.broadcast %get3A_53 : vector<1x128xf32> to vector<128x128xf32>
    %add3A_55 = arith.addf %dot_general3A_50, %add3A_54 : vector<128x128xf32>
    %swap3A_56 = arith.constant 0 : index
    %swap3A_57 = arith.constant 0 : index
    %swap3A_58 = vector.load %arg7[%swap3A_56, %swap3A_57] : memref<128x128xf32, #tpu.memory_space<vmem>>, vector<128x128xf32>
    tpu.vector_store %arg7[%swap3A_56, %swap3A_57], %add3A_55 {strides = array<i32>} : memref<128x128xf32, #tpu.memory_space<vmem>>, vector<128x128xf32>,
    return
  }
  func.func @transform_0(%arg0: i32) -> (i32, i32, i32) {
    %c0_i32 = arith.constant 0 : i32
    %c0_i32_0 = arith.constant 0 : i32
    %c0_i32_1 = arith.constant 0 : i32
    return %c0_i32, %arg0, %c0_i32_0 : i32, i32, i32
  }
  func.func @transform_1(%arg0: i32) -> (i32, i32, i32) {
    %c0_i32 = arith.constant 0 : i32
    %c0_i32_0 = arith.constant 0 : i32
    %c0_i32_1 = arith.constant 0 : i32
    return %c0_i32, %arg0, %c0_i32_0 : i32, i32, i32
  }
  func.func @transform_2(%arg0: i32) -> (i32, i32) {
    %c0_i32 = arith.constant 0 : i32
    %c0_i32_0 = arith.constant 0 : i32
    %c0_i32_1 = arith.constant 0 : i32
    return %c0_i32, %c0_i32_0 : i32, i32
  }
  func.func @transform_3(%arg0: i32) -> (i32, i32) {
    %c0_i32 = arith.constant 0 : i32
    %c0_i32_0 = arith.constant 0 : i32
    %c0_i32_1 = arith.constant 0 : i32
    return %c0_i32, %c0_i32_0 : i32, i32
  }
  func.func @transform_4(%arg0: i32) -> (i32, i32) {
    %c0_i32 = arith.constant 0 : i32
    %c0_i32_0 = arith.constant 0 : i32
    %c0_i32_1 = arith.constant 0 : i32
    return %c0_i32, %c0_i32_0 : i32, i32
  }
  func.func @transform_5(%arg0: i32) -> (i32, i32) {
    %c0_i32 = arith.constant 0 : i32
    %c0_i32_0 = arith.constant 0 : i32
    %c0_i32_1 = arith.constant 0 : i32
    return %c0_i32, %c0_i32_0 : i32, i32
  }
  func.func @transform_6(%arg0: i32) -> (i32, i32) {
    %c0_i32 = arith.constant 0 : i32
    %c0_i32_0 = arith.constant 0 : i32
    return %arg0, %c0_i32 : i32, i32
  }
  func.func @transform_7(%arg0: i32) -> (i32, i32) {
    %c0_i32 = arith.constant 0 : i32
    %c0_i32_0 = arith.constant 0 : i32
    return %arg0, %c0_i32 : i32, i32
  }
}

module attributes {stable_mosaic.version = 14 : i64} {
  func.func @_head_body(%arg0: i32, %arg1: memref<2x128x128xf32, #tpu.memory_space<vmem>>, %arg2: memref<2x128x128xf32, #tpu.memory_space<vmem>>, %arg3: memref<128x128xf32, #tpu.memory_space<vmem>>, %arg4: memref<1x128xf32, #tpu.memory_space<vmem>>, %arg5: memref<128x512xf32, #tpu.memory_space<vmem>>, %arg6: memref<1x512xf32, #tpu.memory_space<vmem>>, %arg7: memref<512x128xf32, #tpu.memory_space<vmem>>, %arg8: memref<1x128xf32, #tpu.memory_space<vmem>>, %arg9: memref<128x128xf32, #tpu.memory_space<vmem>>) attributes {dimension_semantics = [#tpu.dimension_semantics<arbitrary>], iteration_bounds = array<i64: 40>, scalar_prefetch = 0 : i64, scratch_operands = 0 : i64, tpu.core_type = #tpu.core_type<tc>, window_params = [{transform_indices = @transform_0, window_bounds = array<i64: 2, 128, 128>}, {transform_indices = @transform_1, window_bounds = array<i64: 2, 128, 128>}, {pipeline_mode = #tpu.pipeline_mode<synchronous>, transform_indices = @transform_2, window_bounds = array<i64: 128, 128>}, {pipeline_mode = #tpu.pipeline_mode<synchronous>, transform_indices = @transform_3, window_bounds = array<i64: 1, 128>}, {pipeline_mode = #tpu.pipeline_mode<synchronous>, transform_indices = @transform_4, window_bounds = array<i64: 128, 512>}, {pipeline_mode = #tpu.pipeline_mode<synchronous>, transform_indices = @transform_5, window_bounds = array<i64: 1, 512>}, {pipeline_mode = #tpu.pipeline_mode<synchronous>, transform_indices = @transform_6, window_bounds = array<i64: 512, 128>}, {pipeline_mode = #tpu.pipeline_mode<synchronous>, transform_indices = @transform_7, window_bounds = array<i64: 1, 128>}, {transform_indices = @transform_8, window_bounds = array<i64: 128, 128>}]} {
    %get3A = arith.constant 0 : index
    %get3A_0 = arith.constant 0 : index
    %get3A_1 = arith.constant 0 : index
    %get3A_2 = vector.load %arg2[%get3A, %get3A_0, %get3A_1] : memref<2x128x128xf32, #tpu.memory_space<vmem>>, vector<1x128x128xf32>
    %get3A_3 = vector.shape_cast %get3A_2 : vector<1x128x128xf32> to vector<128x128xf32>
    %reduce_max3A = arith.constant dense<0xFF800000> : vector<128xf32>
    %reduce_max3A_4 = vector.multi_reduction <maximumf>, %get3A_3, %reduce_max3A [1] : vector<128x128xf32> to vector<128xf32>
    %broadcast_in_dim3A = vector.shape_cast %reduce_max3A_4 : vector<128xf32> to vector<128x1xf32>
    %get3A_5 = arith.constant 1 : index
    %get3A_6 = arith.constant 0 : index
    %get3A_7 = arith.constant 0 : index
    %get3A_8 = vector.load %arg2[%get3A_5, %get3A_6, %get3A_7] : memref<2x128x128xf32, #tpu.memory_space<vmem>>, vector<1x128x128xf32>
    %get3A_9 = vector.shape_cast %get3A_8 : vector<1x128x128xf32> to vector<128x128xf32>
    %reduce_max3A_10 = arith.constant dense<0xFF800000> : vector<128xf32>
    %reduce_max3A_11 = vector.multi_reduction <maximumf>, %get3A_9, %reduce_max3A_10 [1] : vector<128x128xf32> to vector<128xf32>
    %broadcast_in_dim3A_12 = vector.shape_cast %reduce_max3A_11 : vector<128xf32> to vector<128x1xf32>
    %add3A = arith.addf %broadcast_in_dim3A, %broadcast_in_dim3A_12 : vector<128x1xf32>
    %get3A_13 = arith.constant 0 : index
    %get3A_14 = arith.constant 0 : index
    %get3A_15 = arith.constant 0 : index
    %get3A_16 = vector.load %arg1[%get3A_13, %get3A_14, %get3A_15] : memref<2x128x128xf32, #tpu.memory_space<vmem>>, vector<1x128x128xf32>
    %get3A_17 = vector.shape_cast %get3A_16 : vector<1x128x128xf32> to vector<128x128xf32>
    %get3A_18 = arith.constant 1 : index
    %get3A_19 = arith.constant 0 : index
    %get3A_20 = arith.constant 0 : index
    %get3A_21 = vector.load %arg1[%get3A_18, %get3A_19, %get3A_20] : memref<2x128x128xf32, #tpu.memory_space<vmem>>, vector<1x128x128xf32>
    %get3A_22 = vector.shape_cast %get3A_21 : vector<1x128x128xf32> to vector<128x128xf32>
    %add3A_23 = arith.addf %get3A_17, %get3A_22 : vector<128x128xf32>
    %max3A = arith.constant 1.000000e+00 : f32
    %max3A_24 = vector.broadcast %max3A : f32 to vector<128x1xf32>
    %max3A_25 = arith.maximumf %add3A, %max3A_24 : vector<128x1xf32>
    %div3A = vector.broadcast %max3A_25 : vector<128x1xf32> to vector<128x128xf32>
    %div3A_26 = arith.divf %add3A_23, %div3A : vector<128x128xf32>
    %get3A_27 = arith.constant 0 : index
    %get3A_28 = arith.constant 0 : index
    %get3A_29 = vector.load %arg3[%get3A_27, %get3A_28] : memref<128x128xf32, #tpu.memory_space<vmem>>, vector<128x128xf32>
    %dot_general3A = arith.constant dense<0.000000e+00> : vector<128x128xf32>
    %dot_general3A_30 = tpu.matmul %div3A_26, %get3A_29, %dot_general3A {dimension_numbers = #tpu.dot_dimension_numbers<[1], [0], [0], [1], [0, 0, 1, 1], [], []>, transpose_lhs_hint = false} : vector<128x128xf32>, vector<128x128xf32>, vector<128x128xf32> -> vector<128x128xf32>
    %get3A_31 = arith.constant 0 : index
    %get3A_32 = arith.constant 0 : index
    %get3A_33 = vector.load %arg4[%get3A_31, %get3A_32] : memref<1x128xf32, #tpu.memory_space<vmem>>, vector<1x128xf32>
    %min3A = arith.constant 1.000000e+00 : f32
    %min3A_34 = vector.broadcast %min3A : f32 to vector<128x1xf32>
    %min3A_35 = arith.minimumf %add3A, %min3A_34 : vector<128x1xf32>
    %mul3A = vector.broadcast %get3A_33 : vector<1x128xf32> to vector<128x128xf32>
    %mul3A_36 = vector.broadcast %min3A_35 : vector<128x1xf32> to vector<128x128xf32>
    %mul3A_37 = arith.mulf %mul3A, %mul3A_36 : vector<128x128xf32>
    %add3A_38 = arith.addf %dot_general3A_30, %mul3A_37 : vector<128x128xf32>
    %get3A_39 = arith.constant 0 : index
    %get3A_40 = arith.constant 0 : index
    %get3A_41 = vector.load %arg5[%get3A_39, %get3A_40] : memref<128x512xf32, #tpu.memory_space<vmem>>, vector<128x512xf32>
    %dot_general3A_42 = arith.constant dense<0.000000e+00> : vector<128x512xf32>
    %dot_general3A_43 = tpu.matmul %add3A_38, %get3A_41, %dot_general3A_42 {dimension_numbers = #tpu.dot_dimension_numbers<[1], [0], [0], [1], [0, 0, 1, 1], [], []>, transpose_lhs_hint = false} : vector<128x128xf32>, vector<128x512xf32>, vector<128x512xf32> -> vector<128x512xf32>
    %get3A_44 = arith.constant 0 : index
    %get3A_45 = arith.constant 0 : index
    %get3A_46 = vector.load %arg6[%get3A_44, %get3A_45] : memref<1x512xf32, #tpu.memory_space<vmem>>, vector<1x512xf32>
    %add3A_47 = vector.broadcast %get3A_46 : vector<1x512xf32> to vector<128x512xf32>
    %add3A_48 = arith.addf %dot_general3A_43, %add3A_47 : vector<128x512xf32>
    %max3A_49 = arith.constant 0.000000e+00 : f32
    %max3A_50 = vector.broadcast %max3A_49 : f32 to vector<128x512xf32>
    %max3A_51 = arith.maximumf %add3A_48, %max3A_50 : vector<128x512xf32>
    %get3A_52 = arith.constant 0 : index
    %get3A_53 = arith.constant 0 : index
    %get3A_54 = vector.load %arg7[%get3A_52, %get3A_53] : memref<512x128xf32, #tpu.memory_space<vmem>>, vector<512x128xf32>
    %dot_general3A_55 = arith.constant dense<0.000000e+00> : vector<128x128xf32>
    %dot_general3A_56 = tpu.matmul %max3A_51, %get3A_54, %dot_general3A_55 {dimension_numbers = #tpu.dot_dimension_numbers<[1], [0], [0], [1], [0, 0, 1, 1], [], []>, transpose_lhs_hint = false} : vector<128x512xf32>, vector<512x128xf32>, vector<128x128xf32> -> vector<128x128xf32>
    %get3A_57 = arith.constant 0 : index
    %get3A_58 = arith.constant 0 : index
    %get3A_59 = vector.load %arg8[%get3A_57, %get3A_58] : memref<1x128xf32, #tpu.memory_space<vmem>>, vector<1x128xf32>
    %add3A_60 = vector.broadcast %get3A_59 : vector<1x128xf32> to vector<128x128xf32>
    %add3A_61 = arith.addf %dot_general3A_56, %add3A_60 : vector<128x128xf32>
    %iota3A = tpu.iota {dimensions = array<i32: 1>} : vector<128x128xi32>
    %ge3A = arith.constant 68 : i32
    %ge3A_62 = vector.broadcast %ge3A : i32 to vector<128x128xi32>
    %ge3A_63 = arith.cmpi sge, %iota3A, %ge3A_62 : vector<128x128xi32>
    %lt3A = arith.constant 79 : i32
    %lt3A_64 = vector.broadcast %lt3A : i32 to vector<128x128xi32>
    %lt3A_65 = arith.cmpi slt, %iota3A, %lt3A_64 : vector<128x128xi32>
    %and3A = arith.andi %ge3A_63, %lt3A_65 : vector<128x128xi1>
    %logistic3A = arith.negf %add3A_61 : vector<128x128xf32>
    %logistic3A_66 = math.exp %logistic3A : vector<128x128xf32>
    %logistic3A_67 = arith.constant 1.000000e+00 : f32
    %logistic3A_68 = vector.broadcast %logistic3A_67 : f32 to vector<128x128xf32>
    %logistic3A_69 = arith.addf %logistic3A_68, %logistic3A_66 : vector<128x128xf32>
    %logistic3A_70 = arith.divf %logistic3A_68, %logistic3A_69 : vector<128x128xf32>
    %select_n3A = arith.select %and3A, %logistic3A_70, %add3A_61 : vector<128x128xi1>, vector<128x128xf32>
    %swap3A = arith.constant 0 : index
    %swap3A_71 = arith.constant 0 : index
    %swap3A_72 = vector.load %arg9[%swap3A, %swap3A_71] : memref<128x128xf32, #tpu.memory_space<vmem>>, vector<128x128xf32>
    tpu.vector_store %arg9[%swap3A, %swap3A_71], %select_n3A {strides = array<i32>} : memref<128x128xf32, #tpu.memory_space<vmem>>, vector<128x128xf32>,
    return
  }
  func.func @transform_0(%arg0: i32) -> (i32, i32, i32) {
    %c0_i32 = arith.constant 0 : i32
    %c0_i32_0 = arith.constant 0 : i32
    %c0_i32_1 = arith.constant 0 : i32
    return %c0_i32, %arg0, %c0_i32_0 : i32, i32, i32
  }
  func.func @transform_1(%arg0: i32) -> (i32, i32, i32) {
    %c0_i32 = arith.constant 0 : i32
    %c0_i32_0 = arith.constant 0 : i32
    %c0_i32_1 = arith.constant 0 : i32
    return %c0_i32, %arg0, %c0_i32_0 : i32, i32, i32
  }
  func.func @transform_2(%arg0: i32) -> (i32, i32) {
    %c0_i32 = arith.constant 0 : i32
    %c0_i32_0 = arith.constant 0 : i32
    %c0_i32_1 = arith.constant 0 : i32
    return %c0_i32, %c0_i32_0 : i32, i32
  }
  func.func @transform_3(%arg0: i32) -> (i32, i32) {
    %c0_i32 = arith.constant 0 : i32
    %c0_i32_0 = arith.constant 0 : i32
    %c0_i32_1 = arith.constant 0 : i32
    return %c0_i32, %c0_i32_0 : i32, i32
  }
  func.func @transform_4(%arg0: i32) -> (i32, i32) {
    %c0_i32 = arith.constant 0 : i32
    %c0_i32_0 = arith.constant 0 : i32
    %c0_i32_1 = arith.constant 0 : i32
    return %c0_i32, %c0_i32_0 : i32, i32
  }
  func.func @transform_5(%arg0: i32) -> (i32, i32) {
    %c0_i32 = arith.constant 0 : i32
    %c0_i32_0 = arith.constant 0 : i32
    %c0_i32_1 = arith.constant 0 : i32
    return %c0_i32, %c0_i32_0 : i32, i32
  }
  func.func @transform_6(%arg0: i32) -> (i32, i32) {
    %c0_i32 = arith.constant 0 : i32
    %c0_i32_0 = arith.constant 0 : i32
    %c0_i32_1 = arith.constant 0 : i32
    return %c0_i32, %c0_i32_0 : i32, i32
  }
  func.func @transform_7(%arg0: i32) -> (i32, i32) {
    %c0_i32 = arith.constant 0 : i32
    %c0_i32_0 = arith.constant 0 : i32
    %c0_i32_1 = arith.constant 0 : i32
    return %c0_i32, %c0_i32_0 : i32, i32
  }
  func.func @transform_8(%arg0: i32) -> (i32, i32) {
    %c0_i32 = arith.constant 0 : i32
    %c0_i32_0 = arith.constant 0 : i32
    return %arg0, %c0_i32 : i32, i32
  }
}

</mosaic_0001>

<sc_bundles>
// kernel: kernel.11.cloned.1.call-start
scs
__scs_entry_jumppad:
0x0: {  	(pc) =	sbr.rel $0x88, $3  }
0x1: {  	(tag) =	ssettag $0x0;
	lr =	simm.s32 $0x1  }
0x2: {  	[smem:$0x3F87] =	sst lr;
	_ =	strace $0xD0000000  }
0x3: {  	_ = 	snop  }
0x4: {  	_ = 	snop  }
0x5: {  	_ = 	snop  }
0x6: {  	_ = 	snop  }
0x7: {  	_ = 	snop  }
__scs_overlays_trampoline_lowered:
0x8: {  	[smem:$0x3F96] =	sst s0  }
0x9: {  	[smem:$0x3F97] =	sst s1  }
0xa: {  	[smem:$0x3F98] =	sst s2  }
0xb: {  	[smem:$0x3F99] =	sst s3  }
0xc: {  	[smem:$0x3F9A] =	sst s4  }
0xd: {  	[smem:$0x3F9B] =	sst s5  }
0xe: {  	[smem:$0x3F9C] =	sst s6  }
0xf: {  	[smem:$0x3F9D] =	sst s7  }
0x10: {  	[smem:$0x3F9E] =	sst s8  }
0x11: {  	[smem:$0x3F9F] =	sst s9;
	s0 =	simm.s32 @!p0 $0x0  }
0x12: {  	s1 =	sld [smem:$0x3F85];
	s0 =	simm.s32 @p0 $0x1  }
0x13: {  	[smem:$0x3FA0] =	sst s0;
	s0 =	simm.s32 @!p1 $0x0  }
0x14: {  	s2 =	sld [smem:$0x3F84];
	s0 =	simm.s32 @p1 $0x1  }
0x15: {  	[smem:$0x3FA1] =	sst s0;
	s0 =	simm.s32 @!p2 $0x0  }
0x16: {  	s3 =	sld [smem:$0x3FDB];
	s0 =	simm.s32 @p2 $0x1  }
0x17: {  	s4 =	simm.s32 $0x1BF5;
	[smem:$0x3FA3] =	sst s0  }
0x18: {  	s0 =	sld [smem:$0x3F86];
	_ =	swait.ge [sflag:s4], $0x0  }
0x19: {  	s7 =	sld [smem:$0x3F87]  }
0x1a: {  	s8 =	sadd.s32 $0xFFFFE003, lr  }
0x1b: {  	s9 =	sadd.s32 $0xFFFFFEF7, lr;
	s5 =	simm.s32 $0xFFFFFFFF;
	p2 =	slt.u32 s8, $0xFFFFF086  }
0x1c: {  	p1 =	slt.u32 s9, $0xF7A;
	s5 =	simm.s32 @!p2 $0x0  }
0x1d: {  	s5 =	simm.s32 @p1 $0x1;
	p0 =	seq.s32 s7, s2  }
0x1e: {  	s7 =	smul.u32 @!p0 $0xF7A, s2;
	p2 =	seq.s32 @!p0 s5, $0x0  }
0x1f: {  	s9 =	smul.u32 $0xF7A, s1;
	s8 =	simm.s32 @!p0 $0x1BF5;
	p2 =	por !p2, p0  }
0x20: {  	[sflag:s8] =	ssyncset.s32 @!p0 $0xFFFFF086;
	s6 =	sadd.s32 @!p0 s3, s7;
	s7 =	simm.s32 @!p0 $0x108  }
0x21: {  	s3 =	sadd.s32 s3, s9;
	s6 =	sadd.s32 @!p0 $0x88, s6;
	s7 =	simm.s32 @p2 $0x1082  }
0x22: {  	[simem:s7], [sflag:s8] =	dma.local @!p0 [hbm:s6], $0xF7A  }
0x23: {  	s9 =	sor.u32 $0xD0000000, s2;
	s6 =	simm.s32 $0x108;
	_ =	swait.ge @!p0 [sflag:s8], $0x0  }
0x24: {  	s3 =	sadd.s32 $0x88, s3;
	s6 =	simm.s32 @!p1 $0x1082;
	[sflag:s4] =	ssyncset.s32 $0xFFFFF086  }
0x25: {  	[simem:s6], [sflag:s4] =	dma.local [hbm:s3], $0xF7A  }
0x26: {  	[smem:$0x3F87] =	sst s1;
	(tag) =	ssettag s2;
	_ =	strace s9  }
0x27: {  	s1 =	sld [smem:$0x3F97]  }
0x28: {  	s2 =	sld [smem:$0x3F98]  }
0x29: {  	s4 =	sld [smem:$0x3F9A]  }
0x2a: {  	p0 =	seq.s32 s5, $0x0;
	s5 =	sld [smem:$0x3F9B]  }
0x2b: {  	s6 =	sld [smem:$0x3F9C]  }
0x2c: {  	s7 =	sld [smem:$0x3F9D]  }
0x2d: {  	s3 =	simm.s32 $0x108;
	s8 =	sld [smem:$0x3F9E]  }
0x2e: {  	s3 =	simm.s32 @!p0 $0x1082;
	s9 =	sld [smem:$0x3F9F]  }
0x2f: {  	lr =	sadd.s32 s0, s3;
	s0 =	sld [smem:$0x3F96]  }
0x30: {  	s3 =	sld [smem:$0x3F99]  }
0x31: {  	[smem:$0x3FA2] =	sst s10  }
0x32: {  	s10 =	sld [smem:$0x3FA0];
	_ =	sdelay $0x3  }
0x33: {  	p0 =	seq.s32 s10, $0x1;
	s10 =	sld [smem:$0x3FA2];
	_ =	sdelay $0x3  }
0x34: {  	[smem:$0x3FA2] =	sst s10  }
0x35: {  	s10 =	sld [smem:$0x3FA1];
	_ =	sdelay $0x3  }
0x36: {  	p1 =	seq.s32 s10, $0x1;
	s10 =	sld [smem:$0x3FA2];
	_ =	sdelay $0x3  }
0x37: {  	[smem:$0x3FA2] =	sst s10  }
0x38: {  	s10 =	sld [smem:$0x3FA3]  }
0x39: {  	_ = 	snop;
	(pc) =	sbr.ind lr, $3  }
0x3a: {  	_ = 	snop  }
0x3b: {  	_ = 	snop  }
0x3c: {  	p2 =	seq.s32 s10, $0x1;
	s10 =	sld [smem:$0x3FA2]  }
0x3d: {  	_ =	shalt  }
0x3e: {  	_ =	shalt  }
0x3f: {  	_ =	shalt  }
0x40: {  	_ =	shalt  }
0x41: {  	_ =	shalt  }
0x42: {  	_ =	shalt  }
0x43: {  	_ =	shalt  }
0x44: {  	_ =	shalt  }
0x45: {  	_ =	shalt  }
0x46: {  	_ =	shalt  }
0x47: {  	_ =	shalt  }
0x48: {  	_ =	shalt  }
0x49: {  	_ =	shalt  }
0x4a: {  	_ =	shalt  }
0x4b: {  	_ =	shalt  }
0x4c: {  	_ =	shalt  }
0x4d: {  	_ =	shalt  }
0x4e: {  	_ =	shalt  }
0x4f: {  	_ =	shalt  }
0x50: {  	_ =	shalt  }
0x51: {  	_ =	shalt  }
0x52: {  	_ =	shalt  }
0x53: {  	_ =	shalt  }
0x54: {  	_ =	shalt  }
0x55: {  	_ =	shalt  }
0x56: {  	_ =	shalt  }
0x57: {  	_ =	shalt  }
0x58: {  	_ =	shalt  }
0x59: {  	_ =	shalt  }
0x5a: {  	_ =	shalt  }
0x5b: {  	_ =	shalt  }
0x5c: {  	_ =	shalt  }
0x5d: {  	_ =	shalt  }
0x5e: {  	_ =	shalt  }
0x5f: {  	_ =	shalt  }
0x60: {  	_ =	shalt  }
0x61: {  	_ =	shalt  }
0x62: {  	_ =	shalt  }
0x63: {  	_ =	shalt  }
0x64: {  	_ =	shalt  }
0x65: {  	_ =	shalt  }
0x66: {  	_ =	shalt  }
0x67: {  	_ =	shalt  }
0x68: {  	_ =	shalt  }
0x69: {  	_ =	shalt  }
0x6a: {  	_ =	shalt  }
0x6b: {  	_ =	shalt  }
0x6c: {  	_ =	shalt  }
0x6d: {  	_ =	shalt  }
0x6e: {  	_ =	shalt  }
0x6f: {  	_ =	shalt  }
0x70: {  	_ =	shalt  }
0x71: {  	_ =	shalt  }
0x72: {  	_ =	shalt  }
0x73: {  	_ =	shalt  }
0x74: {  	_ =	shalt  }
0x75: {  	_ =	shalt  }
0x76: {  	_ =	shalt  }
0x77: {  	_ =	shalt  }
0x78: {  	_ =	shalt  }
0x79: {  	_ =	shalt  }
0x7a: {  	_ =	shalt  }
0x7b: {  	_ =	shalt  }
0x7c: {  	_ =	shalt  }
0x7d: {  	_ =	shalt  }
0x7e: {  	_ =	shalt  }
0x7f: {  	_ =	shalt  }
0x80: {  	_ =	shalt  }
0x81: {  	_ =	shalt  }
0x82: {  	_ =	shalt  }
0x83: {  	_ =	shalt  }
0x84: {  	_ =	shalt  }
0x85: {  	_ =	shalt  }
0x86: {  	_ =	shalt  }
0x87: {  	_ =	shalt  }
.Lfunc_end0:
.L_simem_size_0:
called_computation.1_lowered:
.L_overlay_start_0:
0x88: {  	s2 =	sld [smem:$0x3FD9]  }
0x89: {  	s3 =	sld [smem:$0x3FFE];
	_ =	sdelay $0x1  }
0x8a: {  	s1 =	srdreg.scid  }
0x8b: {  	s0 =	sand.u32 $0x1, s1  }
0x8c: {  	s17 =	sshll.u32 s0, $0xA;
	s2 =	sadd.s32 s3, s2  }
0x8d: {  	s2 =	sadd.s32 s2, s17  }
0x8e: {  	[smem:$0x3FAE] =	sst s2  }
0x8f: {  	_ = 	snop  }
0x90: {  	s2 =	sld [smem:$0x3FD0];
	(tm) =	ssettm $0x1  }
0x91: {  	s18 =	sld [smem:$0x3FFB];
	_ =	sdelay $0x3  }
0x92: {  	_ =	strace s18  }
0x93: {  	s3 =	sld [smem:$0x3FFC];
	_ =	sdelay $0x3  }
0x94: {  	_ =	strace s3  }
0x95: {  	s3 =	sld [smem:$0x3FFD];
	_ =	sdelay $0x3  }
0x96: {  	_ =	strace s3  }
0x97: {  	_ =	strace $0x8FFFFFFF  }
0x98: {  	s19 =	sld [smem:$0x3FDB];
	_ =	sdelay $0x1  }
0x99: {  	s4 =	simm.s32 $_scs_section_size  }
0x9a: {  	s5 =	simm.s32 $_size__tile_overlayer_lowered;
	s6 =	simm.s32 $_tile_overlayer_lowered  }
0x9b: {  	s22 =	simm.s32 $0x1BFF;
	s21 =	sshll.u32 s6, $0x1;
	s3 =	sadd.s32 s4, s19  }
0x9c: {  	s7 =	simm.s32 $0x0;
	s20 =	sshll.u32 s5, $0x1;
	s5 =	sadd.s32 s21, s3  }
0x9d: {  	[timem:s7], [sflag:s22] =	dma.local [hbm:s5], s20  }
0x9e: {  	_ =	swait.ge [sflag:s22], s20  }
0x9f: {  	s4 =	ssub.s32 $0x0, s20;
	[sflag:s22] =	ssyncset.done $0x0  }
0xa0: {  	[sflag:s22] =	ssyncadd.s32 s4;
	_ =	sdelay $0x1  }
0xa1: {  	s23 =	simm.s32 $0x1B8B  }
0xa2: {  	_ =	swait.ge [sflag:s23], $0x1  }
0xa3: {  	[sflag:s23] =	ssyncset.done $0x0  }
0xa4: {  	s25 =	simm.s32 $0x1B8E;
	s24 =	sld [smem:$0x3FFE];
	[sflag:s23] =	ssyncadd.s32 $0xFFFFFFFF  }
0xa5: {  	s26 =	simm.s32 $execute0_lowered;
	[smem:$0x3FD2] =	sst s25  }
0xa6: {  	s5 =	sshll.u32 s26, $0x1;
	_ =	strace $0x80000046;
	[dreg:$0x1] =	wrdreg $0xFFFFFFFF  }
0xa7: {  	s28 =	simm.s32 $_size_execute0_lowered;
	s3 =	sadd.s32 s3, s5;
	[dreg:$0x0] =	wrdreg $0x0  }
0xa8: {  	s5 =	sshll.u32 s28, $0x1;
	[dreg:$0x2] =	wrdreg s3  }
0xa9: {  	[dreg:$0x3] =	wrdreg s5  }
0xaa: {  	[dreg:$0x4] =	wrdreg $0xC0  }
0xab: {  	_ =	task [dreg:s7], $0x5FFFF  }
0xac: {  	[dreg:$0x1] =	wrdreg $0xFFFFFFFF  }
0xad: {  	[dreg:$0x0] =	wrdreg $0x60  }
0xae: {  	[dreg:$0x2] =	wrdreg s2  }
0xaf: {  	[dreg:$0x3] =	wrdreg s24  }
0xb0: {  	[dreg:$0x4] =	wrdreg $0x82000  }
0xb1: {  	[dreg:$0x5] =	wrdreg $0xA  }
0xb2: {  	_ =	task.clear_ibuf [dreg:s7], $0x6FFFF;
	_ =	strace $0x90000046  }
0xb3: {  	s29 =	simm.s32 $0xA;
	_ =	strace $0x80000048  }
0xb4: {  	_ =	swait.ge [sflag:s29], $0x1  }
0xb5: {  	[sflag:s29] =	ssyncadd.s32 $0xFFFFFFFF  }
0xb6: {  	_ =	strace $0x90000048  }
0xb7: {  	_ =	sfence  }
0xb8: {  	s30 =	sld [smem:$0x0];
	_ =	sdelay $0x2  }
0xb9: {  	s31 =	sshll.u32 s1, $0xD;
	s1 =	sshrl.u32 s1, $0x2  }
0xba: {  	s3 =	sand.u32 $0x4000, s31;
	s1 =	sadd.s32 s1, s30  }
0xbb: {  	s0 =	sor.u32 s3, s0;
	s1 =	sshll.u32 s1, $0x11  }
0xbc: {  	s0 =	sor.u32 s1, s0  }
0xbd: {  	s0 =	sadd.s32 $0x8F2B, s0  }
0xbe: {  	[sflag:s0] =	ssyncadd.remote.s32 $0x1  }
0xbf: {  	_ =	sfence.sel $0xFFFF  }
0xc0: {  	[dreg:$0x0] =	wrdreg $0xFFFFFFFF;
	(pc) =	sbr.abs _section_cstart, $3  }
0xc1: {  	[dreg:$0x1] =	wrdreg $0xFFFFFFFF  }
0xc2: {  	_ =	task.clear_ibuf [dreg:s7], $0x2FFFF;
	_ =	strace $0x9FFFFFFF  }
0xc3: {  	(tm) =	ssettm $0x7FFFFFFF  }
tec
execute0_lowered:
.L_overlay_start_1:
0x0: {  	(tag) =	ssettag $0x1  }
0x1: {  	s1 =	rddreg [dreg:$0x0]  }
0x2: {  	s8 =	rddreg [dreg:$0x1]  }
0x3: {  	s3 =	rddreg [dreg:$0x2]  }
0x4: {  	s0 =	rddreg [dreg:$0x3]  }
0x5: {  	s4 =	simm.s32 $0x0;
	s2 =	stileid.u32;
	s5 =	srdreg.scid  }
0x6: {  	s19 =	simm.s32 $0x4200;
	s20 =	simm.s32 $0x200;
	s21 =	simm.s32 $0x100  }
0x7: {  	s22 =	simm.s32 $0x180;
	s23 =	simm.s32 $0x1;
	s24 =	simm.s32 $0x2  }
0x8: {  	s25 =	simm.s32 $0x0;
	[smem:$0x7FF] =	sst s4;
	s9 =	smul.u32 $0x13C00, s2  }
0x9: {  	s10 =	sand.u32 $0x1, s5;
	s5 =	sadd.s32 $0x53800, s8;
	s6 =	sadd.s32 $0x2C000, s8  }
0xa: {  	s7 =	sadd.s32 $0x4800, s8;
	s13 =	smul.u32 $0x4F000, s2;
	s31 =	sshll.u32 s2, $0x6  }
0xb: {  	s11 =	smul.u32 $0x13C000, s10;
	s29 =	sshll.u32 s10, $0x4;
	s10 =	ssub.s32 $0x2, s10  }
0xc: {  	_ =	strace $0x80000047;
	s12 =	sshrl.u32 s9, $0x3;
	s14 =	sshrl.u32 s10, $0x1  }
0xd: {  	s30 =	sshrl.u32 s13, $0x2;
	s9 =	sadd.s32 s9, s11;
	s11 =	sor.u32 s2, s29  }
0xe: {  	s12 =	sadd.s32 s12, s8;
	s9 =	sshrl.u32 s9, $0x3;
	s15 =	smul.u32 $0x2800, s11  }
0xf: {  	s17 =	ssub.s32 s10, s14;
	s18 =	sadd.s32 s30, s3;
	s16 =	sadd.s32 s9, s8  }
0x10: {  	s8 =	sadd.s32 $0x5D800, s12;
	s9 =	sor.u32 $0x1C03, s31;
	s11 =	sshrl.u32 s15, $0x3  }
0x11: {  	s12 =	sor.u32 $0x80, s15;
	s13 =	sor.u32 $0x100, s15;
	s14 =	sadd.s32 $0x85000, s16  }
0x12: {  	s15 =	smax.u32 s17, $0x1;
	s16 =	sshrl.u32 s18, $0x3;
	s17 =	simm.s32 $0x3  }
0x13: {  	s18 =	simm.s32 $0x80;
	s10 =	sadd.s32 s1, s11;
	s11 =	sadd.s32 s5, s11  }
.LBB2_1:
0x14: {  	[spmem:s16], [sflag:s9] =	dma.local [hbm:s8], $0x2780  }
0x15: {  	_ =	swait.ge [sflag:s17], $0x2780  }
0x16: {  	[sflag:s17] =	ssyncset.done $0x0  }
0x17: {  	[sflag:s17] =	ssyncadd.s32 $0xFFFFD880  }
0x18: {  	[bflag:$0x0] =	sbarrier.arrive $0xFFFF  }
0x19: {  	[tilespmem:s4], [sflag:$0x3] =	stream.linear.gather [hbm4b:s10+s4], $0x80, $0x38;
	[tilespmem:$0x1BE00] =	vst v63  }
0x1a: {  	_ =	swait.ge [sflag:s17], $0x80  }
0x1b: {  	[sflag:s17] =	ssyncset.done $0x0  }
0x1c: {  	[sflag:s17] =	ssyncadd.s32 $0xFFFFFF80  }
0x1d: {  	[tilespmem:s18], [sflag:$0x3] =	stream.linear.gather [hbm4b:s11+s4], $0x80, $0x38;
	[tilespmem:$0x1BE00] =	vst v63  }
0x1e: {  	_ =	swait.ge [sflag:s17], $0x80  }
0x1f: {  	[sflag:s17] =	ssyncset.done $0x0  }
0x20: {  	s26 =	simm.s32 $0x0;
	[sflag:s17] =	ssyncadd.s32 $0xFFFFFF80  }
.LBB2_2:
0x21: {  	[tilespmem:s19], [sflag:$0x1] =	stream.indirect.gather [hbm4b:s7+s18], $0x80, s4, s18, $0xb8;
	[tilespmem:$0x1BE00] =	vst v63  }
0x22: {  	p0 =	seq.s32 s26, $0x0  }
0x23: {  	s29 =	simm.s32 @!p0 $0x2  }
0x24: {  	_ =	swait.ge @!p0 [sflag:s29], $0x4000  }
0x25: {  	s28 =	sshll.u32 s26, $0x8;
	[sflag:s29] =	ssyncset.done @!p0 $0x0  }
0x26: {  	[sflag:s29] =	ssyncadd.s32 @!p0 $0xFFFFC000;
	s29 =	sadd.s32 s28, s12  }
0x27: {  	[tilespmem:s20], [sflag:$0x1] =	stream.indirect.gather [hbm4b:s6+s18], $0x80, s18, s18, $0xb8;
	[tilespmem:$0x1BE00] =	vst v63  }
0x28: {  	s29 =	sshrl.u32 s29, $0x3  }
0x29: {  	s31 =	simm.s32 $0x0;
	s30 =	sadd.s32 s1, s29  }
0x2a: {  	[tilespmem:s21], [sflag:$0x3] =	stream.linear.gather [hbm4b:s30+s31], $0x80, $0x38;
	[tilespmem:$0x1BE00] =	vst v63  }
0x2b: {  	_ =	swait.ge [sflag:s17], $0x80  }
0x2c: {  	[sflag:s17] =	ssyncset.done $0x0  }
0x2d: {  	s29 =	sadd.s32 s5, s29;
	[sflag:s17] =	ssyncadd.s32 $0xFFFFFF80  }
0x2e: {  	[tilespmem:s22], [sflag:$0x3] =	stream.linear.gather [hbm4b:s29+s31], $0x80, $0x38;
	[tilespmem:$0x1BE00] =	vst v63  }
0x2f: {  	_ =	swait.ge [sflag:s17], $0x80  }
0x30: {  	[sflag:s17] =	ssyncset.done $0x0  }
0x31: {  	[sflag:s17] =	ssyncadd.s32 $0xFFFFFF80  }
0x32: {  	_ =	swait.ge [sflag:s23], $0x4000  }
0x33: {  	[sflag:s23] =	ssyncset.done $0x0  }
0x34: {  	[sflag:s23] =	ssyncadd.s32 $0xFFFFC000  }
0x35: {  	_ =	swait.ge [sflag:s23], $0x4000  }
0x36: {  	[sflag:s23] =	ssyncset.done $0x0  }
0x37: {  	s29 =	simm.s32 $0x0;
	[sflag:s23] =	ssyncadd.s32 $0xFFFFC000  }
0x38: {  	v6 =	vld [tilespmem:s29+$0x4200]  }
0x39: {  	v11 =	vld [tilespmem:s29+$0x4210]  }
0x3a: {  	v5 =	vld [tilespmem:s29+$0x4220]  }
0x3b: {  	v4 =	vld [tilespmem:s29+$0x4230]  }
0x3c: {  	v3 =	vld [tilespmem:s29+$0x4240]  }
0x3d: {  	v2 =	vld [tilespmem:s29+$0x4250]  }
0x3e: {  	v1 =	vld [tilespmem:s29+$0x4260]  }
0x3f: {  	v0 =	vld [tilespmem:s29+$0x4270]  }
0x40: {  	v12 =	vld [tilespmem:s29+$0x200]  }
0x41: {  	v13 =	vld [tilespmem:s29+$0x210]  }
0x42: {  	v10 =	vld [tilespmem:s29+$0x220]  }
0x43: {  	v9 =	vld [tilespmem:s29+$0x230]  }
0x44: {  	v8 =	vld [tilespmem:s29+$0x240]  }
0x45: {  	v7 =	vld [tilespmem:s29+$0x250];
	v12 =	vadd.f32 v6, v12  }
0x46: {  	s30 =	simm.s32 $0x200;
	v11 =	vadd.f32 v11, v13;
	v6 =	vld [tilespmem:s29+$0x260]  }
.LBB2_3:
0x47: {  	s31 =	sshra.s32 s30, $0x2;
	p0 =	sne.s32 s30, $0xFE00;
	v12 =	vmax.f32 v12, $0.0e+00;
	v5 =	vadd.f32 v5, v10;
	v10 =	vld [tilespmem:s29+$0x270]  }
0x48: {  	v13 =	vld [tilespmem:s31+$0x4200];
	[tilespmem:s29+$0x200] =	vst v12;
	v11 =	vmax.f32 v11, $0.0e+00;
	v4 =	vadd.f32 v4, v9  }
0x49: {  	v14 =	vld [tilespmem:s31+$0x4210];
	[tilespmem:s29+$0x210] =	vst v11;
	v9 =	vmax.f32 v5, $0.0e+00;
	v3 =	vadd.f32 v3, v8  }
0x4a: {  	v5 =	vld [tilespmem:s31+$0x4220];
	[tilespmem:s29+$0x220] =	vst v9;
	v8 =	vmax.f32 v4, $0.0e+00;
	v2 =	vadd.f32 v2, v7  }
0x4b: {  	v4 =	vld [tilespmem:s31+$0x4230];
	[tilespmem:s29+$0x230] =	vst v8;
	v7 =	vmax.f32 v3, $0.0e+00;
	v1 =	vadd.f32 v1, v6  }
0x4c: {  	v3 =	vld [tilespmem:s31+$0x4240];
	[tilespmem:s29+$0x240] =	vst v7;
	v6 =	vmax.f32 v2, $0.0e+00;
	v0 =	vadd.f32 v0, v10  }
0x4d: {  	v2 =	vld [tilespmem:s31+$0x4250];
	[tilespmem:s29+$0x250] =	vst v6;
	v6 =	vmax.f32 v1, $0.0e+00  }
0x4e: {  	v1 =	vld [tilespmem:s31+$0x4260];
	[tilespmem:s29+$0x260] =	vst v6;
	v6 =	vmax.f32 v0, $0.0e+00  }
0x4f: {  	v0 =	vld [tilespmem:s31+$0x4270];
	[tilespmem:s29+$0x270] =	vst v6;
	s29 =	smov.u32 s31  }
0x50: {  	v6 =	vld [tilespmem:s29+$0x200]  }
0x51: {  	v11 =	vld [tilespmem:s29+$0x210]  }
.Ltmp0:
0x52: {  	v10 =	vld [tilespmem:s29+$0x220];
	(pc) =	sbr.rel @p0 .LBB2_3-.Ltmp0, $4  }
0x53: {  	v9 =	vld [tilespmem:s29+$0x230]  }
0x54: {  	v8 =	vld [tilespmem:s29+$0x240]  }
0x55: {  	v12 =	vadd.f32 v13, v6;
	v7 =	vld [tilespmem:s29+$0x250]  }
0x56: {  	s30 =	sadd.s32 $0x200, s30;
	v11 =	vadd.f32 v14, v11;
	v6 =	vld [tilespmem:s29+$0x260]  }
0x57: {  	v12 =	vmax.f32 v12, $0.0e+00;
	v5 =	vadd.f32 v5, v10;
	v10 =	vld [tilespmem:s29+$0x270]  }
0x58: {  	[tilespmem:s29+$0x200] =	vst v12;
	v11 =	vmax.f32 v11, $0.0e+00;
	v4 =	vadd.f32 v4, v9  }
0x59: {  	[tilespmem:s29+$0x210] =	vst v11;
	v5 =	vmax.f32 v5, $0.0e+00;
	v3 =	vadd.f32 v3, v8  }
0x5a: {  	[tilespmem:s29+$0x220] =	vst v5;
	v4 =	vmax.f32 v4, $0.0e+00;
	v2 =	vadd.f32 v2, v7  }
0x5b: {  	[tilespmem:s29+$0x230] =	vst v4;
	v3 =	vmax.f32 v3, $0.0e+00;
	v1 =	vadd.f32 v1, v6  }
0x5c: {  	[tilespmem:s29+$0x240] =	vst v3;
	v2 =	vmax.f32 v2, $0.0e+00;
	v0 =	vadd.f32 v0, v10  }
0x5d: {  	[tilespmem:s29+$0x250] =	vst v2;
	v1 =	vmax.f32 v1, $0.0e+00  }
0x5e: {  	[tilespmem:s29+$0x260] =	vst v1;
	v0 =	vmax.f32 v0, $0.0e+00  }
0x5f: {  	[tilespmem:s29+$0x270] =	vst v0  }
0x60: {  	[spmem:s3] =	stream.indirect.scatter.add.f32 [tilespmem:s20], [sflag:$0x2], $0x80, s18, s18, $0xb8;
	[tilespmem:$0x1BE00] =	vst v63  }
0x61: {  	_ = 	snop  }
0x62: {  	[tilespmem:s19], [sflag:$0x1] =	stream.indirect.gather [hbm4b:s7+s18], $0x80, s21, s18, $0xb8;
	[tilespmem:$0x1BE00] =	vst v63  }
0x63: {  	p0 =	seq.s32 s26, $0x27;
	_ =	swait.ge [sflag:s24], $0x4000  }
0x64: {  	s28 =	sadd.s32 @!p0 s28, s13;
	[sflag:s24] =	ssyncset.done $0x0  }
0x65: {  	s28 =	sshrl.u32 @!p0 s28, $0x3;
	[sflag:s24] =	ssyncadd.s32 $0xFFFFC000  }
0x66: {  	[tilespmem:s20], [sflag:$0x1] =	stream.indirect.gather [hbm4b:s6+s18], $0x80, s22, s18, $0xb8;
	[tilespmem:$0x1BE00] =	vst v63  }
0x67: {  	s30 =	simm.s32 @!p0 $0x0;
	s29 =	sadd.s32 @!p0 s1, s28  }
0x68: {  	[tilespmem:s30], [sflag:$0x3] =	stream.linear.gather @!p0 [hbm4b:s29+s30], $0x80, $0x38;
	[tilespmem:$0x1BE00] =	vst v63  }
0x69: {  	s29 =	simm.s32 @!p0 $0x3  }
0x6a: {  	_ =	swait.ge @!p0 [sflag:s29], $0x80  }
0x6b: {  	[sflag:s29] =	ssyncset.done @!p0 $0x0  }
0x6c: {  	s31 =	simm.s32 @!p0 $0x80;
	s28 =	sadd.s32 @!p0 s5, s28;
	[sflag:s29] =	ssyncadd.s32 @!p0 $0xFFFFFF80  }
0x6d: {  	[tilespmem:s31], [sflag:$0x3] =	stream.linear.gather @!p0 [hbm4b:s28+s30], $0x80, $0x38;
	[tilespmem:$0x1BE00] =	vst v63  }
0x6e: {  	_ =	swait.ge @!p0 [sflag:s29], $0x80  }
0x6f: {  	[sflag:s29] =	ssyncset.done @!p0 $0x0  }
0x70: {  	[sflag:s29] =	ssyncadd.s32 @!p0 $0xFFFFFF80  }
0x71: {  	_ =	swait.ge [sflag:s23], $0x4000  }
0x72: {  	[sflag:s23] =	ssyncset.done $0x0  }
0x73: {  	[sflag:s23] =	ssyncadd.s32 $0xFFFFC000  }
0x74: {  	_ =	swait.ge [sflag:s23], $0x4000  }
0x75: {  	[sflag:s23] =	ssyncset.done $0x0  }
0x76: {  	s28 =	simm.s32 $0x0;
	[sflag:s23] =	ssyncadd.s32 $0xFFFFC000  }
0x77: {  	v6 =	vld [tilespmem:s28+$0x4200]  }
0x78: {  	v11 =	vld [tilespmem:s28+$0x4210]  }
0x79: {  	v5 =	vld [tilespmem:s28+$0x4220]  }
0x7a: {  	v4 =	vld [tilespmem:s28+$0x4230]  }
0x7b: {  	v3 =	vld [tilespmem:s28+$0x4240]  }
0x7c: {  	v2 =	vld [tilespmem:s28+$0x4250]  }
0x7d: {  	v1 =	vld [tilespmem:s28+$0x4260]  }
0x7e: {  	v0 =	vld [tilespmem:s28+$0x4270]  }
0x7f: {  	v12 =	vld [tilespmem:s28+$0x200]  }
0x80: {  	v13 =	vld [tilespmem:s28+$0x210]  }
0x81: {  	v10 =	vld [tilespmem:s28+$0x220]  }
0x82: {  	v9 =	vld [tilespmem:s28+$0x230]  }
0x83: {  	v8 =	vld [tilespmem:s28+$0x240]  }
0x84: {  	v7 =	vld [tilespmem:s28+$0x250];
	v12 =	vadd.f32 v6, v12  }
0x85: {  	s29 =	simm.s32 $0x200;
	v11 =	vadd.f32 v11, v13;
	v6 =	vld [tilespmem:s28+$0x260]  }
.LBB2_5:
0x86: {  	s30 =	sshra.s32 s29, $0x2;
	p0 =	sne.s32 s29, $0xFE00;
	v12 =	vmax.f32 v12, $0.0e+00;
	v5 =	vadd.f32 v5, v10;
	v10 =	vld [tilespmem:s28+$0x270]  }
0x87: {  	v13 =	vld [tilespmem:s30+$0x4200];
	[tilespmem:s28+$0x200] =	vst v12;
	v11 =	vmax.f32 v11, $0.0e+00;
	v4 =	vadd.f32 v4, v9  }
0x88: {  	v14 =	vld [tilespmem:s30+$0x4210];
	[tilespmem:s28+$0x210] =	vst v11;
	v9 =	vmax.f32 v5, $0.0e+00;
	v3 =	vadd.f32 v3, v8  }
0x89: {  	v5 =	vld [tilespmem:s30+$0x4220];
	[tilespmem:s28+$0x220] =	vst v9;
	v8 =	vmax.f32 v4, $0.0e+00;
	v2 =	vadd.f32 v2, v7  }
0x8a: {  	v4 =	vld [tilespmem:s30+$0x4230];
	[tilespmem:s28+$0x230] =	vst v8;
	v7 =	vmax.f32 v3, $0.0e+00;
	v1 =	vadd.f32 v1, v6  }
0x8b: {  	v3 =	vld [tilespmem:s30+$0x4240];
	[tilespmem:s28+$0x240] =	vst v7;
	v6 =	vmax.f32 v2, $0.0e+00;
	v0 =	vadd.f32 v0, v10  }
0x8c: {  	v2 =	vld [tilespmem:s30+$0x4250];
	[tilespmem:s28+$0x250] =	vst v6;
	v6 =	vmax.f32 v1, $0.0e+00  }
0x8d: {  	v1 =	vld [tilespmem:s30+$0x4260];
	[tilespmem:s28+$0x260] =	vst v6;
	v6 =	vmax.f32 v0, $0.0e+00  }
0x8e: {  	v0 =	vld [tilespmem:s30+$0x4270];
	[tilespmem:s28+$0x270] =	vst v6;
	s28 =	smov.u32 s30  }
0x8f: {  	v6 =	vld [tilespmem:s28+$0x200]  }
0x90: {  	v11 =	vld [tilespmem:s28+$0x210]  }
.Ltmp1:
0x91: {  	v10 =	vld [tilespmem:s28+$0x220];
	(pc) =	sbr.rel @p0 .LBB2_5-.Ltmp1, $4  }
0x92: {  	v9 =	vld [tilespmem:s28+$0x230]  }
0x93: {  	v8 =	vld [tilespmem:s28+$0x240]  }
0x94: {  	v12 =	vadd.f32 v13, v6;
	v7 =	vld [tilespmem:s28+$0x250]  }
0x95: {  	s29 =	sadd.s32 $0x200, s29;
	v11 =	vadd.f32 v14, v11;
	v6 =	vld [tilespmem:s28+$0x260]  }
0x96: {  	v12 =	vmax.f32 v12, $0.0e+00;
	v5 =	vadd.f32 v5, v10;
	v63 =	vld [tilespmem:s28+$0x270]  }
0x97: {  	[tilespmem:s28+$0x200] =	vst v12;
	v11 =	vmax.f32 v11, $0.0e+00;
	v4 =	vadd.f32 v4, v9  }
0x98: {  	[tilespmem:s28+$0x210] =	vst v11;
	v5 =	vmax.f32 v5, $0.0e+00;
	v3 =	vadd.f32 v3, v8  }
0x99: {  	s26 =	sadd.s32 $0x1, s26;
	[tilespmem:s28+$0x220] =	vst v5;
	v4 =	vmax.f32 v4, $0.0e+00;
	v2 =	vadd.f32 v2, v7  }
0x9a: {  	p0 =	sne.s32 s26, $0x28;
	[tilespmem:s28+$0x230] =	vst v4;
	v3 =	vmax.f32 v3, $0.0e+00;
	v1 =	vadd.f32 v1, v6  }
.Ltmp2:
0x9b: {  	[tilespmem:s28+$0x240] =	vst v3;
	v2 =	vmax.f32 v2, $0.0e+00;
	v0 =	vadd.f32 v0, v63;
	(pc) =	sbr.rel @p0 .LBB2_2-.Ltmp2, $4  }
0x9c: {  	[tilespmem:s28+$0x250] =	vst v2;
	v1 =	vmax.f32 v1, $0.0e+00  }
0x9d: {  	[tilespmem:s28+$0x260] =	vst v1;
	v0 =	vmax.f32 v0, $0.0e+00  }
0x9e: {  	[tilespmem:s28+$0x270] =	vst v0  }
0x9f: {  	[spmem:s3] =	stream.indirect.scatter.add.f32 [tilespmem:s20], [sflag:$0x2], $0x80, s22, s18, $0xb8;
	[tilespmem:$0x1BE00] =	vst v63  }
0xa0: {  	_ =	swait.ge [sflag:s24], $0x4000  }
0xa1: {  	s25 =	sadd.s32 $0x1, s25;
	[sflag:s24] =	ssyncset.done $0x0  }
0xa2: {  	p0 =	sne.s32 s25, s15;
	[sflag:s24] =	ssyncadd.s32 $0xFFFFC000  }
.Ltmp3:
0xa3: {  	[bflag:$0x0] =	sbarrier.arrive $0xFFFF;
	(pc) =	sbr.rel @p0 .LBB2_1-.Ltmp3, $4  }
0xa4: {  	[hbm:s14], [sflag:s9] =	dma.local [spmem:s16], $0x2780  }
0xa5: {  	_ =	swait.ge [sflag:s17], $0x2780  }
0xa6: {  	[sflag:s17] =	ssyncset.done $0x0  }
0xa7: {  	[sflag:s17] =	ssyncadd.s32 $0xFFFFD880  }
0xa8: {  	_ =	sfence.sel $0x180000  }
0xa9: {  	[bflag:$0x0] =	sbarrier.arrive $0xFFFF  }
0xaa: {  	p0 =	sne.s32 s2, $0x0;
	_ =	strace $0x90000047  }
0xab: {  	s0 =	sadd.s32 @!p0 $0x100000, s0;
	[bflag:$0x2] =	sbarrier.arrive $0xFFFF  }
0xac: {  	[sflag:s0] =	ssyncadd.tile.s32 @!p0 $0x1;
	_ =	shalt  }
.Lfunc_end2:
_tile_overlayer_lowered:
.L_overlay_start_2:
0xad: {  	(tag) =	ssettag $0x2  }
0xae: {  	s0 =	rddreg [dreg:$0x0];
	s2 =	stileid.u32  }
0xaf: {  	s1 =	rddreg [dreg:$0x1];
	p0 =	sne.s32 s2, $0x0  }
0xb0: {  	s3 =	rddreg [dreg:$0x2];
	[bflag:$0x3] =	sbarrier.arrive $0xFFFF;
	s2 =	simm.s32 @!p0 $0x1C03  }
0xb1: {  	[timem:s3], [sflag:s2] =	dma.local @!p0 [hbm:s0], s1  }
0xb2: {  	s0 =	simm.s32 @!p0 $0x3  }
0xb3: {  	_ =	swait.ge @!p0 [sflag:s0], s1  }
0xb4: {  	s1 =	ssub.s32 @!p0 $0x0, s1;
	[sflag:s0] =	ssyncset.done @!p0 $0x0  }
0xb5: {  	[sflag:s0] =	ssyncadd.s32 @!p0 s1  }
0xb6: {  	[bflag:$0x3] =	sbarrier.arrive $0xFFFF  }
0xb7: {  	_ =	shalt  }

// kernel: kernel.14.cloned.1.call-start
scs
__scs_entry_jumppad:
0x0: {  	(pc) =	sbr.rel $0x88, $3  }
0x1: {  	(tag) =	ssettag $0x0;
	lr =	simm.s32 $0x1  }
0x2: {  	[smem:$0x3F87] =	sst lr;
	_ =	strace $0xD0000000  }
0x3: {  	_ = 	snop  }
0x4: {  	_ = 	snop  }
0x5: {  	_ = 	snop  }
0x6: {  	_ = 	snop  }
0x7: {  	_ = 	snop  }
__scs_overlays_trampoline_lowered:
0x8: {  	[smem:$0x3F96] =	sst s0  }
0x9: {  	[smem:$0x3F97] =	sst s1  }
0xa: {  	[smem:$0x3F98] =	sst s2  }
0xb: {  	[smem:$0x3F99] =	sst s3  }
0xc: {  	[smem:$0x3F9A] =	sst s4  }
0xd: {  	[smem:$0x3F9B] =	sst s5  }
0xe: {  	[smem:$0x3F9C] =	sst s6  }
0xf: {  	[smem:$0x3F9D] =	sst s7  }
0x10: {  	[smem:$0x3F9E] =	sst s8  }
0x11: {  	[smem:$0x3F9F] =	sst s9;
	s0 =	simm.s32 @!p0 $0x0  }
0x12: {  	s1 =	sld [smem:$0x3F85];
	s0 =	simm.s32 @p0 $0x1  }
0x13: {  	[smem:$0x3FA0] =	sst s0;
	s0 =	simm.s32 @!p1 $0x0  }
0x14: {  	s2 =	sld [smem:$0x3F84];
	s0 =	simm.s32 @p1 $0x1  }
0x15: {  	[smem:$0x3FA1] =	sst s0;
	s0 =	simm.s32 @!p2 $0x0  }
0x16: {  	s3 =	sld [smem:$0x3FDB];
	s0 =	simm.s32 @p2 $0x1  }
0x17: {  	s4 =	simm.s32 $0x1BF5;
	[smem:$0x3FA3] =	sst s0  }
0x18: {  	s0 =	sld [smem:$0x3F86];
	_ =	swait.ge [sflag:s4], $0x0  }
0x19: {  	s7 =	sld [smem:$0x3F87]  }
0x1a: {  	s8 =	sadd.s32 $0xFFFFE003, lr  }
0x1b: {  	s9 =	sadd.s32 $0xFFFFFEF7, lr;
	s5 =	simm.s32 $0xFFFFFFFF;
	p2 =	slt.u32 s8, $0xFFFFF086  }
0x1c: {  	p1 =	slt.u32 s9, $0xF7A;
	s5 =	simm.s32 @!p2 $0x0  }
0x1d: {  	s5 =	simm.s32 @p1 $0x1;
	p0 =	seq.s32 s7, s2  }
0x1e: {  	s7 =	smul.u32 @!p0 $0xF7A, s2;
	p2 =	seq.s32 @!p0 s5, $0x0  }
0x1f: {  	s9 =	smul.u32 $0xF7A, s1;
	s8 =	simm.s32 @!p0 $0x1BF5;
	p2 =	por !p2, p0  }
0x20: {  	[sflag:s8] =	ssyncset.s32 @!p0 $0xFFFFF086;
	s6 =	sadd.s32 @!p0 s3, s7;
	s7 =	simm.s32 @!p0 $0x108  }
0x21: {  	s3 =	sadd.s32 s3, s9;
	s6 =	sadd.s32 @!p0 $0x88, s6;
	s7 =	simm.s32 @p2 $0x1082  }
0x22: {  	[simem:s7], [sflag:s8] =	dma.local @!p0 [hbm:s6], $0xF7A  }
0x23: {  	s9 =	sor.u32 $0xD0000000, s2;
	s6 =	simm.s32 $0x108;
	_ =	swait.ge @!p0 [sflag:s8], $0x0  }
0x24: {  	s3 =	sadd.s32 $0x88, s3;
	s6 =	simm.s32 @!p1 $0x1082;
	[sflag:s4] =	ssyncset.s32 $0xFFFFF086  }
0x25: {  	[simem:s6], [sflag:s4] =	dma.local [hbm:s3], $0xF7A  }
0x26: {  	[smem:$0x3F87] =	sst s1;
	(tag) =	ssettag s2;
	_ =	strace s9  }
0x27: {  	s1 =	sld [smem:$0x3F97]  }
0x28: {  	s2 =	sld [smem:$0x3F98]  }
0x29: {  	s4 =	sld [smem:$0x3F9A]  }
0x2a: {  	p0 =	seq.s32 s5, $0x0;
	s5 =	sld [smem:$0x3F9B]  }
0x2b: {  	s6 =	sld [smem:$0x3F9C]  }
0x2c: {  	s7 =	sld [smem:$0x3F9D]  }
0x2d: {  	s3 =	simm.s32 $0x108;
	s8 =	sld [smem:$0x3F9E]  }
0x2e: {  	s3 =	simm.s32 @!p0 $0x1082;
	s9 =	sld [smem:$0x3F9F]  }
0x2f: {  	lr =	sadd.s32 s0, s3;
	s0 =	sld [smem:$0x3F96]  }
0x30: {  	s3 =	sld [smem:$0x3F99]  }
0x31: {  	[smem:$0x3FA2] =	sst s10  }
0x32: {  	s10 =	sld [smem:$0x3FA0];
	_ =	sdelay $0x3  }
0x33: {  	p0 =	seq.s32 s10, $0x1;
	s10 =	sld [smem:$0x3FA2];
	_ =	sdelay $0x3  }
0x34: {  	[smem:$0x3FA2] =	sst s10  }
0x35: {  	s10 =	sld [smem:$0x3FA1];
	_ =	sdelay $0x3  }
0x36: {  	p1 =	seq.s32 s10, $0x1;
	s10 =	sld [smem:$0x3FA2];
	_ =	sdelay $0x3  }
0x37: {  	[smem:$0x3FA2] =	sst s10  }
0x38: {  	s10 =	sld [smem:$0x3FA3]  }
0x39: {  	_ = 	snop;
	(pc) =	sbr.ind lr, $3  }
0x3a: {  	_ = 	snop  }
0x3b: {  	_ = 	snop  }
0x3c: {  	p2 =	seq.s32 s10, $0x1;
	s10 =	sld [smem:$0x3FA2]  }
0x3d: {  	_ =	shalt  }
0x3e: {  	_ =	shalt  }
0x3f: {  	_ =	shalt  }
0x40: {  	_ =	shalt  }
0x41: {  	_ =	shalt  }
0x42: {  	_ =	shalt  }
0x43: {  	_ =	shalt  }
0x44: {  	_ =	shalt  }
0x45: {  	_ =	shalt  }
0x46: {  	_ =	shalt  }
0x47: {  	_ =	shalt  }
0x48: {  	_ =	shalt  }
0x49: {  	_ =	shalt  }
0x4a: {  	_ =	shalt  }
0x4b: {  	_ =	shalt  }
0x4c: {  	_ =	shalt  }
0x4d: {  	_ =	shalt  }
0x4e: {  	_ =	shalt  }
0x4f: {  	_ =	shalt  }
0x50: {  	_ =	shalt  }
0x51: {  	_ =	shalt  }
0x52: {  	_ =	shalt  }
0x53: {  	_ =	shalt  }
0x54: {  	_ =	shalt  }
0x55: {  	_ =	shalt  }
0x56: {  	_ =	shalt  }
0x57: {  	_ =	shalt  }
0x58: {  	_ =	shalt  }
0x59: {  	_ =	shalt  }
0x5a: {  	_ =	shalt  }
0x5b: {  	_ =	shalt  }
0x5c: {  	_ =	shalt  }
0x5d: {  	_ =	shalt  }
0x5e: {  	_ =	shalt  }
0x5f: {  	_ =	shalt  }
0x60: {  	_ =	shalt  }
0x61: {  	_ =	shalt  }
0x62: {  	_ =	shalt  }
0x63: {  	_ =	shalt  }
0x64: {  	_ =	shalt  }
0x65: {  	_ =	shalt  }
0x66: {  	_ =	shalt  }
0x67: {  	_ =	shalt  }
0x68: {  	_ =	shalt  }
0x69: {  	_ =	shalt  }
0x6a: {  	_ =	shalt  }
0x6b: {  	_ =	shalt  }
0x6c: {  	_ =	shalt  }
0x6d: {  	_ =	shalt  }
0x6e: {  	_ =	shalt  }
0x6f: {  	_ =	shalt  }
0x70: {  	_ =	shalt  }
0x71: {  	_ =	shalt  }
0x72: {  	_ =	shalt  }
0x73: {  	_ =	shalt  }
0x74: {  	_ =	shalt  }
0x75: {  	_ =	shalt  }
0x76: {  	_ =	shalt  }
0x77: {  	_ =	shalt  }
0x78: {  	_ =	shalt  }
0x79: {  	_ =	shalt  }
0x7a: {  	_ =	shalt  }
0x7b: {  	_ =	shalt  }
0x7c: {  	_ =	shalt  }
0x7d: {  	_ =	shalt  }
0x7e: {  	_ =	shalt  }
0x7f: {  	_ =	shalt  }
0x80: {  	_ =	shalt  }
0x81: {  	_ =	shalt  }
0x82: {  	_ =	shalt  }
0x83: {  	_ =	shalt  }
0x84: {  	_ =	shalt  }
0x85: {  	_ =	shalt  }
0x86: {  	_ =	shalt  }
0x87: {  	_ =	shalt  }
.Lfunc_end0:
.L_simem_size_0:
called_computation.2_lowered:
.L_overlay_start_0:
0x88: {  	s2 =	sld [smem:$0x3FD9]  }
0x89: {  	s3 =	sld [smem:$0x3FFE];
	_ =	sdelay $0x1  }
0x8a: {  	s1 =	srdreg.scid  }
0x8b: {  	s0 =	sand.u32 $0x1, s1  }
0x8c: {  	s17 =	sshll.u32 s0, $0xA;
	s2 =	sadd.s32 s3, s2  }
0x8d: {  	s2 =	sadd.s32 s2, s17  }
0x8e: {  	[smem:$0x3FAE] =	sst s2  }
0x8f: {  	_ = 	snop  }
0x90: {  	s2 =	sld [smem:$0x3FD0];
	(tm) =	ssettm $0x1  }
0x91: {  	s18 =	sld [smem:$0x3FFB];
	_ =	sdelay $0x3  }
0x92: {  	_ =	strace s18  }
0x93: {  	s3 =	sld [smem:$0x3FFC];
	_ =	sdelay $0x3  }
0x94: {  	_ =	strace s3  }
0x95: {  	s3 =	sld [smem:$0x3FFD];
	_ =	sdelay $0x3  }
0x96: {  	_ =	strace s3  }
0x97: {  	_ =	strace $0x8FFFFFFF  }
0x98: {  	s19 =	sld [smem:$0x3FDB];
	_ =	sdelay $0x1  }
0x99: {  	s4 =	simm.s32 $_scs_section_size  }
0x9a: {  	s5 =	simm.s32 $_size__tile_overlayer_lowered;
	s6 =	simm.s32 $_tile_overlayer_lowered  }
0x9b: {  	s22 =	simm.s32 $0x1BFF;
	s21 =	sshll.u32 s6, $0x1;
	s3 =	sadd.s32 s4, s19  }
0x9c: {  	s7 =	simm.s32 $0x0;
	s20 =	sshll.u32 s5, $0x1;
	s5 =	sadd.s32 s21, s3  }
0x9d: {  	[timem:s7], [sflag:s22] =	dma.local [hbm:s5], s20  }
0x9e: {  	_ =	swait.ge [sflag:s22], s20  }
0x9f: {  	s4 =	ssub.s32 $0x0, s20;
	[sflag:s22] =	ssyncset.done $0x0  }
0xa0: {  	[sflag:s22] =	ssyncadd.s32 s4;
	_ =	sdelay $0x1  }
0xa1: {  	s23 =	simm.s32 $0x1B8B  }
0xa2: {  	_ =	swait.ge [sflag:s23], $0x1  }
0xa3: {  	[sflag:s23] =	ssyncset.done $0x0  }
0xa4: {  	s25 =	simm.s32 $0x1B8E;
	s24 =	sld [smem:$0x3FFE];
	[sflag:s23] =	ssyncadd.s32 $0xFFFFFFFF  }
0xa5: {  	s26 =	simm.s32 $execute0_lowered;
	[smem:$0x3FD2] =	sst s25  }
0xa6: {  	s5 =	sshll.u32 s26, $0x1;
	_ =	strace $0x8000004C;
	[dreg:$0x1] =	wrdreg $0xFFFFFFFF  }
0xa7: {  	s28 =	simm.s32 $_size_execute0_lowered;
	s3 =	sadd.s32 s3, s5;
	[dreg:$0x0] =	wrdreg $0x0  }
0xa8: {  	s5 =	sshll.u32 s28, $0x1;
	[dreg:$0x2] =	wrdreg s3  }
0xa9: {  	[dreg:$0x3] =	wrdreg s5  }
0xaa: {  	[dreg:$0x4] =	wrdreg $0xC0  }
0xab: {  	_ =	task [dreg:s7], $0x5FFFF  }
0xac: {  	[dreg:$0x1] =	wrdreg $0xFFFFFFFF  }
0xad: {  	[dreg:$0x0] =	wrdreg $0x60  }
0xae: {  	[dreg:$0x2] =	wrdreg s2  }
0xaf: {  	[dreg:$0x3] =	wrdreg s24  }
0xb0: {  	[dreg:$0x4] =	wrdreg $0x82000  }
0xb1: {  	[dreg:$0x5] =	wrdreg $0x9  }
0xb2: {  	_ =	task.clear_ibuf [dreg:s7], $0x6FFFF;
	_ =	strace $0x9000004C  }
0xb3: {  	s29 =	simm.s32 $0x9;
	_ =	strace $0x8000004E  }
0xb4: {  	_ =	swait.ge [sflag:s29], $0x1  }
0xb5: {  	[sflag:s29] =	ssyncadd.s32 $0xFFFFFFFF  }
0xb6: {  	_ =	strace $0x9000004E  }
0xb7: {  	_ =	sfence  }
0xb8: {  	s30 =	sld [smem:$0x0];
	_ =	sdelay $0x2  }
0xb9: {  	s31 =	sshll.u32 s1, $0xD;
	s1 =	sshrl.u32 s1, $0x2  }
0xba: {  	s3 =	sand.u32 $0x4000, s31;
	s1 =	sadd.s32 s1, s30  }
0xbb: {  	s0 =	sor.u32 s3, s0;
	s1 =	sshll.u32 s1, $0x11  }
0xbc: {  	s0 =	sor.u32 s1, s0  }
0xbd: {  	s0 =	sadd.s32 $0x8F2B, s0  }
0xbe: {  	[sflag:s0] =	ssyncadd.remote.s32 $0x1  }
0xbf: {  	_ =	sfence.sel $0xFFFF  }
0xc0: {  	[dreg:$0x0] =	wrdreg $0xFFFFFFFF;
	(pc) =	sbr.abs _section_cstart, $3  }
0xc1: {  	[dreg:$0x1] =	wrdreg $0xFFFFFFFF  }
0xc2: {  	_ =	task.clear_ibuf [dreg:s7], $0x2FFFF;
	_ =	strace $0x9FFFFFFF  }
0xc3: {  	(tm) =	ssettm $0x7FFFFFFF  }
tec
execute0_lowered:
.L_overlay_start_1:
0x0: {  	(tag) =	ssettag $0x1  }
0x1: {  	s1 =	rddreg [dreg:$0x0]  }
0x2: {  	s8 =	rddreg [dreg:$0x1]  }
0x3: {  	s3 =	rddreg [dreg:$0x2]  }
0x4: {  	s0 =	rddreg [dreg:$0x3]  }
0x5: {  	s4 =	simm.s32 $0x0;
	s2 =	stileid.u32;
	s5 =	srdreg.scid  }
0x6: {  	s19 =	simm.s32 $0x4200;
	s20 =	simm.s32 $0x200;
	s21 =	simm.s32 $0x100  }
0x7: {  	s22 =	simm.s32 $0x180;
	s23 =	simm.s32 $0x1;
	s24 =	simm.s32 $0x2  }
0x8: {  	s25 =	simm.s32 $0x0;
	[smem:$0x7FF] =	sst s4;
	s9 =	smul.u32 $0x13C00, s2  }
0x9: {  	s10 =	sand.u32 $0x1, s5;
	s5 =	sadd.s32 $0x53800, s8;
	s6 =	sadd.s32 $0x4800, s8  }
0xa: {  	s7 =	sadd.s32 $0x2C000, s8;
	s13 =	smul.u32 $0x4F000, s2;
	s31 =	sshll.u32 s2, $0x6  }
0xb: {  	s11 =	smul.u32 $0x13C000, s10;
	s29 =	sshll.u32 s10, $0x4;
	s10 =	ssub.s32 $0x2, s10  }
0xc: {  	_ =	strace $0x8000004D;
	s12 =	sshrl.u32 s9, $0x3;
	s14 =	sshrl.u32 s10, $0x1  }
0xd: {  	s30 =	sshrl.u32 s13, $0x2;
	s9 =	sadd.s32 s9, s11;
	s11 =	sor.u32 s2, s29  }
0xe: {  	s12 =	sadd.s32 s12, s8;
	s9 =	sshrl.u32 s9, $0x3;
	s15 =	smul.u32 $0x2800, s11  }
0xf: {  	s17 =	ssub.s32 s10, s14;
	s18 =	sadd.s32 s30, s3;
	s16 =	sadd.s32 s9, s8  }
0x10: {  	s8 =	sadd.s32 $0x5D800, s12;
	s9 =	sor.u32 $0x1C03, s31;
	s11 =	sshrl.u32 s15, $0x3  }
0x11: {  	s12 =	sor.u32 $0x80, s15;
	s13 =	sor.u32 $0x100, s15;
	s14 =	sadd.s32 $0x85000, s16  }
0x12: {  	s15 =	smax.u32 s17, $0x1;
	s16 =	sshrl.u32 s18, $0x3;
	s17 =	simm.s32 $0x3  }
0x13: {  	s18 =	simm.s32 $0x80;
	s10 =	sadd.s32 s1, s11;
	s11 =	sadd.s32 s5, s11  }
.LBB2_1:
0x14: {  	[spmem:s16], [sflag:s9] =	dma.local [hbm:s8], $0x2780  }
0x15: {  	_ =	swait.ge [sflag:s17], $0x2780  }
0x16: {  	[sflag:s17] =	ssyncset.done $0x0  }
0x17: {  	[sflag:s17] =	ssyncadd.s32 $0xFFFFD880  }
0x18: {  	[bflag:$0x0] =	sbarrier.arrive $0xFFFF  }
0x19: {  	[tilespmem:s4], [sflag:$0x3] =	stream.linear.gather [hbm4b:s10+s4], $0x80, $0x38;
	[tilespmem:$0x1BE00] =	vst v63  }
0x1a: {  	_ =	swait.ge [sflag:s17], $0x80  }
0x1b: {  	[sflag:s17] =	ssyncset.done $0x0  }
0x1c: {  	[sflag:s17] =	ssyncadd.s32 $0xFFFFFF80  }
0x1d: {  	[tilespmem:s18], [sflag:$0x3] =	stream.linear.gather [hbm4b:s11+s4], $0x80, $0x38;
	[tilespmem:$0x1BE00] =	vst v63  }
0x1e: {  	_ =	swait.ge [sflag:s17], $0x80  }
0x1f: {  	[sflag:s17] =	ssyncset.done $0x0  }
0x20: {  	s26 =	simm.s32 $0x0;
	[sflag:s17] =	ssyncadd.s32 $0xFFFFFF80  }
.LBB2_2:
0x21: {  	[tilespmem:s19], [sflag:$0x1] =	stream.indirect.gather [hbm4b:s7+s18], $0x80, s4, s18, $0xb8;
	[tilespmem:$0x1BE00] =	vst v63  }
0x22: {  	p0 =	seq.s32 s26, $0x0  }
0x23: {  	s29 =	simm.s32 @!p0 $0x2  }
0x24: {  	_ =	swait.ge @!p0 [sflag:s29], $0x4000  }
0x25: {  	s28 =	sshll.u32 s26, $0x8;
	[sflag:s29] =	ssyncset.done @!p0 $0x0  }
0x26: {  	[sflag:s29] =	ssyncadd.s32 @!p0 $0xFFFFC000;
	s29 =	sadd.s32 s28, s12  }
0x27: {  	[tilespmem:s20], [sflag:$0x1] =	stream.indirect.gather [hbm4b:s6+s18], $0x80, s18, s18, $0xb8;
	[tilespmem:$0x1BE00] =	vst v63  }
0x28: {  	s29 =	sshrl.u32 s29, $0x3  }
0x29: {  	s31 =	simm.s32 $0x0;
	s30 =	sadd.s32 s1, s29  }
0x2a: {  	[tilespmem:s21], [sflag:$0x3] =	stream.linear.gather [hbm4b:s30+s31], $0x80, $0x38;
	[tilespmem:$0x1BE00] =	vst v63  }
0x2b: {  	_ =	swait.ge [sflag:s17], $0x80  }
0x2c: {  	[sflag:s17] =	ssyncset.done $0x0  }
0x2d: {  	s29 =	sadd.s32 s5, s29;
	[sflag:s17] =	ssyncadd.s32 $0xFFFFFF80  }
0x2e: {  	[tilespmem:s22], [sflag:$0x3] =	stream.linear.gather [hbm4b:s29+s31], $0x80, $0x38;
	[tilespmem:$0x1BE00] =	vst v63  }
0x2f: {  	_ =	swait.ge [sflag:s17], $0x80  }
0x30: {  	[sflag:s17] =	ssyncset.done $0x0  }
0x31: {  	[sflag:s17] =	ssyncadd.s32 $0xFFFFFF80  }
0x32: {  	_ =	swait.ge [sflag:s23], $0x4000  }
0x33: {  	[sflag:s23] =	ssyncset.done $0x0  }
0x34: {  	[sflag:s23] =	ssyncadd.s32 $0xFFFFC000  }
0x35: {  	_ =	swait.ge [sflag:s23], $0x4000  }
0x36: {  	[sflag:s23] =	ssyncset.done $0x0  }
0x37: {  	s29 =	simm.s32 $0x0;
	[sflag:s23] =	ssyncadd.s32 $0xFFFFC000  }
0x38: {  	v6 =	vld [tilespmem:s29+$0x4200]  }
0x39: {  	v11 =	vld [tilespmem:s29+$0x4210]  }
0x3a: {  	v5 =	vld [tilespmem:s29+$0x4220]  }
0x3b: {  	v4 =	vld [tilespmem:s29+$0x4230]  }
0x3c: {  	v3 =	vld [tilespmem:s29+$0x4240]  }
0x3d: {  	v2 =	vld [tilespmem:s29+$0x4250]  }
0x3e: {  	v1 =	vld [tilespmem:s29+$0x4260]  }
0x3f: {  	v0 =	vld [tilespmem:s29+$0x4270]  }
0x40: {  	v12 =	vld [tilespmem:s29+$0x200]  }
0x41: {  	v13 =	vld [tilespmem:s29+$0x210]  }
0x42: {  	v10 =	vld [tilespmem:s29+$0x220]  }
0x43: {  	v9 =	vld [tilespmem:s29+$0x230]  }
0x44: {  	v8 =	vld [tilespmem:s29+$0x240]  }
0x45: {  	v7 =	vld [tilespmem:s29+$0x250];
	v12 =	vadd.f32 v6, v12  }
0x46: {  	s30 =	simm.s32 $0x200;
	v11 =	vadd.f32 v11, v13;
	v6 =	vld [tilespmem:s29+$0x260]  }
.LBB2_3:
0x47: {  	s31 =	sshra.s32 s30, $0x2;
	p0 =	sne.s32 s30, $0xFE00;
	v12 =	vmax.f32 v12, $0.0e+00;
	v5 =	vadd.f32 v5, v10;
	v10 =	vld [tilespmem:s29+$0x270]  }
0x48: {  	v13 =	vld [tilespmem:s31+$0x4200];
	[tilespmem:s29+$0x200] =	vst v12;
	v11 =	vmax.f32 v11, $0.0e+00;
	v4 =	vadd.f32 v4, v9  }
0x49: {  	v14 =	vld [tilespmem:s31+$0x4210];
	[tilespmem:s29+$0x210] =	vst v11;
	v9 =	vmax.f32 v5, $0.0e+00;
	v3 =	vadd.f32 v3, v8  }
0x4a: {  	v5 =	vld [tilespmem:s31+$0x4220];
	[tilespmem:s29+$0x220] =	vst v9;
	v8 =	vmax.f32 v4, $0.0e+00;
	v2 =	vadd.f32 v2, v7  }
0x4b: {  	v4 =	vld [tilespmem:s31+$0x4230];
	[tilespmem:s29+$0x230] =	vst v8;
	v7 =	vmax.f32 v3, $0.0e+00;
	v1 =	vadd.f32 v1, v6  }
0x4c: {  	v3 =	vld [tilespmem:s31+$0x4240];
	[tilespmem:s29+$0x240] =	vst v7;
	v6 =	vmax.f32 v2, $0.0e+00;
	v0 =	vadd.f32 v0, v10  }
0x4d: {  	v2 =	vld [tilespmem:s31+$0x4250];
	[tilespmem:s29+$0x250] =	vst v6;
	v6 =	vmax.f32 v1, $0.0e+00  }
0x4e: {  	v1 =	vld [tilespmem:s31+$0x4260];
	[tilespmem:s29+$0x260] =	vst v6;
	v6 =	vmax.f32 v0, $0.0e+00  }
0x4f: {  	v0 =	vld [tilespmem:s31+$0x4270];
	[tilespmem:s29+$0x270] =	vst v6;
	s29 =	smov.u32 s31  }
0x50: {  	v6 =	vld [tilespmem:s29+$0x200]  }
0x51: {  	v11 =	vld [tilespmem:s29+$0x210]  }
.Ltmp0:
0x52: {  	v10 =	vld [tilespmem:s29+$0x220];
	(pc) =	sbr.rel @p0 .LBB2_3-.Ltmp0, $4  }
0x53: {  	v9 =	vld [tilespmem:s29+$0x230]  }
0x54: {  	v8 =	vld [tilespmem:s29+$0x240]  }
0x55: {  	v12 =	vadd.f32 v13, v6;
	v7 =	vld [tilespmem:s29+$0x250]  }
0x56: {  	s30 =	sadd.s32 $0x200, s30;
	v11 =	vadd.f32 v14, v11;
	v6 =	vld [tilespmem:s29+$0x260]  }
0x57: {  	v12 =	vmax.f32 v12, $0.0e+00;
	v5 =	vadd.f32 v5, v10;
	v10 =	vld [tilespmem:s29+$0x270]  }
0x58: {  	[tilespmem:s29+$0x200] =	vst v12;
	v11 =	vmax.f32 v11, $0.0e+00;
	v4 =	vadd.f32 v4, v9  }
0x59: {  	[tilespmem:s29+$0x210] =	vst v11;
	v5 =	vmax.f32 v5, $0.0e+00;
	v3 =	vadd.f32 v3, v8  }
0x5a: {  	[tilespmem:s29+$0x220] =	vst v5;
	v4 =	vmax.f32 v4, $0.0e+00;
	v2 =	vadd.f32 v2, v7  }
0x5b: {  	[tilespmem:s29+$0x230] =	vst v4;
	v3 =	vmax.f32 v3, $0.0e+00;
	v1 =	vadd.f32 v1, v6  }
0x5c: {  	[tilespmem:s29+$0x240] =	vst v3;
	v2 =	vmax.f32 v2, $0.0e+00;
	v0 =	vadd.f32 v0, v10  }
0x5d: {  	[tilespmem:s29+$0x250] =	vst v2;
	v1 =	vmax.f32 v1, $0.0e+00  }
0x5e: {  	[tilespmem:s29+$0x260] =	vst v1;
	v0 =	vmax.f32 v0, $0.0e+00  }
0x5f: {  	[tilespmem:s29+$0x270] =	vst v0  }
0x60: {  	[spmem:s3] =	stream.indirect.scatter.add.f32 [tilespmem:s20], [sflag:$0x2], $0x80, s18, s18, $0xb8;
	[tilespmem:$0x1BE00] =	vst v63  }
0x61: {  	_ = 	snop  }
0x62: {  	[tilespmem:s19], [sflag:$0x1] =	stream.indirect.gather [hbm4b:s7+s18], $0x80, s21, s18, $0xb8;
	[tilespmem:$0x1BE00] =	vst v63  }
0x63: {  	p0 =	seq.s32 s26, $0x27;
	_ =	swait.ge [sflag:s24], $0x4000  }
0x64: {  	s28 =	sadd.s32 @!p0 s28, s13;
	[sflag:s24] =	ssyncset.done $0x0  }
0x65: {  	s28 =	sshrl.u32 @!p0 s28, $0x3;
	[sflag:s24] =	ssyncadd.s32 $0xFFFFC000  }
0x66: {  	[tilespmem:s20], [sflag:$0x1] =	stream.indirect.gather [hbm4b:s6+s18], $0x80, s22, s18, $0xb8;
	[tilespmem:$0x1BE00] =	vst v63  }
0x67: {  	s30 =	simm.s32 @!p0 $0x0;
	s29 =	sadd.s32 @!p0 s1, s28  }
0x68: {  	[tilespmem:s30], [sflag:$0x3] =	stream.linear.gather @!p0 [hbm4b:s29+s30], $0x80, $0x38;
	[tilespmem:$0x1BE00] =	vst v63  }
0x69: {  	s29 =	simm.s32 @!p0 $0x3  }
0x6a: {  	_ =	swait.ge @!p0 [sflag:s29], $0x80  }
0x6b: {  	[sflag:s29] =	ssyncset.done @!p0 $0x0  }
0x6c: {  	s31 =	simm.s32 @!p0 $0x80;
	s28 =	sadd.s32 @!p0 s5, s28;
	[sflag:s29] =	ssyncadd.s32 @!p0 $0xFFFFFF80  }
0x6d: {  	[tilespmem:s31], [sflag:$0x3] =	stream.linear.gather @!p0 [hbm4b:s28+s30], $0x80, $0x38;
	[tilespmem:$0x1BE00] =	vst v63  }
0x6e: {  	_ =	swait.ge @!p0 [sflag:s29], $0x80  }
0x6f: {  	[sflag:s29] =	ssyncset.done @!p0 $0x0  }
0x70: {  	[sflag:s29] =	ssyncadd.s32 @!p0 $0xFFFFFF80  }
0x71: {  	_ =	swait.ge [sflag:s23], $0x4000  }
0x72: {  	[sflag:s23] =	ssyncset.done $0x0  }
0x73: {  	[sflag:s23] =	ssyncadd.s32 $0xFFFFC000  }
0x74: {  	_ =	swait.ge [sflag:s23], $0x4000  }
0x75: {  	[sflag:s23] =	ssyncset.done $0x0  }
0x76: {  	s28 =	simm.s32 $0x0;
	[sflag:s23] =	ssyncadd.s32 $0xFFFFC000  }
0x77: {  	v6 =	vld [tilespmem:s28+$0x4200]  }
0x78: {  	v11 =	vld [tilespmem:s28+$0x4210]  }
0x79: {  	v5 =	vld [tilespmem:s28+$0x4220]  }
0x7a: {  	v4 =	vld [tilespmem:s28+$0x4230]  }
0x7b: {  	v3 =	vld [tilespmem:s28+$0x4240]  }
0x7c: {  	v2 =	vld [tilespmem:s28+$0x4250]  }
0x7d: {  	v1 =	vld [tilespmem:s28+$0x4260]  }
0x7e: {  	v0 =	vld [tilespmem:s28+$0x4270]  }
0x7f: {  	v12 =	vld [tilespmem:s28+$0x200]  }
0x80: {  	v13 =	vld [tilespmem:s28+$0x210]  }
0x81: {  	v10 =	vld [tilespmem:s28+$0x220]  }
0x82: {  	v9 =	vld [tilespmem:s28+$0x230]  }
0x83: {  	v8 =	vld [tilespmem:s28+$0x240]  }
0x84: {  	v7 =	vld [tilespmem:s28+$0x250];
	v12 =	vadd.f32 v6, v12  }
0x85: {  	s29 =	simm.s32 $0x200;
	v11 =	vadd.f32 v11, v13;
	v6 =	vld [tilespmem:s28+$0x260]  }
.LBB2_5:
0x86: {  	s30 =	sshra.s32 s29, $0x2;
	p0 =	sne.s32 s29, $0xFE00;
	v12 =	vmax.f32 v12, $0.0e+00;
	v5 =	vadd.f32 v5, v10;
	v10 =	vld [tilespmem:s28+$0x270]  }
0x87: {  	v13 =	vld [tilespmem:s30+$0x4200];
	[tilespmem:s28+$0x200] =	vst v12;
	v11 =	vmax.f32 v11, $0.0e+00;
	v4 =	vadd.f32 v4, v9  }
0x88: {  	v14 =	vld [tilespmem:s30+$0x4210];
	[tilespmem:s28+$0x210] =	vst v11;
	v9 =	vmax.f32 v5, $0.0e+00;
	v3 =	vadd.f32 v3, v8  }
0x89: {  	v5 =	vld [tilespmem:s30+$0x4220];
	[tilespmem:s28+$0x220] =	vst v9;
	v8 =	vmax.f32 v4, $0.0e+00;
	v2 =	vadd.f32 v2, v7  }
0x8a: {  	v4 =	vld [tilespmem:s30+$0x4230];
	[tilespmem:s28+$0x230] =	vst v8;
	v7 =	vmax.f32 v3, $0.0e+00;
	v1 =	vadd.f32 v1, v6  }
0x8b: {  	v3 =	vld [tilespmem:s30+$0x4240];
	[tilespmem:s28+$0x240] =	vst v7;
	v6 =	vmax.f32 v2, $0.0e+00;
	v0 =	vadd.f32 v0, v10  }
0x8c: {  	v2 =	vld [tilespmem:s30+$0x4250];
	[tilespmem:s28+$0x250] =	vst v6;
	v6 =	vmax.f32 v1, $0.0e+00  }
0x8d: {  	v1 =	vld [tilespmem:s30+$0x4260];
	[tilespmem:s28+$0x260] =	vst v6;
	v6 =	vmax.f32 v0, $0.0e+00  }
0x8e: {  	v0 =	vld [tilespmem:s30+$0x4270];
	[tilespmem:s28+$0x270] =	vst v6;
	s28 =	smov.u32 s30  }
0x8f: {  	v6 =	vld [tilespmem:s28+$0x200]  }
0x90: {  	v11 =	vld [tilespmem:s28+$0x210]  }
.Ltmp1:
0x91: {  	v10 =	vld [tilespmem:s28+$0x220];
	(pc) =	sbr.rel @p0 .LBB2_5-.Ltmp1, $4  }
0x92: {  	v9 =	vld [tilespmem:s28+$0x230]  }
0x93: {  	v8 =	vld [tilespmem:s28+$0x240]  }
0x94: {  	v12 =	vadd.f32 v13, v6;
	v7 =	vld [tilespmem:s28+$0x250]  }
0x95: {  	s29 =	sadd.s32 $0x200, s29;
	v11 =	vadd.f32 v14, v11;
	v6 =	vld [tilespmem:s28+$0x260]  }
0x96: {  	v12 =	vmax.f32 v12, $0.0e+00;
	v5 =	vadd.f32 v5, v10;
	v63 =	vld [tilespmem:s28+$0x270]  }
0x97: {  	[tilespmem:s28+$0x200] =	vst v12;
	v11 =	vmax.f32 v11, $0.0e+00;
	v4 =	vadd.f32 v4, v9  }
0x98: {  	[tilespmem:s28+$0x210] =	vst v11;
	v5 =	vmax.f32 v5, $0.0e+00;
	v3 =	vadd.f32 v3, v8  }
0x99: {  	s26 =	sadd.s32 $0x1, s26;
	[tilespmem:s28+$0x220] =	vst v5;
	v4 =	vmax.f32 v4, $0.0e+00;
	v2 =	vadd.f32 v2, v7  }
0x9a: {  	p0 =	sne.s32 s26, $0x28;
	[tilespmem:s28+$0x230] =	vst v4;
	v3 =	vmax.f32 v3, $0.0e+00;
	v1 =	vadd.f32 v1, v6  }
.Ltmp2:
0x9b: {  	[tilespmem:s28+$0x240] =	vst v3;
	v2 =	vmax.f32 v2, $0.0e+00;
	v0 =	vadd.f32 v0, v63;
	(pc) =	sbr.rel @p0 .LBB2_2-.Ltmp2, $4  }
0x9c: {  	[tilespmem:s28+$0x250] =	vst v2;
	v1 =	vmax.f32 v1, $0.0e+00  }
0x9d: {  	[tilespmem:s28+$0x260] =	vst v1;
	v0 =	vmax.f32 v0, $0.0e+00  }
0x9e: {  	[tilespmem:s28+$0x270] =	vst v0  }
0x9f: {  	[spmem:s3] =	stream.indirect.scatter.add.f32 [tilespmem:s20], [sflag:$0x2], $0x80, s22, s18, $0xb8;
	[tilespmem:$0x1BE00] =	vst v63  }
0xa0: {  	_ =	swait.ge [sflag:s24], $0x4000  }
0xa1: {  	s25 =	sadd.s32 $0x1, s25;
	[sflag:s24] =	ssyncset.done $0x0  }
0xa2: {  	p0 =	sne.s32 s25, s15;
	[sflag:s24] =	ssyncadd.s32 $0xFFFFC000  }
.Ltmp3:
0xa3: {  	[bflag:$0x0] =	sbarrier.arrive $0xFFFF;
	(pc) =	sbr.rel @p0 .LBB2_1-.Ltmp3, $4  }
0xa4: {  	[hbm:s14], [sflag:s9] =	dma.local [spmem:s16], $0x2780  }
0xa5: {  	_ =	swait.ge [sflag:s17], $0x2780  }
0xa6: {  	[sflag:s17] =	ssyncset.done $0x0  }
0xa7: {  	[sflag:s17] =	ssyncadd.s32 $0xFFFFD880  }
0xa8: {  	_ =	sfence.sel $0x180000  }
0xa9: {  	[bflag:$0x0] =	sbarrier.arrive $0xFFFF  }
0xaa: {  	p0 =	sne.s32 s2, $0x0;
	_ =	strace $0x9000004D  }
0xab: {  	s0 =	sadd.s32 @!p0 $0x100000, s0;
	[bflag:$0x2] =	sbarrier.arrive $0xFFFF  }
0xac: {  	[sflag:s0] =	ssyncadd.tile.s32 @!p0 $0x1;
	_ =	shalt  }
.Lfunc_end2:
_tile_overlayer_lowered:
.L_overlay_start_2:
0xad: {  	(tag) =	ssettag $0x2  }
0xae: {  	s0 =	rddreg [dreg:$0x0];
	s2 =	stileid.u32  }
0xaf: {  	s1 =	rddreg [dreg:$0x1];
	p0 =	sne.s32 s2, $0x0  }
0xb0: {  	s3 =	rddreg [dreg:$0x2];
	[bflag:$0x3] =	sbarrier.arrive $0xFFFF;
	s2 =	simm.s32 @!p0 $0x1C03  }
0xb1: {  	[timem:s3], [sflag:s2] =	dma.local @!p0 [hbm:s0], s1  }
0xb2: {  	s0 =	simm.s32 @!p0 $0x3  }
0xb3: {  	_ =	swait.ge @!p0 [sflag:s0], s1  }
0xb4: {  	s1 =	ssub.s32 @!p0 $0x0, s1;
	[sflag:s0] =	ssyncset.done @!p0 $0x0  }
0xb5: {  	[sflag:s0] =	ssyncadd.s32 @!p0 s1  }
0xb6: {  	[bflag:$0x3] =	sbarrier.arrive $0xFFFF  }
0xb7: {  	_ =	shalt  }

// kernel: kernel.8.cloned.1.call-start
scs
__scs_entry_jumppad:
0x0: {  	(pc) =	sbr.rel $0x88, $3  }
0x1: {  	(tag) =	ssettag $0x0;
	lr =	simm.s32 $0x1  }
0x2: {  	[smem:$0x3F87] =	sst lr;
	_ =	strace $0xD0000000  }
0x3: {  	_ = 	snop  }
0x4: {  	_ = 	snop  }
0x5: {  	_ = 	snop  }
0x6: {  	_ = 	snop  }
0x7: {  	_ = 	snop  }
__scs_overlays_trampoline_lowered:
0x8: {  	[smem:$0x3F96] =	sst s0  }
0x9: {  	[smem:$0x3F97] =	sst s1  }
0xa: {  	[smem:$0x3F98] =	sst s2  }
0xb: {  	[smem:$0x3F99] =	sst s3  }
0xc: {  	[smem:$0x3F9A] =	sst s4  }
0xd: {  	[smem:$0x3F9B] =	sst s5  }
0xe: {  	[smem:$0x3F9C] =	sst s6  }
0xf: {  	[smem:$0x3F9D] =	sst s7  }
0x10: {  	[smem:$0x3F9E] =	sst s8  }
0x11: {  	[smem:$0x3F9F] =	sst s9;
	s0 =	simm.s32 @!p0 $0x0  }
0x12: {  	s1 =	sld [smem:$0x3F85];
	s0 =	simm.s32 @p0 $0x1  }
0x13: {  	[smem:$0x3FA0] =	sst s0;
	s0 =	simm.s32 @!p1 $0x0  }
0x14: {  	s2 =	sld [smem:$0x3F84];
	s0 =	simm.s32 @p1 $0x1  }
0x15: {  	[smem:$0x3FA1] =	sst s0;
	s0 =	simm.s32 @!p2 $0x0  }
0x16: {  	s3 =	sld [smem:$0x3FDB];
	s0 =	simm.s32 @p2 $0x1  }
0x17: {  	s4 =	simm.s32 $0x1BF5;
	[smem:$0x3FA3] =	sst s0  }
0x18: {  	s0 =	sld [smem:$0x3F86];
	_ =	swait.ge [sflag:s4], $0x0  }
0x19: {  	s7 =	sld [smem:$0x3F87]  }
0x1a: {  	s8 =	sadd.s32 $0xFFFFE003, lr  }
0x1b: {  	s9 =	sadd.s32 $0xFFFFFEF7, lr;
	s5 =	simm.s32 $0xFFFFFFFF;
	p2 =	slt.u32 s8, $0xFFFFF086  }
0x1c: {  	p1 =	slt.u32 s9, $0xF7A;
	s5 =	simm.s32 @!p2 $0x0  }
0x1d: {  	s5 =	simm.s32 @p1 $0x1;
	p0 =	seq.s32 s7, s2  }
0x1e: {  	s7 =	smul.u32 @!p0 $0xF7A, s2;
	p2 =	seq.s32 @!p0 s5, $0x0  }
0x1f: {  	s9 =	smul.u32 $0xF7A, s1;
	s8 =	simm.s32 @!p0 $0x1BF5;
	p2 =	por !p2, p0  }
0x20: {  	[sflag:s8] =	ssyncset.s32 @!p0 $0xFFFFF086;
	s6 =	sadd.s32 @!p0 s3, s7;
	s7 =	simm.s32 @!p0 $0x108  }
0x21: {  	s3 =	sadd.s32 s3, s9;
	s6 =	sadd.s32 @!p0 $0x88, s6;
	s7 =	simm.s32 @p2 $0x1082  }
0x22: {  	[simem:s7], [sflag:s8] =	dma.local @!p0 [hbm:s6], $0xF7A  }
0x23: {  	s9 =	sor.u32 $0xD0000000, s2;
	s6 =	simm.s32 $0x108;
	_ =	swait.ge @!p0 [sflag:s8], $0x0  }
0x24: {  	s3 =	sadd.s32 $0x88, s3;
	s6 =	simm.s32 @!p1 $0x1082;
	[sflag:s4] =	ssyncset.s32 $0xFFFFF086  }
0x25: {  	[simem:s6], [sflag:s4] =	dma.local [hbm:s3], $0xF7A  }
0x26: {  	[smem:$0x3F87] =	sst s1;
	(tag) =	ssettag s2;
	_ =	strace s9  }
0x27: {  	s1 =	sld [smem:$0x3F97]  }
0x28: {  	s2 =	sld [smem:$0x3F98]  }
0x29: {  	s4 =	sld [smem:$0x3F9A]  }
0x2a: {  	p0 =	seq.s32 s5, $0x0;
	s5 =	sld [smem:$0x3F9B]  }
0x2b: {  	s6 =	sld [smem:$0x3F9C]  }
0x2c: {  	s7 =	sld [smem:$0x3F9D]  }
0x2d: {  	s3 =	simm.s32 $0x108;
	s8 =	sld [smem:$0x3F9E]  }
0x2e: {  	s3 =	simm.s32 @!p0 $0x1082;
	s9 =	sld [smem:$0x3F9F]  }
0x2f: {  	lr =	sadd.s32 s0, s3;
	s0 =	sld [smem:$0x3F96]  }
0x30: {  	s3 =	sld [smem:$0x3F99]  }
0x31: {  	[smem:$0x3FA2] =	sst s10  }
0x32: {  	s10 =	sld [smem:$0x3FA0];
	_ =	sdelay $0x3  }
0x33: {  	p0 =	seq.s32 s10, $0x1;
	s10 =	sld [smem:$0x3FA2];
	_ =	sdelay $0x3  }
0x34: {  	[smem:$0x3FA2] =	sst s10  }
0x35: {  	s10 =	sld [smem:$0x3FA1];
	_ =	sdelay $0x3  }
0x36: {  	p1 =	seq.s32 s10, $0x1;
	s10 =	sld [smem:$0x3FA2];
	_ =	sdelay $0x3  }
0x37: {  	[smem:$0x3FA2] =	sst s10  }
0x38: {  	s10 =	sld [smem:$0x3FA3]  }
0x39: {  	_ = 	snop;
	(pc) =	sbr.ind lr, $3  }
0x3a: {  	_ = 	snop  }
0x3b: {  	_ = 	snop  }
0x3c: {  	p2 =	seq.s32 s10, $0x1;
	s10 =	sld [smem:$0x3FA2]  }
0x3d: {  	_ =	shalt  }
0x3e: {  	_ =	shalt  }
0x3f: {  	_ =	shalt  }
0x40: {  	_ =	shalt  }
0x41: {  	_ =	shalt  }
0x42: {  	_ =	shalt  }
0x43: {  	_ =	shalt  }
0x44: {  	_ =	shalt  }
0x45: {  	_ =	shalt  }
0x46: {  	_ =	shalt  }
0x47: {  	_ =	shalt  }
0x48: {  	_ =	shalt  }
0x49: {  	_ =	shalt  }
0x4a: {  	_ =	shalt  }
0x4b: {  	_ =	shalt  }
0x4c: {  	_ =	shalt  }
0x4d: {  	_ =	shalt  }
0x4e: {  	_ =	shalt  }
0x4f: {  	_ =	shalt  }
0x50: {  	_ =	shalt  }
0x51: {  	_ =	shalt  }
0x52: {  	_ =	shalt  }
0x53: {  	_ =	shalt  }
0x54: {  	_ =	shalt  }
0x55: {  	_ =	shalt  }
0x56: {  	_ =	shalt  }
0x57: {  	_ =	shalt  }
0x58: {  	_ =	shalt  }
0x59: {  	_ =	shalt  }
0x5a: {  	_ =	shalt  }
0x5b: {  	_ =	shalt  }
0x5c: {  	_ =	shalt  }
0x5d: {  	_ =	shalt  }
0x5e: {  	_ =	shalt  }
0x5f: {  	_ =	shalt  }
0x60: {  	_ =	shalt  }
0x61: {  	_ =	shalt  }
0x62: {  	_ =	shalt  }
0x63: {  	_ =	shalt  }
0x64: {  	_ =	shalt  }
0x65: {  	_ =	shalt  }
0x66: {  	_ =	shalt  }
0x67: {  	_ =	shalt  }
0x68: {  	_ =	shalt  }
0x69: {  	_ =	shalt  }
0x6a: {  	_ =	shalt  }
0x6b: {  	_ =	shalt  }
0x6c: {  	_ =	shalt  }
0x6d: {  	_ =	shalt  }
0x6e: {  	_ =	shalt  }
0x6f: {  	_ =	shalt  }
0x70: {  	_ =	shalt  }
0x71: {  	_ =	shalt  }
0x72: {  	_ =	shalt  }
0x73: {  	_ =	shalt  }
0x74: {  	_ =	shalt  }
0x75: {  	_ =	shalt  }
0x76: {  	_ =	shalt  }
0x77: {  	_ =	shalt  }
0x78: {  	_ =	shalt  }
0x79: {  	_ =	shalt  }
0x7a: {  	_ =	shalt  }
0x7b: {  	_ =	shalt  }
0x7c: {  	_ =	shalt  }
0x7d: {  	_ =	shalt  }
0x7e: {  	_ =	shalt  }
0x7f: {  	_ =	shalt  }
0x80: {  	_ =	shalt  }
0x81: {  	_ =	shalt  }
0x82: {  	_ =	shalt  }
0x83: {  	_ =	shalt  }
0x84: {  	_ =	shalt  }
0x85: {  	_ =	shalt  }
0x86: {  	_ =	shalt  }
0x87: {  	_ =	shalt  }
.Lfunc_end0:
.L_simem_size_0:
called_computation_lowered:
.L_overlay_start_0:
0x88: {  	s2 =	sld [smem:$0x3FD9]  }
0x89: {  	s3 =	sld [smem:$0x3FFE];
	_ =	sdelay $0x1  }
0x8a: {  	s1 =	srdreg.scid  }
0x8b: {  	s0 =	sand.u32 $0x1, s1  }
0x8c: {  	s17 =	sshll.u32 s0, $0xA;
	s2 =	sadd.s32 s3, s2  }
0x8d: {  	s2 =	sadd.s32 s2, s17  }
0x8e: {  	[smem:$0x3FAE] =	sst s2  }
0x8f: {  	_ = 	snop  }
0x90: {  	(tm) =	ssettm $0x1  }
0x91: {  	s18 =	sld [smem:$0x3FFB];
	_ =	sdelay $0x3  }
0x92: {  	_ =	strace s18  }
0x93: {  	s2 =	sld [smem:$0x3FFC];
	_ =	sdelay $0x3  }
0x94: {  	_ =	strace s2  }
0x95: {  	s2 =	sld [smem:$0x3FFD];
	_ =	sdelay $0x3  }
0x96: {  	_ =	strace s2  }
0x97: {  	_ =	strace $0x8FFFFFFF  }
0x98: {  	s19 =	sld [smem:$0x3FDB];
	_ =	sdelay $0x1  }
0x99: {  	s20 =	simm.s32 $_scs_section_size  }
0x9a: {  	s4 =	simm.s32 $_size__tile_overlayer_lowered;
	s5 =	simm.s32 $_tile_overlayer_lowered  }
0x9b: {  	s6 =	simm.s32 $0x1BFF;
	s21 =	sshll.u32 s5, $0x1;
	s3 =	sadd.s32 s20, s19  }
0x9c: {  	s22 =	simm.s32 $0x0;
	s4 =	sshll.u32 s4, $0x1;
	s5 =	sadd.s32 s21, s3  }
0x9d: {  	[timem:s22], [sflag:s6] =	dma.local [hbm:s5], s4  }
0x9e: {  	_ =	swait.ge [sflag:s6], s4  }
0x9f: {  	s4 =	ssub.s32 $0x0, s4;
	[sflag:s6] =	ssyncset.done $0x0  }
0xa0: {  	[sflag:s6] =	ssyncadd.s32 s4;
	_ =	sdelay $0x1  }
0xa1: {  	s23 =	simm.s32 $0x1B8B  }
0xa2: {  	_ =	swait.ge [sflag:s23], $0x1  }
0xa3: {  	[sflag:s23] =	ssyncset.done $0x0  }
0xa4: {  	[sflag:s23] =	ssyncadd.s32 $0xFFFFFFFF  }
0xa5: {  	s4 =	sld [smem:$0x0]  }
0xa6: {  	s5 =	sand.u32 $0xFFFFFFFE, s1  }
0xa7: {  	p0 =	sne.s32 s1, s5  }
0xa8: {  	s5 =	sshll.u32 @p0 s5, $0xE  }
0xa9: {  	s5 =	sadd.s32 @p0 $0x11B8D, s5;
	s6 =	sshll.u32 @p0 s4, $0x11  }
0xaa: {  	s5 =	sor.u32 @p0 s6, s5  }
0xab: {  	[sflag:s5] =	ssyncadd.remote.s32 @p0 $0x1;
	_ =	sdelay $0x1  }
0xac: {  	s5 =	simm.s32 @p0 $0x1B8D  }
0xad: {  	_ =	swait.eq @p0 [sflag:s5], $0x1  }
0xae: {  	[sflag:s5] =	ssyncadd.s32 @p0 $0xFFFFFFFF  }
0xaf: {  	s6 =	sshll.u32 @!p0 s1, $0xE  }
0xb0: {  	s6 =	sor.u32 @!p0 $0x4000, s6;
	s5 =	simm.s32 @!p0 $0x1B8D  }
0xb1: {  	s4 =	sshll.u32 @!p0 s4, $0x11;
	s6 =	sadd.s32 @!p0 $0x11B8D, s6;
	_ =	swait.eq @!p0 [sflag:s5], $0x1  }
0xb2: {  	s4 =	sor.u32 @!p0 s4, s6;
	[sflag:s5] =	ssyncadd.s32 @!p0 $0xFFFFFFFF  }
0xb3: {  	s25 =	simm.s32 $0x1B8E;
	s24 =	sld [smem:$0x3FFE];
	[sflag:s4] =	ssyncadd.remote.s32 @!p0 $0x1  }
0xb4: {  	s26 =	simm.s32 $execute0_lowered;
	[smem:$0x3FD2] =	sst s25  }
0xb5: {  	s5 =	sshll.u32 s26, $0x1;
	_ =	strace $0x80000049;
	[dreg:$0x1] =	wrdreg $0xFFFFFFFF  }
0xb6: {  	s28 =	simm.s32 $_size_execute0_lowered;
	s3 =	sadd.s32 s3, s5;
	[dreg:$0x0] =	wrdreg $0x0  }
0xb7: {  	s5 =	sshll.u32 s28, $0x1;
	[dreg:$0x2] =	wrdreg s3  }
0xb8: {  	[dreg:$0x3] =	wrdreg s5  }
0xb9: {  	[dreg:$0x4] =	wrdreg $0xC0  }
0xba: {  	_ =	task [dreg:s22], $0x5FFFF  }
0xbb: {  	[dreg:$0x1] =	wrdreg $0xFFFFFFFF  }
0xbc: {  	[dreg:$0x0] =	wrdreg $0x60  }
0xbd: {  	[dreg:$0x2] =	wrdreg s24  }
0xbe: {  	[dreg:$0x3] =	wrdreg $0x41000  }
0xbf: {  	[dreg:$0x4] =	wrdreg $0x9  }
0xc0: {  	_ =	task.clear_ibuf [dreg:s22], $0x5FFFF;
	_ =	strace $0x90000049  }
0xc1: {  	s29 =	simm.s32 $0x9;
	_ =	strace $0x8000004B  }
0xc2: {  	_ =	swait.ge [sflag:s29], $0x1  }
0xc3: {  	[sflag:s29] =	ssyncadd.s32 $0xFFFFFFFF  }
0xc4: {  	_ =	strace $0x9000004B  }
0xc5: {  	_ =	sfence  }
0xc6: {  	s30 =	sld [smem:$0x0];
	_ =	sdelay $0x2  }
0xc7: {  	s31 =	sshll.u32 s1, $0xD;
	s1 =	sshrl.u32 s1, $0x2  }
0xc8: {  	s4 =	sand.u32 $0x4000, s31;
	s1 =	sadd.s32 s1, s30  }
0xc9: {  	s0 =	sor.u32 s4, s0;
	s1 =	sshll.u32 s1, $0x11  }
0xca: {  	s0 =	sor.u32 s1, s0  }
0xcb: {  	s0 =	sadd.s32 $0x8F2B, s0  }
0xcc: {  	[sflag:s0] =	ssyncadd.remote.s32 $0x1  }
0xcd: {  	_ =	sfence.sel $0xFFFF  }
0xce: {  	[dreg:$0x0] =	wrdreg $0xFFFFFFFF;
	(pc) =	sbr.abs _section_cstart, $3  }
0xcf: {  	[dreg:$0x1] =	wrdreg $0xFFFFFFFF  }
0xd0: {  	_ =	task.clear_ibuf [dreg:s22], $0x2FFFF;
	_ =	strace $0x9FFFFFFF  }
0xd1: {  	(tm) =	ssettm $0x7FFFFFFF  }
tec
execute0_lowered:
.L_overlay_start_1:
0x0: {  	(tag) =	ssettag $0x1  }
0x1: {  	s5 =	rddreg [dreg:$0x0]  }
0x2: {  	s2 =	rddreg [dreg:$0x1]  }
0x3: {  	s0 =	rddreg [dreg:$0x2]  }
0x4: {  	s1 =	stileid.u32;
	s4 =	srdreg.scid  }
0x5: {  	s3 =	simm.s32 $0x0;
	s18 =	simm.s32 $0x1;
	s6 =	smul.u32 $0x13C00, s1  }
0x6: {  	s19 =	simm.s32 $0x0;
	s7 =	sand.u32 $0x1, s4;
	s22 =	smul.u32 $0x4F000, s1  }
0x7: {  	[smem:$0x7FF] =	sst s3;
	s13 =	sadd.s32 $0x53800, s5;
	s16 =	smul.u32 $0x2800, s1  }
0x8: {  	s4 =	sadd.s32 $0xD4000, s5;
	s26 =	sshll.u32 s1, $0x6;
	s8 =	smul.u32 $0x13C000, s7  }
0x9: {  	_ =	strace $0x8000004A;
	s10 =	sshll.u32 s7, $0x4;
	s23 =	ssub.s32 $0x2, s7  }
0xa: {  	s15 =	smul.u32 $0x28000, s7;
	s21 =	sshrl.u32 s6, $0x3;
	s24 =	sor.u32 s1, s10  }
0xb: {  	s25 =	sshrl.u32 s23, $0x1;
	s9 =	sadd.s32 s21, s5;
	s6 =	sadd.s32 s6, s8  }
0xc: {  	s8 =	sshrl.u32 s22, $0x2;
	s12 =	smul.u32 $0x2800, s24;
	s10 =	ssub.s32 s23, s25  }
0xd: {  	s30 =	sadd.s32 s16, s15;
	s16 =	simm.s32 $0x100;
	s6 =	sshrl.u32 s6, $0x3  }
0xe: {  	s14 =	sadd.s32 s8, s2;
	s15 =	sor.u32 $0x200, s30;
	s11 =	sadd.s32 s6, s5  }
0xf: {  	s5 =	sadd.s32 $0x5D800, s9;
	s28 =	sshrl.u32 s12, $0x3;
	s6 =	sor.u32 $0x1C02, s26  }
0x10: {  	s17 =	sor.u32 $0x80, s12;
	s12 =	sor.u32 $0x100, s12;
	s9 =	smax.u32 s10, $0x1  }
.Ltmp0:
0x11: {  	s15 =	sshrl.u32 s15, $0x3;
	s14 =	sshrl.u32 s14, $0x3;
	(pc) =	sbr.rel .LBB2_1-.Ltmp0, $4  }
0x12: {  	s7 =	sadd.s32 s13, s28;
	s8 =	sadd.s32 $0xD4800, s11;
	s29 =	sshrl.u32 s17, $0x3  }
0x13: {  	s11 =	sor.u32 $0x180, s30;
	s12 =	sshrl.u32 s12, $0x3;
	s17 =	simm.s32 $0x80  }
0x14: {  	s10 =	sadd.s32 s13, s29;
	s31 =	sshrl.u32 s11, $0x3;
	s11 =	sadd.s32 s13, s12  }
0x15: {  	s12 =	sadd.s32 s15, s13;
	s15 =	simm.s32 $0x2;
	s13 =	sadd.s32 s31, s13  }
.LBB2_4:
0x16: {  	[spmem:s2] =	stream.indirect.scatter.add.f32 [tilespmem:s16], [sflag:$0x1], $0x80, s17, s17, $0xb8;
	[tilespmem:$0x17D00] =	vst v63  }
0x17: {  	_ =	swait.ge [sflag:s18], $0x4000  }
0x18: {  	s19 =	sadd.s32 $0x1, s19;
	[sflag:s18] =	ssyncset.done $0x0  }
0x19: {  	p0 =	sne.s32 s19, s9;
	[sflag:s18] =	ssyncadd.s32 $0xFFFFC000  }
.Ltmp1:
0x1a: {  	[bflag:$0x0] =	sbarrier.arrive $0xFFFF;
	(pc) =	sbr.rel @!p0 .LBB2_5-.Ltmp1, $4  }
0x1b: {  	[hbm:s8], [sflag:s6] =	dma.local [spmem:s14], $0x2780  }
0x1c: {  	_ =	swait.ge [sflag:s15], $0x2780  }
0x1d: {  	[sflag:s15] =	ssyncset.done $0x0  }
0x1e: {  	[sflag:s15] =	ssyncadd.s32 $0xFFFFD880  }
.LBB2_1:
0x1f: {  	[spmem:s14], [sflag:s6] =	dma.local [hbm:s5], $0x2780  }
0x20: {  	_ =	swait.ge [sflag:s15], $0x2780  }
0x21: {  	[sflag:s15] =	ssyncset.done $0x0  }
0x22: {  	[sflag:s15] =	ssyncadd.s32 $0xFFFFD880  }
0x23: {  	[tilespmem:s16], [sflag:$0x2] =	stream.linear.gather [hbm4b:s4+s3], $0x4000, $0x38;
	[tilespmem:$0x17D00] =	vst v63  }
0x24: {  	_ =	swait.ge [sflag:s15], $0x4000  }
0x25: {  	[sflag:s15] =	ssyncset.done $0x0  }
0x26: {  	[sflag:s15] =	ssyncadd.s32 $0xFFFFC000  }
0x27: {  	[bflag:$0x0] =	sbarrier.arrive $0xFFFF  }
0x28: {  	[tilespmem:s3], [sflag:$0x2] =	stream.linear.gather [hbm4b:s7+s3], $0x80, $0x38;
	[tilespmem:$0x17D00] =	vst v63  }
0x29: {  	_ =	swait.ge [sflag:s15], $0x80  }
0x2a: {  	[sflag:s15] =	ssyncset.done $0x0  }
0x2b: {  	[sflag:s15] =	ssyncadd.s32 $0xFFFFFF80  }
0x2c: {  	[tilespmem:s17], [sflag:$0x2] =	stream.linear.gather [hbm4b:s10+s3], $0x80, $0x38;
	[tilespmem:$0x17D00] =	vst v63  }
0x2d: {  	_ =	swait.ge [sflag:s15], $0x80  }
0x2e: {  	[sflag:s15] =	ssyncset.done $0x0  }
0x2f: {  	[sflag:s15] =	ssyncadd.s32 $0xFFFFFF80  }
0x30: {  	[spmem:s2] =	stream.indirect.scatter.add.f32 [tilespmem:s16], [sflag:$0x1], $0x80, s3, s17, $0xb8;
	[tilespmem:$0x17D00] =	vst v63  }
0x31: {  	_ =	swait.ge [sflag:s18], $0x4000  }
0x32: {  	[sflag:s18] =	ssyncset.done $0x0  }
0x33: {  	[sflag:s18] =	ssyncadd.s32 $0xFFFFC000  }
0x34: {  	[tilespmem:s3], [sflag:$0x2] =	stream.linear.gather [hbm4b:s11+s3], $0x80, $0x38;
	[tilespmem:$0x17D00] =	vst v63  }
0x35: {  	_ =	swait.ge [sflag:s15], $0x80  }
0x36: {  	[sflag:s15] =	ssyncset.done $0x0  }
0x37: {  	s20 =	simm.s32 $0x0;
	[sflag:s15] =	ssyncadd.s32 $0xFFFFFF80  }
0x38: {  	[spmem:s2] =	stream.indirect.scatter.add.f32 [tilespmem:s16], [sflag:$0x1], $0x80, s17, s17, $0xb8;
	[tilespmem:$0x17D00] =	vst v63  }
.LBB2_2:
0x39: {  	_ =	swait.ge [sflag:s18], $0x4000  }
0x3a: {  	[sflag:s18] =	ssyncset.done $0x0  }
0x3b: {  	s21 =	sadd.s32 s20, s13;
	[sflag:s18] =	ssyncadd.s32 $0xFFFFC000  }
0x3c: {  	[tilespmem:s17], [sflag:$0x2] =	stream.linear.gather [hbm4b:s21+s3], $0x80, $0x38;
	[tilespmem:$0x17D00] =	vst v63  }
0x3d: {  	_ =	swait.ge [sflag:s15], $0x80  }
0x3e: {  	p0 =	seq.s32 s20, $0x4C0;
	[sflag:s15] =	ssyncset.done $0x0  }
.Ltmp2:
0x3f: {  	[sflag:s15] =	ssyncadd.s32 $0xFFFFFF80;
	(pc) =	sbr.rel @p0 .LBB2_4-.Ltmp2, $4  }
0x40: {  	[spmem:s2] =	stream.indirect.scatter.add.f32 [tilespmem:s16], [sflag:$0x1], $0x80, s3, s17, $0xb8;
	[tilespmem:$0x17D00] =	vst v63  }
0x41: {  	_ =	swait.ge [sflag:s18], $0x4000  }
0x42: {  	[sflag:s18] =	ssyncset.done $0x0  }
0x43: {  	[sflag:s18] =	ssyncadd.s32 $0xFFFFC000  }
0x44: {  	s21 =	sadd.s32 s20, s12  }
0x45: {  	[tilespmem:s3], [sflag:$0x2] =	stream.linear.gather [hbm4b:s21+s3], $0x80, $0x38;
	[tilespmem:$0x17D00] =	vst v63  }
.Ltmp3:
0x46: {  	_ = 	snop;
	(pc) =	sbr.rel .LBB2_2-.Ltmp3, $4  }
0x47: {  	_ =	swait.ge [sflag:s15], $0x80  }
0x48: {  	[sflag:s15] =	ssyncset.done $0x0  }
0x49: {  	s20 =	sadd.s32 $0x20, s20;
	[sflag:s15] =	ssyncadd.s32 $0xFFFFFF80  }
0x4a: {  	[spmem:s2] =	stream.indirect.scatter.add.f32 [tilespmem:s16], [sflag:$0x1], $0x80, s17, s17, $0xb8;
	[tilespmem:$0x17D00] =	vst v63  }
.LBB2_5:
0x4b: {  	_ =	sfence.sel $0x180000  }
0x4c: {  	[bflag:$0x0] =	sbarrier.arrive $0xFFFF  }
0x4d: {  	p0 =	sne.s32 s1, $0x0;
	_ =	strace $0x9000004A  }
0x4e: {  	s0 =	sadd.s32 @!p0 $0x100000, s0;
	[bflag:$0x2] =	sbarrier.arrive $0xFFFF  }
0x4f: {  	[sflag:s0] =	ssyncadd.tile.s32 @!p0 $0x1;
	_ =	shalt  }
.Lfunc_end2:
_tile_overlayer_lowered:
.L_overlay_start_2:
0x50: {  	(tag) =	ssettag $0x2  }
0x51: {  	s0 =	rddreg [dreg:$0x0];
	s2 =	stileid.u32  }
0x52: {  	s1 =	rddreg [dreg:$0x1];
	p0 =	sne.s32 s2, $0x0  }
0x53: {  	s3 =	rddreg [dreg:$0x2];
	[bflag:$0x3] =	sbarrier.arrive $0xFFFF;
	s2 =	simm.s32 @!p0 $0x1C02  }
0x54: {  	[timem:s3], [sflag:s2] =	dma.local @!p0 [hbm:s0], s1  }
0x55: {  	s0 =	simm.s32 @!p0 $0x2  }
0x56: {  	_ =	swait.ge @!p0 [sflag:s0], s1  }
0x57: {  	s1 =	ssub.s32 @!p0 $0x0, s1;
	[sflag:s0] =	ssyncset.done @!p0 $0x0  }
0x58: {  	[sflag:s0] =	ssyncadd.s32 @!p0 s1  }
0x59: {  	[bflag:$0x3] =	sbarrier.arrive $0xFFFF  }
0x5a: {  	_ =	shalt  }

</sc_bundles>
